<compile_context>
chip_gen: v7x
topology: tpu7x:2x2x1
jax: 0.10.2.dev20260603
libtpu: 0.0.44.dev20260713+nightly
codegen_flags: <defaults>
</compile_context>

<pallas_src>
import functools

import jax
import jax.numpy as jnp
from jax import lax
from jax.experimental import pallas as pl
from jax.experimental.pallas import tpu as pltpu
from jax.experimental.pallas import tpu_sc as plsc

_NC = 2
_NS = 16
_BLK = 1000


def _dot_t(a, b):
    return lax.dot_general(a, b, (((1,), (1,)), ((), ())),
                           preferred_element_type=jnp.float32)


def _mlp_tc(x, w1, b1, w2, b2):
    n, din = x.shape
    hid = w1.shape[0]
    dout = w2.shape[0]

    def body(x_ref, w1_ref, b1_ref, w2_ref, b2_ref, o_ref):
        h = jnp.maximum(_dot_t(x_ref[...], w1_ref[...]) + b1_ref[...], 0.0)
        o_ref[...] = jnp.maximum(_dot_t(h, w2_ref[...]) + b2_ref[...], 0.0)

    return pl.pallas_call(
        body,
        grid=(n // _BLK,),
        in_specs=[
            pl.BlockSpec((_BLK, din), lambda i: (i, 0)),
            pl.BlockSpec((hid, din), lambda i: (0, 0)),
            pl.BlockSpec((1, hid), lambda i: (0, 0)),
            pl.BlockSpec((dout, hid), lambda i: (0, 0)),
            pl.BlockSpec((1, dout), lambda i: (0, 0)),
        ],
        out_specs=pl.BlockSpec((_BLK, dout), lambda i: (i, 0)),
        out_shape=jax.ShapeDtypeStruct((n, dout), jnp.float32),
    )(x, w1, b1, w2, b2)


def _update_tc(p0, p1, x, w1a, w1b, b1, w2, b2):
    n, d = x.shape
    hid = w1a.shape[0]
    dout = w2.shape[0]

    def body(p0_ref, p1_ref, x_ref, w1a_ref, w1b_ref, b1_ref, w2_ref,
             b2_ref, o_ref):
        aggr = p0_ref[...] + p1_ref[...]
        h = (_dot_t(aggr, w1a_ref[...]) + _dot_t(x_ref[...], w1b_ref[...])
             + b1_ref[...])
        h = jnp.maximum(h, 0.0)
        o_ref[...] = jnp.maximum(_dot_t(h, w2_ref[...]) + b2_ref[...], 0.0)

    return pl.pallas_call(
        body,
        grid=(n // _BLK,),
        in_specs=[
            pl.BlockSpec((_BLK, d), lambda i: (i, 0)),
            pl.BlockSpec((_BLK, d), lambda i: (i, 0)),
            pl.BlockSpec((_BLK, d), lambda i: (i, 0)),
            pl.BlockSpec((hid, d), lambda i: (0, 0)),
            pl.BlockSpec((hid, d), lambda i: (0, 0)),
            pl.BlockSpec((1, hid), lambda i: (0, 0)),
            pl.BlockSpec((dout, hid), lambda i: (0, 0)),
            pl.BlockSpec((1, dout), lambda i: (0, 0)),
        ],
        out_specs=pl.BlockSpec((_BLK, dout), lambda i: (i, 0)),
        out_shape=jax.ShapeDtypeStruct((n, dout), jnp.float32),
    )(p0, p1, x, w1a, w1b, b1, w2, b2)


def _edge_aggregate(msg, src, dst, zeros, n_pad):
    n, d = msg.shape
    nw, n_chunks, chunk = dst.shape
    per_w = n_chunks * chunk
    rows_per_s = n_pad // _NS

    mesh = plsc.VectorSubcoreMesh(core_axis_name="c", subcore_axis_name="s",
                                  num_cores=_NC, num_subcores=_NS)

    @functools.partial(
        pl.kernel,
        mesh=mesh,
        out_type=[jax.ShapeDtypeStruct((n_pad, d), jnp.float32),
                  jax.ShapeDtypeStruct((n_pad, d), jnp.float32)],
        scratch_types=[
            pltpu.VMEM((n_chunks * chunk,), jnp.int32),
            pltpu.VMEM((3, chunk), jnp.int32),
            pltpu.VMEM((chunk, d), jnp.float32),
            pltpu.VMEM((chunk, d), jnp.float32),
            pltpu.VMEM((chunk, d), jnp.float32),
            pltpu.VMEM_SHARED((n_pad, d), jnp.float32),
            pltpu.SemaphoreType.DMA,
            (pltpu.SemaphoreType.DMA,) * 3,
            (pltpu.SemaphoreType.DMA,) * 3,
            (pltpu.SemaphoreType.DMA,) * 3,
        ],
    )
    def body(msg_hbm, src_flat_hbm, dst_hbm, zero_hbm, out0_hbm, out1_hbm,
             sidx, didx, rows0, rows1, rows2, acc, isem, idsem, gsem, ssem):
        c = lax.axis_index("c")
        s = lax.axis_index("s")
        wid = s * _NC + c
        r0 = s * rows_per_s
        rows = (rows0, rows1, rows2)
        icp = pltpu.async_copy(src_flat_hbm.at[pl.ds(wid * per_w, per_w)],
                               sidx, isem)
        pltpu.sync_copy(zero_hbm.at[pl.ds(r0, rows_per_s)],
                        acc.at[pl.ds(r0, rows_per_s)])
        icp.wait()
        plsc.subcore_barrier()

        def didx_load(g, b):
            pltpu.async_copy(dst_hbm.at[wid, g], didx.at[b], idsem[b])

        def didx_wait(g, b):
            pltpu.make_async_copy(dst_hbm.at[wid, g], didx.at[b],
                                  idsem[b]).wait()

        def gather(g, b):
            pltpu.async_copy(msg_hbm.at[sidx.at[pl.ds(g * chunk, chunk)]],
                             rows[b], gsem[b])

        def gather_wait(g, b):
            pltpu.make_async_copy(msg_hbm.at[sidx.at[pl.ds(g * chunk, chunk)]],
                                  rows[b], gsem[b]).wait()

        def scatter(g, b):
            pltpu.async_copy(rows[b], acc.at[didx.at[b]], ssem[b], add=True)

        def scatter_wait(b):
            pltpu.make_async_copy(rows[b], acc.at[didx.at[b]], ssem[b]).wait()

        def stage(g, b, bn):
            gather_wait(g, b)
            didx_wait(g, b)
            scatter(g, b)

            @pl.when(g + 2 < n_chunks)
            def _():
                scatter_wait(bn)
                didx_load(g + 2, bn)
                gather(g + 2, bn)

        didx_load(0, 0)
        didx_load(1, 1)
        gather(0, 0)
        gather(1, 1)
        gather_wait(0, 0)
        didx_wait(0, 0)
        scatter(0, 0)
        didx_load(2, 2)
        gather(2, 2)
        stage(1, 1, 0)

        def triple(j, carry):
            for k in (0, 1, 2):
                g = 2 + 3 * j + k
                stage(g, (2 + k) % 3, (4 + k) % 3)
            return carry

        lax.fori_loop(0, (n_chunks - 2) // 3, triple, 0)
        for g in range(n_chunks - (n_chunks - 2) % 3, n_chunks):
            stage(g, g % 3, (g + 2) % 3)
        scatter_wait((n_chunks - 3) % 3)
        scatter_wait((n_chunks - 2) % 3)
        scatter_wait((n_chunks - 1) % 3)
        plsc.subcore_barrier()

        @pl.when(c == 0)
        def _():
            pltpu.sync_copy(acc.at[pl.ds(r0, rows_per_s)],
                            out0_hbm.at[pl.ds(r0, rows_per_s)])

        @pl.when(c == 1)
        def _():
            pltpu.sync_copy(acc.at[pl.ds(r0, rows_per_s)],
                            out1_hbm.at[pl.ds(r0, rows_per_s)])

    return body(msg, src, dst, zeros)


def kernel(x, edge_index, params):
    n, d = x.shape
    nw = _NC * _NS
    e = edge_index.shape[1]
    chunk = 80
    src = edge_index[0].astype(jnp.int32)
    dst = edge_index[1].astype(jnp.int32).reshape(nw, e // (nw * chunk), chunk)
    n_pad = ((n + 8 * _NS - 1) // (8 * _NS)) * (8 * _NS)
    zeros = jnp.zeros((n_pad, d), jnp.float32)

    for p in params:
        m, u = p['mlp'], p['update']
        msg = _mlp_tc(x, m['W1'], m['b1'].reshape(1, -1),
                      m['W2'], m['b2'].reshape(1, -1))
        p0, p1 = _edge_aggregate(msg, src, dst, zeros, n_pad)
        x = _update_tc(p0, p1, x,
                       u['W1'][:, :d], u['W1'][:, d:],
                       u['b1'].reshape(1, -1), u['W2'],
                       u['b2'].reshape(1, -1))
    return x

# --- scband reference (transcript-rebuilt; emitter-appended) ---
"""Pipeline reference for scband-net-24515673326105 (READ-ONLY COPY).

The authoritative reference and input builder live on the scoring server;
editing this copy changes nothing except your own understanding.
"""

import jax, jax.numpy as jnp
import numpy as np

N = 10000
E = 320000
D = 128
H = 16


def _init_mlp(key, in_dim, out_dim, hid):
    k1, k2 = jax.random.split(key, 2)
    return {
        'W1': jax.random.normal(k1, (hid, in_dim), dtype=jnp.float32) / np.sqrt(in_dim),
        'b1': jnp.zeros((hid,), dtype=jnp.float32),
        'W2': jax.random.normal(k2, (out_dim, hid), dtype=jnp.float32) / np.sqrt(hid),
        'b2': jnp.zeros((out_dim,), dtype=jnp.float32),
    }


def setup_inputs(seed: int = 0) -> dict:
    key = jax.random.key(seed)
    kx, ke, kp = jax.random.split(key, 3)
    x = jax.random.normal(kx, (N, D), dtype=jnp.float32)
    edge_index = jax.random.randint(ke, (2, E), 0, N, dtype=jnp.int64 if jax.config.jax_enable_x64 else jnp.int32)
    params = []
    for i in range(3):
        k = jax.random.fold_in(kp, i)
        km, ku = jax.random.split(k, 2)
        params.append({
            'mlp': _init_mlp(km, D, D, H),
            'update': _init_mlp(ku, 2 * D, D, H),
        })
    return {'x': x, 'edge_index': edge_index, 'params': params}


def _mlp(p, x):
    h = jax.nn.relu(x @ p['W1'].T + p['b1'])
    return jax.nn.relu(h @ p['W2'].T + p['b2'])


def _msg_pass_layer(p, x, src, dst, n_nodes):
    # message: MLP applied to source-node features (gather)
    msg = _mlp(p['mlp'], x[src])
    # aggregate: scatter-add over destination nodes
    aggr = jax.ops.segment_sum(msg, dst, num_segments=n_nodes)
    # update: concat(aggr_out, x) -> MLP
    new_embedding = _mlp(p['update'], jnp.concatenate([aggr, x], axis=1))
    return new_embedding


def reference(x, edge_index, params):
    src = edge_index[0]
    dst = edge_index[1]
    n_nodes = x.shape[0]
    x = _msg_pass_layer(params[0], x, src, dst, n_nodes)
    x = jax.nn.relu(x)
    x = _msg_pass_layer(params[1], x, src, dst, n_nodes)
    x = jax.nn.relu(x)
    x = _msg_pass_layer(params[2], x, src, dst, n_nodes)
    return jax.nn.relu(x)

if __name__ == "__main__":
    import jax
    _d = setup_inputs()
    print(jax.jit(kernel)(*tuple(_d.values())))

</pallas_src>

<mosaic_0001>
#map = affine_map<(d0, d1) -> (0, 0)>
#map1 = affine_map<(d0, d1) -> (0)>
#map2 = affine_map<(d0, d1) -> (0, 0, 0)>
module attributes {stable_mosaic.version = 14 : i64} {
  func.func @body(%arg0: i32, %arg1: i32, %arg2: memref<10000x128xf32, #tpu.memory_space<hbm>>, %arg3: memref<320000xi32, #tpu.memory_space<hbm>>, %arg4: memref<32x125x80xi32, #tpu.memory_space<hbm>>, %arg5: memref<10112x128xf32, #tpu.memory_space<hbm>>, %arg6: memref<10112x128xf32, #tpu.memory_space<hbm>>, %arg7: memref<10112x128xf32, #tpu.memory_space<hbm>>, %arg8: memref<10000xi32, #tpu.memory_space<vmem>>, %arg9: memref<3x80xi32, #tpu.memory_space<vmem>>, %arg10: memref<80x128xf32, #tpu.memory_space<vmem>>, %arg11: memref<80x128xf32, #tpu.memory_space<vmem>>, %arg12: memref<80x128xf32, #tpu.memory_space<vmem>>, %arg13: memref<10112x128xf32, #tpu.memory_space<vmem_shared>>, %arg14: memref<!tpu.dma_semaphore, #tpu.memory_space<semaphore_mem>>, %arg15: memref<!tpu.dma_semaphore, #tpu.memory_space<semaphore_mem>>, %arg16: memref<!tpu.dma_semaphore, #tpu.memory_space<semaphore_mem>>, %arg17: memref<!tpu.dma_semaphore, #tpu.memory_space<semaphore_mem>>, %arg18: memref<!tpu.dma_semaphore, #tpu.memory_space<semaphore_mem>>, %arg19: memref<!tpu.dma_semaphore, #tpu.memory_space<semaphore_mem>>, %arg20: memref<!tpu.dma_semaphore, #tpu.memory_space<semaphore_mem>>, %arg21: memref<!tpu.dma_semaphore, #tpu.memory_space<semaphore_mem>>, %arg22: memref<!tpu.dma_semaphore, #tpu.memory_space<semaphore_mem>>, %arg23: memref<!tpu.dma_semaphore, #tpu.memory_space<semaphore_mem>>) attributes {dimension_semantics = [#tpu.dimension_semantics<core_parallel>, #tpu.dimension_semantics<subcore_parallel>], iteration_bounds = array<i64: 2, 16>, scalar_prefetch = 0 : i64, scratch_operands = 16 : i64, tpu.core_type = #tpu.core_type<sc_vector_subcore>, window_params = [{transform_indices = #map}, {transform_indices = #map1}, {transform_indices = #map2}, {transform_indices = #map}, {transform_indices = #map}, {transform_indices = #map}]} {
    %mul3A = arith.constant 2 : i32
    %mul3A_0 = arith.muli %arg1, %mul3A : i32
    %add3A = arith.addi %mul3A_0, %arg0 : i32
    %mul3A_1 = arith.constant 632 : i32
    %mul3A_2 = arith.muli %arg1, %mul3A_1 : i32
    %mul3A_3 = arith.constant 10000 : i32
    %mul3A_4 = arith.muli %add3A, %mul3A_3 : i32
    %dma_start3A = tpu.memref_slice %arg3[%mul3A_4] : memref<320000xi32, #tpu.memory_space<hbm>> -> memref<10000xi32, #tpu.memory_space<hbm>>
    %dma_start3A_5 = tpu.memref_slice %arg3[%mul3A_4] : memref<320000xi32, #tpu.memory_space<hbm>> -> memref<10000xi32, #tpu.memory_space<hbm>>
    tpu.enqueue_dma source(%dma_start3A_5 : memref<10000xi32, #tpu.memory_space<hbm>>) target(%arg8 : memref<10000xi32, #tpu.memory_space<vmem>>) target_semaphore(%arg14 : memref<!tpu.dma_semaphore, #tpu.memory_space<semaphore_mem>>)
    "tpu.region"() ({
      %run_scoped3A = tpu.sem_alloc : memref<!tpu.dma_semaphore, #tpu.memory_space<semaphore_mem>>
      %dma_start3A_176 = arith.constant 0 : i32
      %dma_start3A_177 = tpu.memref_slice %arg13[%mul3A_2, %dma_start3A_176] : memref<10112x128xf32, #tpu.memory_space<vmem_shared>> -> memref<632x128xf32, #tpu.memory_space<vmem_shared>>
      %dma_start3A_178 = arith.constant 0 : i32
      %dma_start3A_179 = tpu.memref_slice %arg5[%mul3A_2, %dma_start3A_178] : memref<10112x128xf32, #tpu.memory_space<hbm>> -> memref<632x128xf32, #tpu.memory_space<hbm>>
      tpu.enqueue_dma source(%dma_start3A_179 : memref<632x128xf32, #tpu.memory_space<hbm>>) target(%dma_start3A_177 : memref<632x128xf32, #tpu.memory_space<vmem_shared>>) target_semaphore(%run_scoped3A : memref<!tpu.dma_semaphore, #tpu.memory_space<semaphore_mem>>)
      %dma_wait3A_180 = arith.constant 0 : i32
      %dma_wait3A_181 = tpu.memref_slice %arg13[%mul3A_2, %dma_wait3A_180] : memref<10112x128xf32, #tpu.memory_space<vmem_shared>> -> memref<632x128xf32, #tpu.memory_space<vmem_shared>>
      %dma_wait3A_182 = arith.constant 0 : i32
      %dma_wait3A_183 = tpu.memref_slice %arg5[%mul3A_2, %dma_wait3A_182] : memref<10112x128xf32, #tpu.memory_space<hbm>> -> memref<632x128xf32, #tpu.memory_space<hbm>>
      tpu.wait_dma2 semaphore(%run_scoped3A : memref<!tpu.dma_semaphore, #tpu.memory_space<semaphore_mem>>) src(%dma_wait3A_183 : memref<632x128xf32, #tpu.memory_space<hbm>>) dst(%dma_wait3A_181 : memref<632x128xf32, #tpu.memory_space<vmem_shared>>)
      tpu.yield
    }) : () -> ()
    %dma_wait3A = tpu.memref_slice %arg3[%mul3A_4] : memref<320000xi32, #tpu.memory_space<hbm>> -> memref<10000xi32, #tpu.memory_space<hbm>>
    %dma_wait3A_6 = tpu.memref_slice %arg3[%mul3A_4] : memref<320000xi32, #tpu.memory_space<hbm>> -> memref<10000xi32, #tpu.memory_space<hbm>>
    tpu.wait_dma2 semaphore(%arg14 : memref<!tpu.dma_semaphore, #tpu.memory_space<semaphore_mem>>) src(%dma_wait3A_6 : memref<10000xi32, #tpu.memory_space<hbm>>) dst(%arg8 : memref<10000xi32, #tpu.memory_space<vmem>>)
    %barrier3A = arith.constant 0 : index
    tpu.barrier barrier_id(%barrier3A)
    %dma_start3A_7 = arith.constant 0 : i32
    %dma_start3A_8 = arith.constant 0 : i32
    %dma_start3A_9 = arith.constant 0 : i32
    %dma_start3A_10 = tpu.memref_slice %arg9[%dma_start3A_8, %dma_start3A_9] : memref<3x80xi32, #tpu.memory_space<vmem>> -> memref<1x80xi32, #tpu.memory_space<vmem>>
    %dma_start3A_11 = tpu.memref_squeeze %dma_start3A_10 : memref<1x80xi32, #tpu.memory_space<vmem>> -> memref<80xi32, #tpu.memory_space<vmem>>
    %dma_start3A_12 = arith.constant 0 : i32
    %dma_start3A_13 = tpu.memref_slice %arg4[%add3A, %dma_start3A_7, %dma_start3A_12] : memref<32x125x80xi32, #tpu.memory_space<hbm>> -> memref<1x1x80xi32, #tpu.memory_space<hbm>>
    %dma_start3A_14 = tpu.memref_squeeze %dma_start3A_13 : memref<1x1x80xi32, #tpu.memory_space<hbm>> -> memref<80xi32, #tpu.memory_space<hbm>>
    %dma_start3A_15 = arith.constant 0 : i32
    %dma_start3A_16 = tpu.memref_slice %arg9[%dma_start3A_8, %dma_start3A_15] : memref<3x80xi32, #tpu.memory_space<vmem>> -> memref<1x80xi32, #tpu.memory_space<vmem>>
    %dma_start3A_17 = tpu.memref_squeeze %dma_start3A_16 : memref<1x80xi32, #tpu.memory_space<vmem>> -> memref<80xi32, #tpu.memory_space<vmem>>
    %dma_start3A_18 = arith.constant 0 : i32
    %dma_start3A_19 = tpu.memref_slice %arg4[%add3A, %dma_start3A_7, %dma_start3A_18] : memref<32x125x80xi32, #tpu.memory_space<hbm>> -> memref<1x1x80xi32, #tpu.memory_space<hbm>>
    %dma_start3A_20 = tpu.memref_squeeze %dma_start3A_19 : memref<1x1x80xi32, #tpu.memory_space<hbm>> -> memref<80xi32, #tpu.memory_space<hbm>>
    tpu.enqueue_dma source(%dma_start3A_20 : memref<80xi32, #tpu.memory_space<hbm>>) target(%dma_start3A_17 : memref<80xi32, #tpu.memory_space<vmem>>) target_semaphore(%arg15 : memref<!tpu.dma_semaphore, #tpu.memory_space<semaphore_mem>>)
    %dma_start3A_21 = arith.constant 1 : i32
    %dma_start3A_22 = arith.constant 1 : i32
    %dma_start3A_23 = arith.constant 0 : i32
    %dma_start3A_24 = tpu.memref_slice %arg9[%dma_start3A_22, %dma_start3A_23] : memref<3x80xi32, #tpu.memory_space<vmem>> -> memref<1x80xi32, #tpu.memory_space<vmem>>
    %dma_start3A_25 = tpu.memref_squeeze %dma_start3A_24 : memref<1x80xi32, #tpu.memory_space<vmem>> -> memref<80xi32, #tpu.memory_space<vmem>>
    %dma_start3A_26 = arith.constant 0 : i32
    %dma_start3A_27 = tpu.memref_slice %arg4[%add3A, %dma_start3A_21, %dma_start3A_26] : memref<32x125x80xi32, #tpu.memory_space<hbm>> -> memref<1x1x80xi32, #tpu.memory_space<hbm>>
    %dma_start3A_28 = tpu.memref_squeeze %dma_start3A_27 : memref<1x1x80xi32, #tpu.memory_space<hbm>> -> memref<80xi32, #tpu.memory_space<hbm>>
    %dma_start3A_29 = arith.constant 0 : i32
    %dma_start3A_30 = tpu.memref_slice %arg9[%dma_start3A_22, %dma_start3A_29] : memref<3x80xi32, #tpu.memory_space<vmem>> -> memref<1x80xi32, #tpu.memory_space<vmem>>
    %dma_start3A_31 = tpu.memref_squeeze %dma_start3A_30 : memref<1x80xi32, #tpu.memory_space<vmem>> -> memref<80xi32, #tpu.memory_space<vmem>>
    %dma_start3A_32 = arith.constant 0 : i32
    %dma_start3A_33 = tpu.memref_slice %arg4[%add3A, %dma_start3A_21, %dma_start3A_32] : memref<32x125x80xi32, #tpu.memory_space<hbm>> -> memref<1x1x80xi32, #tpu.memory_space<hbm>>
    %dma_start3A_34 = tpu.memref_squeeze %dma_start3A_33 : memref<1x1x80xi32, #tpu.memory_space<hbm>> -> memref<80xi32, #tpu.memory_space<hbm>>
    tpu.enqueue_dma source(%dma_start3A_34 : memref<80xi32, #tpu.memory_space<hbm>>) target(%dma_start3A_31 : memref<80xi32, #tpu.memory_space<vmem>>) target_semaphore(%arg16 : memref<!tpu.dma_semaphore, #tpu.memory_space<semaphore_mem>>)
    %dma_start3A_35 = arith.constant 0 : i32
    %dma_start3A_36 = tpu.memref_slice %arg8[%dma_start3A_35] : memref<10000xi32, #tpu.memory_space<vmem>> -> memref<80xi32, #tpu.memory_space<vmem>>
    %dma_start3A_37 = arith.constant 0 : i32
    %dma_start3A_38 = arith.constant 0 : i32
    %dma_start3A_39 = tpu.memref_slice %arg2[%dma_start3A_37, %dma_start3A_38] : memref<10000x128xf32, #tpu.memory_space<hbm>> -> memref<10000x128xf32, #tpu.memory_space<hbm>>
    tpu.enqueue_indirect_dma source(%dma_start3A_39 : memref<10000x128xf32, #tpu.memory_space<hbm>>) target(%arg10 : memref<80x128xf32, #tpu.memory_space<vmem>>) offsets(%dma_start3A_36 : memref<80xi32, #tpu.memory_space<vmem>>) semaphore(%arg18 : memref<!tpu.dma_semaphore, #tpu.memory_space<semaphore_mem>>)
    %dma_start3A_40 = arith.constant 80 : i32
    %dma_start3A_41 = tpu.memref_slice %arg8[%dma_start3A_40] : memref<10000xi32, #tpu.memory_space<vmem>> -> memref<80xi32, #tpu.memory_space<vmem>>
    %dma_start3A_42 = arith.constant 0 : i32
    %dma_start3A_43 = arith.constant 0 : i32
    %dma_start3A_44 = tpu.memref_slice %arg2[%dma_start3A_42, %dma_start3A_43] : memref<10000x128xf32, #tpu.memory_space<hbm>> -> memref<10000x128xf32, #tpu.memory_space<hbm>>
    tpu.enqueue_indirect_dma source(%dma_start3A_44 : memref<10000x128xf32, #tpu.memory_space<hbm>>) target(%arg11 : memref<80x128xf32, #tpu.memory_space<vmem>>) offsets(%dma_start3A_41 : memref<80xi32, #tpu.memory_space<vmem>>) semaphore(%arg19 : memref<!tpu.dma_semaphore, #tpu.memory_space<semaphore_mem>>)
    %dma_wait3A_45 = arith.constant 0 : i32
    %dma_wait3A_46 = tpu.memref_slice %arg8[%dma_wait3A_45] : memref<10000xi32, #tpu.memory_space<vmem>> -> memref<80xi32, #tpu.memory_space<vmem>>
    %dma_wait3A_47 = arith.constant 0 : i32
    %dma_wait3A_48 = arith.constant 0 : i32
    %dma_wait3A_49 = tpu.memref_slice %arg2[%dma_wait3A_47, %dma_wait3A_48] : memref<10000x128xf32, #tpu.memory_space<hbm>> -> memref<10000x128xf32, #tpu.memory_space<hbm>>
    tpu.wait_indirect_dma semaphore(%arg18 : memref<!tpu.dma_semaphore, #tpu.memory_space<semaphore_mem>>) src(%dma_wait3A_49 : memref<10000x128xf32, #tpu.memory_space<hbm>>) dst(%arg10 : memref<80x128xf32, #tpu.memory_space<vmem>>)
    %dma_wait3A_50 = arith.constant 0 : i32
    %dma_wait3A_51 = arith.constant 0 : i32
    %dma_wait3A_52 = arith.constant 0 : i32
    %dma_wait3A_53 = tpu.memref_slice %arg9[%dma_wait3A_51, %dma_wait3A_52] : memref<3x80xi32, #tpu.memory_space<vmem>> -> memref<1x80xi32, #tpu.memory_space<vmem>>
    %dma_wait3A_54 = tpu.memref_squeeze %dma_wait3A_53 : memref<1x80xi32, #tpu.memory_space<vmem>> -> memref<80xi32, #tpu.memory_space<vmem>>
    %dma_wait3A_55 = arith.constant 0 : i32
    %dma_wait3A_56 = tpu.memref_slice %arg4[%add3A, %dma_wait3A_50, %dma_wait3A_55] : memref<32x125x80xi32, #tpu.memory_space<hbm>> -> memref<1x1x80xi32, #tpu.memory_space<hbm>>
    %dma_wait3A_57 = tpu.memref_squeeze %dma_wait3A_56 : memref<1x1x80xi32, #tpu.memory_space<hbm>> -> memref<80xi32, #tpu.memory_space<hbm>>
    %dma_wait3A_58 = arith.constant 0 : i32
    %dma_wait3A_59 = tpu.memref_slice %arg9[%dma_wait3A_51, %dma_wait3A_58] : memref<3x80xi32, #tpu.memory_space<vmem>> -> memref<1x80xi32, #tpu.memory_space<vmem>>
    %dma_wait3A_60 = tpu.memref_squeeze %dma_wait3A_59 : memref<1x80xi32, #tpu.memory_space<vmem>> -> memref<80xi32, #tpu.memory_space<vmem>>
    %dma_wait3A_61 = arith.constant 0 : i32
    %dma_wait3A_62 = tpu.memref_slice %arg4[%add3A, %dma_wait3A_50, %dma_wait3A_61] : memref<32x125x80xi32, #tpu.memory_space<hbm>> -> memref<1x1x80xi32, #tpu.memory_space<hbm>>
    %dma_wait3A_63 = tpu.memref_squeeze %dma_wait3A_62 : memref<1x1x80xi32, #tpu.memory_space<hbm>> -> memref<80xi32, #tpu.memory_space<hbm>>
    tpu.wait_dma2 semaphore(%arg15 : memref<!tpu.dma_semaphore, #tpu.memory_space<semaphore_mem>>) src(%dma_wait3A_63 : memref<80xi32, #tpu.memory_space<hbm>>) dst(%dma_wait3A_60 : memref<80xi32, #tpu.memory_space<vmem>>)
    %dma_start3A_64 = arith.constant 0 : i32
    %dma_start3A_65 = arith.constant 0 : i32
    %dma_start3A_66 = tpu.memref_slice %arg9[%dma_start3A_64, %dma_start3A_65] : memref<3x80xi32, #tpu.memory_space<vmem>> -> memref<1x80xi32, #tpu.memory_space<vmem>>
    %dma_start3A_67 = tpu.memref_squeeze %dma_start3A_66 : memref<1x80xi32, #tpu.memory_space<vmem>> -> memref<80xi32, #tpu.memory_space<vmem>>
    %dma_start3A_68 = arith.constant 0 : i32
    %dma_start3A_69 = arith.constant 0 : i32
    %dma_start3A_70 = tpu.memref_slice %arg13[%dma_start3A_68, %dma_start3A_69] : memref<10112x128xf32, #tpu.memory_space<vmem_shared>> -> memref<10112x128xf32, #tpu.memory_space<vmem_shared>>
    tpu.enqueue_indirect_dma source(%arg10 : memref<80x128xf32, #tpu.memory_space<vmem>>) target(%dma_start3A_70 : memref<10112x128xf32, #tpu.memory_space<vmem_shared>>) offsets(%dma_start3A_67 : memref<80xi32, #tpu.memory_space<vmem>>) semaphore(%arg21 : memref<!tpu.dma_semaphore, #tpu.memory_space<semaphore_mem>>) {add = true}
    %dma_start3A_71 = arith.constant 2 : i32
    %dma_start3A_72 = arith.constant 2 : i32
    %dma_start3A_73 = arith.constant 0 : i32
    %dma_start3A_74 = tpu.memref_slice %arg9[%dma_start3A_72, %dma_start3A_73] : memref<3x80xi32, #tpu.memory_space<vmem>> -> memref<1x80xi32, #tpu.memory_space<vmem>>
    %dma_start3A_75 = tpu.memref_squeeze %dma_start3A_74 : memref<1x80xi32, #tpu.memory_space<vmem>> -> memref<80xi32, #tpu.memory_space<vmem>>
    %dma_start3A_76 = arith.constant 0 : i32
    %dma_start3A_77 = tpu.memref_slice %arg4[%add3A, %dma_start3A_71, %dma_start3A_76] : memref<32x125x80xi32, #tpu.memory_space<hbm>> -> memref<1x1x80xi32, #tpu.memory_space<hbm>>
    %dma_start3A_78 = tpu.memref_squeeze %dma_start3A_77 : memref<1x1x80xi32, #tpu.memory_space<hbm>> -> memref<80xi32, #tpu.memory_space<hbm>>
    %dma_start3A_79 = arith.constant 0 : i32
    %dma_start3A_80 = tpu.memref_slice %arg9[%dma_start3A_72, %dma_start3A_79] : memref<3x80xi32, #tpu.memory_space<vmem>> -> memref<1x80xi32, #tpu.memory_space<vmem>>
    %dma_start3A_81 = tpu.memref_squeeze %dma_start3A_80 : memref<1x80xi32, #tpu.memory_space<vmem>> -> memref<80xi32, #tpu.memory_space<vmem>>
    %dma_start3A_82 = arith.constant 0 : i32
    %dma_start3A_83 = tpu.memref_slice %arg4[%add3A, %dma_start3A_71, %dma_start3A_82] : memref<32x125x80xi32, #tpu.memory_space<hbm>> -> memref<1x1x80xi32, #tpu.memory_space<hbm>>
    %dma_start3A_84 = tpu.memref_squeeze %dma_start3A_83 : memref<1x1x80xi32, #tpu.memory_space<hbm>> -> memref<80xi32, #tpu.memory_space<hbm>>
    tpu.enqueue_dma source(%dma_start3A_84 : memref<80xi32, #tpu.memory_space<hbm>>) target(%dma_start3A_81 : memref<80xi32, #tpu.memory_space<vmem>>) target_semaphore(%arg17 : memref<!tpu.dma_semaphore, #tpu.memory_space<semaphore_mem>>)
    %dma_start3A_85 = arith.constant 160 : i32
    %dma_start3A_86 = tpu.memref_slice %arg8[%dma_start3A_85] : memref<10000xi32, #tpu.memory_space<vmem>> -> memref<80xi32, #tpu.memory_space<vmem>>
    %dma_start3A_87 = arith.constant 0 : i32
    %dma_start3A_88 = arith.constant 0 : i32
    %dma_start3A_89 = tpu.memref_slice %arg2[%dma_start3A_87, %dma_start3A_88] : memref<10000x128xf32, #tpu.memory_space<hbm>> -> memref<10000x128xf32, #tpu.memory_space<hbm>>
    tpu.enqueue_indirect_dma source(%dma_start3A_89 : memref<10000x128xf32, #tpu.memory_space<hbm>>) target(%arg12 : memref<80x128xf32, #tpu.memory_space<vmem>>) offsets(%dma_start3A_86 : memref<80xi32, #tpu.memory_space<vmem>>) semaphore(%arg20 : memref<!tpu.dma_semaphore, #tpu.memory_space<semaphore_mem>>)
    %dma_wait3A_90 = arith.constant 80 : i32
    %dma_wait3A_91 = tpu.memref_slice %arg8[%dma_wait3A_90] : memref<10000xi32, #tpu.memory_space<vmem>> -> memref<80xi32, #tpu.memory_space<vmem>>
    %dma_wait3A_92 = arith.constant 0 : i32
    %dma_wait3A_93 = arith.constant 0 : i32
    %dma_wait3A_94 = tpu.memref_slice %arg2[%dma_wait3A_92, %dma_wait3A_93] : memref<10000x128xf32, #tpu.memory_space<hbm>> -> memref<10000x128xf32, #tpu.memory_space<hbm>>
    tpu.wait_indirect_dma semaphore(%arg19 : memref<!tpu.dma_semaphore, #tpu.memory_space<semaphore_mem>>) src(%dma_wait3A_94 : memref<10000x128xf32, #tpu.memory_space<hbm>>) dst(%arg11 : memref<80x128xf32, #tpu.memory_space<vmem>>)
    %dma_wait3A_95 = arith.constant 1 : i32
    %dma_wait3A_96 = arith.constant 1 : i32
    %dma_wait3A_97 = arith.constant 0 : i32
    %dma_wait3A_98 = tpu.memref_slice %arg9[%dma_wait3A_96, %dma_wait3A_97] : memref<3x80xi32, #tpu.memory_space<vmem>> -> memref<1x80xi32, #tpu.memory_space<vmem>>
    %dma_wait3A_99 = tpu.memref_squeeze %dma_wait3A_98 : memref<1x80xi32, #tpu.memory_space<vmem>> -> memref<80xi32, #tpu.memory_space<vmem>>
    %dma_wait3A_100 = arith.constant 0 : i32
    %dma_wait3A_101 = tpu.memref_slice %arg4[%add3A, %dma_wait3A_95, %dma_wait3A_100] : memref<32x125x80xi32, #tpu.memory_space<hbm>> -> memref<1x1x80xi32, #tpu.memory_space<hbm>>
    %dma_wait3A_102 = tpu.memref_squeeze %dma_wait3A_101 : memref<1x1x80xi32, #tpu.memory_space<hbm>> -> memref<80xi32, #tpu.memory_space<hbm>>
    %dma_wait3A_103 = arith.constant 0 : i32
    %dma_wait3A_104 = tpu.memref_slice %arg9[%dma_wait3A_96, %dma_wait3A_103] : memref<3x80xi32, #tpu.memory_space<vmem>> -> memref<1x80xi32, #tpu.memory_space<vmem>>
    %dma_wait3A_105 = tpu.memref_squeeze %dma_wait3A_104 : memref<1x80xi32, #tpu.memory_space<vmem>> -> memref<80xi32, #tpu.memory_space<vmem>>
    %dma_wait3A_106 = arith.constant 0 : i32
    %dma_wait3A_107 = tpu.memref_slice %arg4[%add3A, %dma_wait3A_95, %dma_wait3A_106] : memref<32x125x80xi32, #tpu.memory_space<hbm>> -> memref<1x1x80xi32, #tpu.memory_space<hbm>>
    %dma_wait3A_108 = tpu.memref_squeeze %dma_wait3A_107 : memref<1x1x80xi32, #tpu.memory_space<hbm>> -> memref<80xi32, #tpu.memory_space<hbm>>
    tpu.wait_dma2 semaphore(%arg16 : memref<!tpu.dma_semaphore, #tpu.memory_space<semaphore_mem>>) src(%dma_wait3A_108 : memref<80xi32, #tpu.memory_space<hbm>>) dst(%dma_wait3A_105 : memref<80xi32, #tpu.memory_space<vmem>>)
    %dma_start3A_109 = arith.constant 1 : i32
    %dma_start3A_110 = arith.constant 0 : i32
    %dma_start3A_111 = tpu.memref_slice %arg9[%dma_start3A_109, %dma_start3A_110] : memref<3x80xi32, #tpu.memory_space<vmem>> -> memref<1x80xi32, #tpu.memory_space<vmem>>
    %dma_start3A_112 = tpu.memref_squeeze %dma_start3A_111 : memref<1x80xi32, #tpu.memory_space<vmem>> -> memref<80xi32, #tpu.memory_space<vmem>>
    %dma_start3A_113 = arith.constant 0 : i32
    %dma_start3A_114 = arith.constant 0 : i32
    %dma_start3A_115 = tpu.memref_slice %arg13[%dma_start3A_113, %dma_start3A_114] : memref<10112x128xf32, #tpu.memory_space<vmem_shared>> -> memref<10112x128xf32, #tpu.memory_space<vmem_shared>>
    tpu.enqueue_indirect_dma source(%arg11 : memref<80x128xf32, #tpu.memory_space<vmem>>) target(%dma_start3A_115 : memref<10112x128xf32, #tpu.memory_space<vmem_shared>>) offsets(%dma_start3A_112 : memref<80xi32, #tpu.memory_space<vmem>>) semaphore(%arg22 : memref<!tpu.dma_semaphore, #tpu.memory_space<semaphore_mem>>) {add = true}
    %dma_wait3A_116 = arith.constant 0 : i32
    %dma_wait3A_117 = arith.constant 0 : i32
    %dma_wait3A_118 = tpu.memref_slice %arg9[%dma_wait3A_116, %dma_wait3A_117] : memref<3x80xi32, #tpu.memory_space<vmem>> -> memref<1x80xi32, #tpu.memory_space<vmem>>
    %dma_wait3A_119 = tpu.memref_squeeze %dma_wait3A_118 : memref<1x80xi32, #tpu.memory_space<vmem>> -> memref<80xi32, #tpu.memory_space<vmem>>
    %dma_wait3A_120 = arith.constant 0 : i32
    %dma_wait3A_121 = arith.constant 0 : i32
    %dma_wait3A_122 = tpu.memref_slice %arg13[%dma_wait3A_120, %dma_wait3A_121] : memref<10112x128xf32, #tpu.memory_space<vmem_shared>> -> memref<10112x128xf32, #tpu.memory_space<vmem_shared>>
    tpu.wait_indirect_dma semaphore(%arg21 : memref<!tpu.dma_semaphore, #tpu.memory_space<semaphore_mem>>) src(%arg10 : memref<80x128xf32, #tpu.memory_space<vmem>>) dst(%dma_wait3A_122 : memref<10112x128xf32, #tpu.memory_space<vmem_shared>>)
    %dma_start3A_123 = arith.constant 3 : i32
    %dma_start3A_124 = arith.constant 0 : i32
    %dma_start3A_125 = arith.constant 0 : i32
    %dma_start3A_126 = tpu.memref_slice %arg9[%dma_start3A_124, %dma_start3A_125] : memref<3x80xi32, #tpu.memory_space<vmem>> -> memref<1x80xi32, #tpu.memory_space<vmem>>
    %dma_start3A_127 = tpu.memref_squeeze %dma_start3A_126 : memref<1x80xi32, #tpu.memory_space<vmem>> -> memref<80xi32, #tpu.memory_space<vmem>>
    %dma_start3A_128 = arith.constant 0 : i32
    %dma_start3A_129 = tpu.memref_slice %arg4[%add3A, %dma_start3A_123, %dma_start3A_128] : memref<32x125x80xi32, #tpu.memory_space<hbm>> -> memref<1x1x80xi32, #tpu.memory_space<hbm>>
    %dma_start3A_130 = tpu.memref_squeeze %dma_start3A_129 : memref<1x1x80xi32, #tpu.memory_space<hbm>> -> memref<80xi32, #tpu.memory_space<hbm>>
    %dma_start3A_131 = arith.constant 0 : i32
    %dma_start3A_132 = tpu.memref_slice %arg9[%dma_start3A_124, %dma_start3A_131] : memref<3x80xi32, #tpu.memory_space<vmem>> -> memref<1x80xi32, #tpu.memory_space<vmem>>
    %dma_start3A_133 = tpu.memref_squeeze %dma_start3A_132 : memref<1x80xi32, #tpu.memory_space<vmem>> -> memref<80xi32, #tpu.memory_space<vmem>>
    %dma_start3A_134 = arith.constant 0 : i32
    %dma_start3A_135 = tpu.memref_slice %arg4[%add3A, %dma_start3A_123, %dma_start3A_134] : memref<32x125x80xi32, #tpu.memory_space<hbm>> -> memref<1x1x80xi32, #tpu.memory_space<hbm>>
    %dma_start3A_136 = tpu.memref_squeeze %dma_start3A_135 : memref<1x1x80xi32, #tpu.memory_space<hbm>> -> memref<80xi32, #tpu.memory_space<hbm>>
    tpu.enqueue_dma source(%dma_start3A_136 : memref<80xi32, #tpu.memory_space<hbm>>) target(%dma_start3A_133 : memref<80xi32, #tpu.memory_space<vmem>>) target_semaphore(%arg15 : memref<!tpu.dma_semaphore, #tpu.memory_space<semaphore_mem>>)
    %dma_start3A_137 = arith.constant 240 : i32
    %dma_start3A_138 = tpu.memref_slice %arg8[%dma_start3A_137] : memref<10000xi32, #tpu.memory_space<vmem>> -> memref<80xi32, #tpu.memory_space<vmem>>
    %dma_start3A_139 = arith.constant 0 : i32
    %dma_start3A_140 = arith.constant 0 : i32
    %dma_start3A_141 = tpu.memref_slice %arg2[%dma_start3A_139, %dma_start3A_140] : memref<10000x128xf32, #tpu.memory_space<hbm>> -> memref<10000x128xf32, #tpu.memory_space<hbm>>
    tpu.enqueue_indirect_dma source(%dma_start3A_141 : memref<10000x128xf32, #tpu.memory_space<hbm>>) target(%arg10 : memref<80x128xf32, #tpu.memory_space<vmem>>) offsets(%dma_start3A_138 : memref<80xi32, #tpu.memory_space<vmem>>) semaphore(%arg18 : memref<!tpu.dma_semaphore, #tpu.memory_space<semaphore_mem>>)
    %scan3A = arith.constant 0 : i32
    %scan3A_142 = arith.constant 0 : i32
    %scan3A_143 = arith.constant 41 : i32
    %scan3A_144 = arith.addi %scan3A_142, %scan3A_143 : i32
    %scan3A_145 = arith.constant 1 : i32
    scf.for %scan3A_176 = %scan3A_142 to %scan3A_144 step %scan3A_145  : i32 {
      %mul3A_177 = arith.constant 3 : i32
      %mul3A_178 = arith.muli %mul3A_177, %scan3A_176 : i32
      %add3A_179 = arith.constant 2 : i32
      %add3A_180 = arith.addi %add3A_179, %mul3A_178 : i32
      %add3A_181 = arith.constant 0 : i32
      %add3A_182 = arith.addi %add3A_180, %add3A_181 : i32
      %mul3A_183 = arith.constant 80 : i32
      %mul3A_184 = arith.muli %add3A_182, %mul3A_183 : i32
      %dma_wait3A_185 = tpu.memref_slice %arg8[%mul3A_184] : memref<10000xi32, #tpu.memory_space<vmem>> -> memref<80xi32, #tpu.memory_space<vmem>>
      %dma_wait3A_186 = arith.constant 0 : i32
      %dma_wait3A_187 = arith.constant 0 : i32
      %dma_wait3A_188 = tpu.memref_slice %arg2[%dma_wait3A_186, %dma_wait3A_187] : memref<10000x128xf32, #tpu.memory_space<hbm>> -> memref<10000x128xf32, #tpu.memory_space<hbm>>
      tpu.wait_indirect_dma semaphore(%arg20 : memref<!tpu.dma_semaphore, #tpu.memory_space<semaphore_mem>>) src(%dma_wait3A_188 : memref<10000x128xf32, #tpu.memory_space<hbm>>) dst(%arg12 : memref<80x128xf32, #tpu.memory_space<vmem>>)
      %dma_wait3A_189 = arith.constant 2 : i32
      %dma_wait3A_190 = arith.constant 0 : i32
      %dma_wait3A_191 = tpu.memref_slice %arg9[%dma_wait3A_189, %dma_wait3A_190] : memref<3x80xi32, #tpu.memory_space<vmem>> -> memref<1x80xi32, #tpu.memory_space<vmem>>
      %dma_wait3A_192 = tpu.memref_squeeze %dma_wait3A_191 : memref<1x80xi32, #tpu.memory_space<vmem>> -> memref<80xi32, #tpu.memory_space<vmem>>
      %dma_wait3A_193 = arith.constant 0 : i32
      %dma_wait3A_194 = tpu.memref_slice %arg4[%add3A, %add3A_182, %dma_wait3A_193] : memref<32x125x80xi32, #tpu.memory_space<hbm>> -> memref<1x1x80xi32, #tpu.memory_space<hbm>>
      %dma_wait3A_195 = tpu.memref_squeeze %dma_wait3A_194 : memref<1x1x80xi32, #tpu.memory_space<hbm>> -> memref<80xi32, #tpu.memory_space<hbm>>
      %dma_wait3A_196 = arith.constant 0 : i32
      %dma_wait3A_197 = tpu.memref_slice %arg9[%dma_wait3A_189, %dma_wait3A_196] : memref<3x80xi32, #tpu.memory_space<vmem>> -> memref<1x80xi32, #tpu.memory_space<vmem>>
      %dma_wait3A_198 = tpu.memref_squeeze %dma_wait3A_197 : memref<1x80xi32, #tpu.memory_space<vmem>> -> memref<80xi32, #tpu.memory_space<vmem>>
      %dma_wait3A_199 = arith.constant 0 : i32
      %dma_wait3A_200 = tpu.memref_slice %arg4[%add3A, %add3A_182, %dma_wait3A_199] : memref<32x125x80xi32, #tpu.memory_space<hbm>> -> memref<1x1x80xi32, #tpu.memory_space<hbm>>
      %dma_wait3A_201 = tpu.memref_squeeze %dma_wait3A_200 : memref<1x1x80xi32, #tpu.memory_space<hbm>> -> memref<80xi32, #tpu.memory_space<hbm>>
      tpu.wait_dma2 semaphore(%arg17 : memref<!tpu.dma_semaphore, #tpu.memory_space<semaphore_mem>>) src(%dma_wait3A_201 : memref<80xi32, #tpu.memory_space<hbm>>) dst(%dma_wait3A_198 : memref<80xi32, #tpu.memory_space<vmem>>)
      %dma_start3A_202 = arith.constant 2 : i32
      %dma_start3A_203 = arith.constant 0 : i32
      %dma_start3A_204 = tpu.memref_slice %arg9[%dma_start3A_202, %dma_start3A_203] : memref<3x80xi32, #tpu.memory_space<vmem>> -> memref<1x80xi32, #tpu.memory_space<vmem>>
      %dma_start3A_205 = tpu.memref_squeeze %dma_start3A_204 : memref<1x80xi32, #tpu.memory_space<vmem>> -> memref<80xi32, #tpu.memory_space<vmem>>
      %dma_start3A_206 = arith.constant 0 : i32
      %dma_start3A_207 = arith.constant 0 : i32
      %dma_start3A_208 = tpu.memref_slice %arg13[%dma_start3A_206, %dma_start3A_207] : memref<10112x128xf32, #tpu.memory_space<vmem_shared>> -> memref<10112x128xf32, #tpu.memory_space<vmem_shared>>
      tpu.enqueue_indirect_dma source(%arg12 : memref<80x128xf32, #tpu.memory_space<vmem>>) target(%dma_start3A_208 : memref<10112x128xf32, #tpu.memory_space<vmem_shared>>) offsets(%dma_start3A_205 : memref<80xi32, #tpu.memory_space<vmem>>) semaphore(%arg23 : memref<!tpu.dma_semaphore, #tpu.memory_space<semaphore_mem>>) {add = true}
      %add3A_209 = arith.constant 2 : i32
      %add3A_210 = arith.addi %add3A_182, %add3A_209 : i32
      %lt3A = arith.constant 125 : i32
      %lt3A_211 = arith.cmpi slt, %add3A_210, %lt3A : i32
      %convert_element_type3A_212 = arith.extui %lt3A_211 : i1 to i32
      %cond3A_213 = arith.constant 0 : i32
      %cond3A_214 = arith.cmpi ne, %convert_element_type3A_212, %cond3A_213 : i32
      scf.if %cond3A_214 {
        %dma_wait3A_293 = arith.constant 1 : i32
        %dma_wait3A_294 = arith.constant 0 : i32
        %dma_wait3A_295 = tpu.memref_slice %arg9[%dma_wait3A_293, %dma_wait3A_294] : memref<3x80xi32, #tpu.memory_space<vmem>> -> memref<1x80xi32, #tpu.memory_space<vmem>>
        %dma_wait3A_296 = tpu.memref_squeeze %dma_wait3A_295 : memref<1x80xi32, #tpu.memory_space<vmem>> -> memref<80xi32, #tpu.memory_space<vmem>>
        %dma_wait3A_297 = arith.constant 0 : i32
        %dma_wait3A_298 = arith.constant 0 : i32
        %dma_wait3A_299 = tpu.memref_slice %arg13[%dma_wait3A_297, %dma_wait3A_298] : memref<10112x128xf32, #tpu.memory_space<vmem_shared>> -> memref<10112x128xf32, #tpu.memory_space<vmem_shared>>
        tpu.wait_indirect_dma semaphore(%arg22 : memref<!tpu.dma_semaphore, #tpu.memory_space<semaphore_mem>>) src(%arg11 : memref<80x128xf32, #tpu.memory_space<vmem>>) dst(%dma_wait3A_299 : memref<10112x128xf32, #tpu.memory_space<vmem_shared>>)
        %add3A_300 = arith.constant 2 : i32
        %add3A_301 = arith.addi %add3A_182, %add3A_300 : i32
        %dma_start3A_302 = arith.constant 1 : i32
        %dma_start3A_303 = arith.constant 0 : i32
        %dma_start3A_304 = tpu.memref_slice %arg9[%dma_start3A_302, %dma_start3A_303] : memref<3x80xi32, #tpu.memory_space<vmem>> -> memref<1x80xi32, #tpu.memory_space<vmem>>
        %dma_start3A_305 = tpu.memref_squeeze %dma_start3A_304 : memref<1x80xi32, #tpu.memory_space<vmem>> -> memref<80xi32, #tpu.memory_space<vmem>>
        %dma_start3A_306 = arith.constant 0 : i32
        %dma_start3A_307 = tpu.memref_slice %arg4[%add3A, %add3A_301, %dma_start3A_306] : memref<32x125x80xi32, #tpu.memory_space<hbm>> -> memref<1x1x80xi32, #tpu.memory_space<hbm>>
        %dma_start3A_308 = tpu.memref_squeeze %dma_start3A_307 : memref<1x1x80xi32, #tpu.memory_space<hbm>> -> memref<80xi32, #tpu.memory_space<hbm>>
        %dma_start3A_309 = arith.constant 0 : i32
        %dma_start3A_310 = tpu.memref_slice %arg9[%dma_start3A_302, %dma_start3A_309] : memref<3x80xi32, #tpu.memory_space<vmem>> -> memref<1x80xi32, #tpu.memory_space<vmem>>
        %dma_start3A_311 = tpu.memref_squeeze %dma_start3A_310 : memref<1x80xi32, #tpu.memory_space<vmem>> -> memref<80xi32, #tpu.memory_space<vmem>>
        %dma_start3A_312 = arith.constant 0 : i32
        %dma_start3A_313 = tpu.memref_slice %arg4[%add3A, %add3A_301, %dma_start3A_312] : memref<32x125x80xi32, #tpu.memory_space<hbm>> -> memref<1x1x80xi32, #tpu.memory_space<hbm>>
        %dma_start3A_314 = tpu.memref_squeeze %dma_start3A_313 : memref<1x1x80xi32, #tpu.memory_space<hbm>> -> memref<80xi32, #tpu.memory_space<hbm>>
        tpu.enqueue_dma source(%dma_start3A_314 : memref<80xi32, #tpu.memory_space<hbm>>) target(%dma_start3A_311 : memref<80xi32, #tpu.memory_space<vmem>>) target_semaphore(%arg16 : memref<!tpu.dma_semaphore, #tpu.memory_space<semaphore_mem>>)
        %add3A_315 = arith.constant 2 : i32
        %add3A_316 = arith.addi %add3A_182, %add3A_315 : i32
        %mul3A_317 = arith.constant 80 : i32
        %mul3A_318 = arith.muli %add3A_316, %mul3A_317 : i32
        %dma_start3A_319 = tpu.memref_slice %arg8[%mul3A_318] : memref<10000xi32, #tpu.memory_space<vmem>> -> memref<80xi32, #tpu.memory_space<vmem>>
        %dma_start3A_320 = arith.constant 0 : i32
        %dma_start3A_321 = arith.constant 0 : i32
        %dma_start3A_322 = tpu.memref_slice %arg2[%dma_start3A_320, %dma_start3A_321] : memref<10000x128xf32, #tpu.memory_space<hbm>> -> memref<10000x128xf32, #tpu.memory_space<hbm>>
        tpu.enqueue_indirect_dma source(%dma_start3A_322 : memref<10000x128xf32, #tpu.memory_space<hbm>>) target(%arg11 : memref<80x128xf32, #tpu.memory_space<vmem>>) offsets(%dma_start3A_319 : memref<80xi32, #tpu.memory_space<vmem>>) semaphore(%arg19 : memref<!tpu.dma_semaphore, #tpu.memory_space<semaphore_mem>>)
      } else {
      }
      %mul3A_215 = arith.constant 3 : i32
      %mul3A_216 = arith.muli %mul3A_215, %scan3A_176 : i32
      %add3A_217 = arith.constant 2 : i32
      %add3A_218 = arith.addi %add3A_217, %mul3A_216 : i32
      %add3A_219 = arith.constant 1 : i32
      %add3A_220 = arith.addi %add3A_218, %add3A_219 : i32
      %mul3A_221 = arith.constant 80 : i32
      %mul3A_222 = arith.muli %add3A_220, %mul3A_221 : i32
      %dma_wait3A_223 = tpu.memref_slice %arg8[%mul3A_222] : memref<10000xi32, #tpu.memory_space<vmem>> -> memref<80xi32, #tpu.memory_space<vmem>>
      %dma_wait3A_224 = arith.constant 0 : i32
      %dma_wait3A_225 = arith.constant 0 : i32
      %dma_wait3A_226 = tpu.memref_slice %arg2[%dma_wait3A_224, %dma_wait3A_225] : memref<10000x128xf32, #tpu.memory_space<hbm>> -> memref<10000x128xf32, #tpu.memory_space<hbm>>
      tpu.wait_indirect_dma semaphore(%arg18 : memref<!tpu.dma_semaphore, #tpu.memory_space<semaphore_mem>>) src(%dma_wait3A_226 : memref<10000x128xf32, #tpu.memory_space<hbm>>) dst(%arg10 : memref<80x128xf32, #tpu.memory_space<vmem>>)
      %dma_wait3A_227 = arith.constant 0 : i32
      %dma_wait3A_228 = arith.constant 0 : i32
      %dma_wait3A_229 = tpu.memref_slice %arg9[%dma_wait3A_227, %dma_wait3A_228] : memref<3x80xi32, #tpu.memory_space<vmem>> -> memref<1x80xi32, #tpu.memory_space<vmem>>
      %dma_wait3A_230 = tpu.memref_squeeze %dma_wait3A_229 : memref<1x80xi32, #tpu.memory_space<vmem>> -> memref<80xi32, #tpu.memory_space<vmem>>
      %dma_wait3A_231 = arith.constant 0 : i32
      %dma_wait3A_232 = tpu.memref_slice %arg4[%add3A, %add3A_220, %dma_wait3A_231] : memref<32x125x80xi32, #tpu.memory_space<hbm>> -> memref<1x1x80xi32, #tpu.memory_space<hbm>>
      %dma_wait3A_233 = tpu.memref_squeeze %dma_wait3A_232 : memref<1x1x80xi32, #tpu.memory_space<hbm>> -> memref<80xi32, #tpu.memory_space<hbm>>
      %dma_wait3A_234 = arith.constant 0 : i32
      %dma_wait3A_235 = tpu.memref_slice %arg9[%dma_wait3A_227, %dma_wait3A_234] : memref<3x80xi32, #tpu.memory_space<vmem>> -> memref<1x80xi32, #tpu.memory_space<vmem>>
      %dma_wait3A_236 = tpu.memref_squeeze %dma_wait3A_235 : memref<1x80xi32, #tpu.memory_space<vmem>> -> memref<80xi32, #tpu.memory_space<vmem>>
      %dma_wait3A_237 = arith.constant 0 : i32
      %dma_wait3A_238 = tpu.memref_slice %arg4[%add3A, %add3A_220, %dma_wait3A_237] : memref<32x125x80xi32, #tpu.memory_space<hbm>> -> memref<1x1x80xi32, #tpu.memory_space<hbm>>
      %dma_wait3A_239 = tpu.memref_squeeze %dma_wait3A_238 : memref<1x1x80xi32, #tpu.memory_space<hbm>> -> memref<80xi32, #tpu.memory_space<hbm>>
      tpu.wait_dma2 semaphore(%arg15 : memref<!tpu.dma_semaphore, #tpu.memory_space<semaphore_mem>>) src(%dma_wait3A_239 : memref<80xi32, #tpu.memory_space<hbm>>) dst(%dma_wait3A_236 : memref<80xi32, #tpu.memory_space<vmem>>)
      %dma_start3A_240 = arith.constant 0 : i32
      %dma_start3A_241 = arith.constant 0 : i32
      %dma_start3A_242 = tpu.memref_slice %arg9[%dma_start3A_240, %dma_start3A_241] : memref<3x80xi32, #tpu.memory_space<vmem>> -> memref<1x80xi32, #tpu.memory_space<vmem>>
      %dma_start3A_243 = tpu.memref_squeeze %dma_start3A_242 : memref<1x80xi32, #tpu.memory_space<vmem>> -> memref<80xi32, #tpu.memory_space<vmem>>
      %dma_start3A_244 = arith.constant 0 : i32
      %dma_start3A_245 = arith.constant 0 : i32
      %dma_start3A_246 = tpu.memref_slice %arg13[%dma_start3A_244, %dma_start3A_245] : memref<10112x128xf32, #tpu.memory_space<vmem_shared>> -> memref<10112x128xf32, #tpu.memory_space<vmem_shared>>
      tpu.enqueue_indirect_dma source(%arg10 : memref<80x128xf32, #tpu.memory_space<vmem>>) target(%dma_start3A_246 : memref<10112x128xf32, #tpu.memory_space<vmem_shared>>) offsets(%dma_start3A_243 : memref<80xi32, #tpu.memory_space<vmem>>) semaphore(%arg21 : memref<!tpu.dma_semaphore, #tpu.memory_space<semaphore_mem>>) {add = true}
      %add3A_247 = arith.constant 2 : i32
      %add3A_248 = arith.addi %add3A_220, %add3A_247 : i32
      %lt3A_249 = arith.constant 125 : i32
      %lt3A_250 = arith.cmpi slt, %add3A_248, %lt3A_249 : i32
      %convert_element_type3A_251 = arith.extui %lt3A_250 : i1 to i32
      %cond3A_252 = arith.constant 0 : i32
      %cond3A_253 = arith.cmpi ne, %convert_element_type3A_251, %cond3A_252 : i32
      scf.if %cond3A_253 {
        %dma_wait3A_293 = arith.constant 2 : i32
        %dma_wait3A_294 = arith.constant 0 : i32
        %dma_wait3A_295 = tpu.memref_slice %arg9[%dma_wait3A_293, %dma_wait3A_294] : memref<3x80xi32, #tpu.memory_space<vmem>> -> memref<1x80xi32, #tpu.memory_space<vmem>>
        %dma_wait3A_296 = tpu.memref_squeeze %dma_wait3A_295 : memref<1x80xi32, #tpu.memory_space<vmem>> -> memref<80xi32, #tpu.memory_space<vmem>>
        %dma_wait3A_297 = arith.constant 0 : i32
        %dma_wait3A_298 = arith.constant 0 : i32
        %dma_wait3A_299 = tpu.memref_slice %arg13[%dma_wait3A_297, %dma_wait3A_298] : memref<10112x128xf32, #tpu.memory_space<vmem_shared>> -> memref<10112x128xf32, #tpu.memory_space<vmem_shared>>
        tpu.wait_indirect_dma semaphore(%arg23 : memref<!tpu.dma_semaphore, #tpu.memory_space<semaphore_mem>>) src(%arg12 : memref<80x128xf32, #tpu.memory_space<vmem>>) dst(%dma_wait3A_299 : memref<10112x128xf32, #tpu.memory_space<vmem_shared>>)
        %add3A_300 = arith.constant 2 : i32
        %add3A_301 = arith.addi %add3A_220, %add3A_300 : i32
        %dma_start3A_302 = arith.constant 2 : i32
        %dma_start3A_303 = arith.constant 0 : i32
        %dma_start3A_304 = tpu.memref_slice %arg9[%dma_start3A_302, %dma_start3A_303] : memref<3x80xi32, #tpu.memory_space<vmem>> -> memref<1x80xi32, #tpu.memory_space<vmem>>
        %dma_start3A_305 = tpu.memref_squeeze %dma_start3A_304 : memref<1x80xi32, #tpu.memory_space<vmem>> -> memref<80xi32, #tpu.memory_space<vmem>>
        %dma_start3A_306 = arith.constant 0 : i32
        %dma_start3A_307 = tpu.memref_slice %arg4[%add3A, %add3A_301, %dma_start3A_306] : memref<32x125x80xi32, #tpu.memory_space<hbm>> -> memref<1x1x80xi32, #tpu.memory_space<hbm>>
        %dma_start3A_308 = tpu.memref_squeeze %dma_start3A_307 : memref<1x1x80xi32, #tpu.memory_space<hbm>> -> memref<80xi32, #tpu.memory_space<hbm>>
        %dma_start3A_309 = arith.constant 0 : i32
        %dma_start3A_310 = tpu.memref_slice %arg9[%dma_start3A_302, %dma_start3A_309] : memref<3x80xi32, #tpu.memory_space<vmem>> -> memref<1x80xi32, #tpu.memory_space<vmem>>
        %dma_start3A_311 = tpu.memref_squeeze %dma_start3A_310 : memref<1x80xi32, #tpu.memory_space<vmem>> -> memref<80xi32, #tpu.memory_space<vmem>>
        %dma_start3A_312 = arith.constant 0 : i32
        %dma_start3A_313 = tpu.memref_slice %arg4[%add3A, %add3A_301, %dma_start3A_312] : memref<32x125x80xi32, #tpu.memory_space<hbm>> -> memref<1x1x80xi32, #tpu.memory_space<hbm>>
        %dma_start3A_314 = tpu.memref_squeeze %dma_start3A_313 : memref<1x1x80xi32, #tpu.memory_space<hbm>> -> memref<80xi32, #tpu.memory_space<hbm>>
        tpu.enqueue_dma source(%dma_start3A_314 : memref<80xi32, #tpu.memory_space<hbm>>) target(%dma_start3A_311 : memref<80xi32, #tpu.memory_space<vmem>>) target_semaphore(%arg17 : memref<!tpu.dma_semaphore, #tpu.memory_space<semaphore_mem>>)
        %add3A_315 = arith.constant 2 : i32
        %add3A_316 = arith.addi %add3A_220, %add3A_315 : i32
        %mul3A_317 = arith.constant 80 : i32
        %mul3A_318 = arith.muli %add3A_316, %mul3A_317 : i32
        %dma_start3A_319 = tpu.memref_slice %arg8[%mul3A_318] : memref<10000xi32, #tpu.memory_space<vmem>> -> memref<80xi32, #tpu.memory_space<vmem>>
        %dma_start3A_320 = arith.constant 0 : i32
        %dma_start3A_321 = arith.constant 0 : i32
        %dma_start3A_322 = tpu.memref_slice %arg2[%dma_start3A_320, %dma_start3A_321] : memref<10000x128xf32, #tpu.memory_space<hbm>> -> memref<10000x128xf32, #tpu.memory_space<hbm>>
        tpu.enqueue_indirect_dma source(%dma_start3A_322 : memref<10000x128xf32, #tpu.memory_space<hbm>>) target(%arg12 : memref<80x128xf32, #tpu.memory_space<vmem>>) offsets(%dma_start3A_319 : memref<80xi32, #tpu.memory_space<vmem>>) semaphore(%arg20 : memref<!tpu.dma_semaphore, #tpu.memory_space<semaphore_mem>>)
      } else {
      }
      %mul3A_254 = arith.constant 3 : i32
      %mul3A_255 = arith.muli %mul3A_254, %scan3A_176 : i32
      %add3A_256 = arith.constant 2 : i32
      %add3A_257 = arith.addi %add3A_256, %mul3A_255 : i32
      %add3A_258 = arith.constant 2 : i32
      %add3A_259 = arith.addi %add3A_257, %add3A_258 : i32
      %mul3A_260 = arith.constant 80 : i32
      %mul3A_261 = arith.muli %add3A_259, %mul3A_260 : i32
      %dma_wait3A_262 = tpu.memref_slice %arg8[%mul3A_261] : memref<10000xi32, #tpu.memory_space<vmem>> -> memref<80xi32, #tpu.memory_space<vmem>>
      %dma_wait3A_263 = arith.constant 0 : i32
      %dma_wait3A_264 = arith.constant 0 : i32
      %dma_wait3A_265 = tpu.memref_slice %arg2[%dma_wait3A_263, %dma_wait3A_264] : memref<10000x128xf32, #tpu.memory_space<hbm>> -> memref<10000x128xf32, #tpu.memory_space<hbm>>
      tpu.wait_indirect_dma semaphore(%arg19 : memref<!tpu.dma_semaphore, #tpu.memory_space<semaphore_mem>>) src(%dma_wait3A_265 : memref<10000x128xf32, #tpu.memory_space<hbm>>) dst(%arg11 : memref<80x128xf32, #tpu.memory_space<vmem>>)
      %dma_wait3A_266 = arith.constant 1 : i32
      %dma_wait3A_267 = arith.constant 0 : i32
      %dma_wait3A_268 = tpu.memref_slice %arg9[%dma_wait3A_266, %dma_wait3A_267] : memref<3x80xi32, #tpu.memory_space<vmem>> -> memref<1x80xi32, #tpu.memory_space<vmem>>
      %dma_wait3A_269 = tpu.memref_squeeze %dma_wait3A_268 : memref<1x80xi32, #tpu.memory_space<vmem>> -> memref<80xi32, #tpu.memory_space<vmem>>
      %dma_wait3A_270 = arith.constant 0 : i32
      %dma_wait3A_271 = tpu.memref_slice %arg4[%add3A, %add3A_259, %dma_wait3A_270] : memref<32x125x80xi32, #tpu.memory_space<hbm>> -> memref<1x1x80xi32, #tpu.memory_space<hbm>>
      %dma_wait3A_272 = tpu.memref_squeeze %dma_wait3A_271 : memref<1x1x80xi32, #tpu.memory_space<hbm>> -> memref<80xi32, #tpu.memory_space<hbm>>
      %dma_wait3A_273 = arith.constant 0 : i32
      %dma_wait3A_274 = tpu.memref_slice %arg9[%dma_wait3A_266, %dma_wait3A_273] : memref<3x80xi32, #tpu.memory_space<vmem>> -> memref<1x80xi32, #tpu.memory_space<vmem>>
      %dma_wait3A_275 = tpu.memref_squeeze %dma_wait3A_274 : memref<1x80xi32, #tpu.memory_space<vmem>> -> memref<80xi32, #tpu.memory_space<vmem>>
      %dma_wait3A_276 = arith.constant 0 : i32
      %dma_wait3A_277 = tpu.memref_slice %arg4[%add3A, %add3A_259, %dma_wait3A_276] : memref<32x125x80xi32, #tpu.memory_space<hbm>> -> memref<1x1x80xi32, #tpu.memory_space<hbm>>
      %dma_wait3A_278 = tpu.memref_squeeze %dma_wait3A_277 : memref<1x1x80xi32, #tpu.memory_space<hbm>> -> memref<80xi32, #tpu.memory_space<hbm>>
      tpu.wait_dma2 semaphore(%arg16 : memref<!tpu.dma_semaphore, #tpu.memory_space<semaphore_mem>>) src(%dma_wait3A_278 : memref<80xi32, #tpu.memory_space<hbm>>) dst(%dma_wait3A_275 : memref<80xi32, #tpu.memory_space<vmem>>)
      %dma_start3A_279 = arith.constant 1 : i32
      %dma_start3A_280 = arith.constant 0 : i32
      %dma_start3A_281 = tpu.memref_slice %arg9[%dma_start3A_279, %dma_start3A_280] : memref<3x80xi32, #tpu.memory_space<vmem>> -> memref<1x80xi32, #tpu.memory_space<vmem>>
      %dma_start3A_282 = tpu.memref_squeeze %dma_start3A_281 : memref<1x80xi32, #tpu.memory_space<vmem>> -> memref<80xi32, #tpu.memory_space<vmem>>
      %dma_start3A_283 = arith.constant 0 : i32
      %dma_start3A_284 = arith.constant 0 : i32
      %dma_start3A_285 = tpu.memref_slice %arg13[%dma_start3A_283, %dma_start3A_284] : memref<10112x128xf32, #tpu.memory_space<vmem_shared>> -> memref<10112x128xf32, #tpu.memory_space<vmem_shared>>
      tpu.enqueue_indirect_dma source(%arg11 : memref<80x128xf32, #tpu.memory_space<vmem>>) target(%dma_start3A_285 : memref<10112x128xf32, #tpu.memory_space<vmem_shared>>) offsets(%dma_start3A_282 : memref<80xi32, #tpu.memory_space<vmem>>) semaphore(%arg22 : memref<!tpu.dma_semaphore, #tpu.memory_space<semaphore_mem>>) {add = true}
      %add3A_286 = arith.constant 2 : i32
      %add3A_287 = arith.addi %add3A_259, %add3A_286 : i32
      %lt3A_288 = arith.constant 125 : i32
      %lt3A_289 = arith.cmpi slt, %add3A_287, %lt3A_288 : i32
      %convert_element_type3A_290 = arith.extui %lt3A_289 : i1 to i32
      %cond3A_291 = arith.constant 0 : i32
      %cond3A_292 = arith.cmpi ne, %convert_element_type3A_290, %cond3A_291 : i32
      scf.if %cond3A_292 {
        %dma_wait3A_293 = arith.constant 0 : i32
        %dma_wait3A_294 = arith.constant 0 : i32
        %dma_wait3A_295 = tpu.memref_slice %arg9[%dma_wait3A_293, %dma_wait3A_294] : memref<3x80xi32, #tpu.memory_space<vmem>> -> memref<1x80xi32, #tpu.memory_space<vmem>>
        %dma_wait3A_296 = tpu.memref_squeeze %dma_wait3A_295 : memref<1x80xi32, #tpu.memory_space<vmem>> -> memref<80xi32, #tpu.memory_space<vmem>>
        %dma_wait3A_297 = arith.constant 0 : i32
        %dma_wait3A_298 = arith.constant 0 : i32
        %dma_wait3A_299 = tpu.memref_slice %arg13[%dma_wait3A_297, %dma_wait3A_298] : memref<10112x128xf32, #tpu.memory_space<vmem_shared>> -> memref<10112x128xf32, #tpu.memory_space<vmem_shared>>
        tpu.wait_indirect_dma semaphore(%arg21 : memref<!tpu.dma_semaphore, #tpu.memory_space<semaphore_mem>>) src(%arg10 : memref<80x128xf32, #tpu.memory_space<vmem>>) dst(%dma_wait3A_299 : memref<10112x128xf32, #tpu.memory_space<vmem_shared>>)
        %add3A_300 = arith.constant 2 : i32
        %add3A_301 = arith.addi %add3A_259, %add3A_300 : i32
        %dma_start3A_302 = arith.constant 0 : i32
        %dma_start3A_303 = arith.constant 0 : i32
        %dma_start3A_304 = tpu.memref_slice %arg9[%dma_start3A_302, %dma_start3A_303] : memref<3x80xi32, #tpu.memory_space<vmem>> -> memref<1x80xi32, #tpu.memory_space<vmem>>
        %dma_start3A_305 = tpu.memref_squeeze %dma_start3A_304 : memref<1x80xi32, #tpu.memory_space<vmem>> -> memref<80xi32, #tpu.memory_space<vmem>>
        %dma_start3A_306 = arith.constant 0 : i32
        %dma_start3A_307 = tpu.memref_slice %arg4[%add3A, %add3A_301, %dma_start3A_306] : memref<32x125x80xi32, #tpu.memory_space<hbm>> -> memref<1x1x80xi32, #tpu.memory_space<hbm>>
        %dma_start3A_308 = tpu.memref_squeeze %dma_start3A_307 : memref<1x1x80xi32, #tpu.memory_space<hbm>> -> memref<80xi32, #tpu.memory_space<hbm>>
        %dma_start3A_309 = arith.constant 0 : i32
        %dma_start3A_310 = tpu.memref_slice %arg9[%dma_start3A_302, %dma_start3A_309] : memref<3x80xi32, #tpu.memory_space<vmem>> -> memref<1x80xi32, #tpu.memory_space<vmem>>
        %dma_start3A_311 = tpu.memref_squeeze %dma_start3A_310 : memref<1x80xi32, #tpu.memory_space<vmem>> -> memref<80xi32, #tpu.memory_space<vmem>>
        %dma_start3A_312 = arith.constant 0 : i32
        %dma_start3A_313 = tpu.memref_slice %arg4[%add3A, %add3A_301, %dma_start3A_312] : memref<32x125x80xi32, #tpu.memory_space<hbm>> -> memref<1x1x80xi32, #tpu.memory_space<hbm>>
        %dma_start3A_314 = tpu.memref_squeeze %dma_start3A_313 : memref<1x1x80xi32, #tpu.memory_space<hbm>> -> memref<80xi32, #tpu.memory_space<hbm>>
        tpu.enqueue_dma source(%dma_start3A_314 : memref<80xi32, #tpu.memory_space<hbm>>) target(%dma_start3A_311 : memref<80xi32, #tpu.memory_space<vmem>>) target_semaphore(%arg15 : memref<!tpu.dma_semaphore, #tpu.memory_space<semaphore_mem>>)
        %add3A_315 = arith.constant 2 : i32
        %add3A_316 = arith.addi %add3A_259, %add3A_315 : i32
        %mul3A_317 = arith.constant 80 : i32
        %mul3A_318 = arith.muli %add3A_316, %mul3A_317 : i32
        %dma_start3A_319 = tpu.memref_slice %arg8[%mul3A_318] : memref<10000xi32, #tpu.memory_space<vmem>> -> memref<80xi32, #tpu.memory_space<vmem>>
        %dma_start3A_320 = arith.constant 0 : i32
        %dma_start3A_321 = arith.constant 0 : i32
        %dma_start3A_322 = tpu.memref_slice %arg2[%dma_start3A_320, %dma_start3A_321] : memref<10000x128xf32, #tpu.memory_space<hbm>> -> memref<10000x128xf32, #tpu.memory_space<hbm>>
        tpu.enqueue_indirect_dma source(%dma_start3A_322 : memref<10000x128xf32, #tpu.memory_space<hbm>>) target(%arg10 : memref<80x128xf32, #tpu.memory_space<vmem>>) offsets(%dma_start3A_319 : memref<80xi32, #tpu.memory_space<vmem>>) semaphore(%arg18 : memref<!tpu.dma_semaphore, #tpu.memory_space<semaphore_mem>>)
      } else {
      }
    }
    %scan3A_146 = arith.constant 41 : i32
    %dma_wait3A_147 = arith.constant 2 : i32
    %dma_wait3A_148 = arith.constant 0 : i32
    %dma_wait3A_149 = tpu.memref_slice %arg9[%dma_wait3A_147, %dma_wait3A_148] : memref<3x80xi32, #tpu.memory_space<vmem>> -> memref<1x80xi32, #tpu.memory_space<vmem>>
    %dma_wait3A_150 = tpu.memref_squeeze %dma_wait3A_149 : memref<1x80xi32, #tpu.memory_space<vmem>> -> memref<80xi32, #tpu.memory_space<vmem>>
    %dma_wait3A_151 = arith.constant 0 : i32
    %dma_wait3A_152 = arith.constant 0 : i32
    %dma_wait3A_153 = tpu.memref_slice %arg13[%dma_wait3A_151, %dma_wait3A_152] : memref<10112x128xf32, #tpu.memory_space<vmem_shared>> -> memref<10112x128xf32, #tpu.memory_space<vmem_shared>>
    tpu.wait_indirect_dma semaphore(%arg23 : memref<!tpu.dma_semaphore, #tpu.memory_space<semaphore_mem>>) src(%arg12 : memref<80x128xf32, #tpu.memory_space<vmem>>) dst(%dma_wait3A_153 : memref<10112x128xf32, #tpu.memory_space<vmem_shared>>)
    %dma_wait3A_154 = arith.constant 0 : i32
    %dma_wait3A_155 = arith.constant 0 : i32
    %dma_wait3A_156 = tpu.memref_slice %arg9[%dma_wait3A_154, %dma_wait3A_155] : memref<3x80xi32, #tpu.memory_space<vmem>> -> memref<1x80xi32, #tpu.memory_space<vmem>>
    %dma_wait3A_157 = tpu.memref_squeeze %dma_wait3A_156 : memref<1x80xi32, #tpu.memory_space<vmem>> -> memref<80xi32, #tpu.memory_space<vmem>>
    %dma_wait3A_158 = arith.constant 0 : i32
    %dma_wait3A_159 = arith.constant 0 : i32
    %dma_wait3A_160 = tpu.memref_slice %arg13[%dma_wait3A_158, %dma_wait3A_159] : memref<10112x128xf32, #tpu.memory_space<vmem_shared>> -> memref<10112x128xf32, #tpu.memory_space<vmem_shared>>
    tpu.wait_indirect_dma semaphore(%arg21 : memref<!tpu.dma_semaphore, #tpu.memory_space<semaphore_mem>>) src(%arg10 : memref<80x128xf32, #tpu.memory_space<vmem>>) dst(%dma_wait3A_160 : memref<10112x128xf32, #tpu.memory_space<vmem_shared>>)
    %dma_wait3A_161 = arith.constant 1 : i32
    %dma_wait3A_162 = arith.constant 0 : i32
    %dma_wait3A_163 = tpu.memref_slice %arg9[%dma_wait3A_161, %dma_wait3A_162] : memref<3x80xi32, #tpu.memory_space<vmem>> -> memref<1x80xi32, #tpu.memory_space<vmem>>
    %dma_wait3A_164 = tpu.memref_squeeze %dma_wait3A_163 : memref<1x80xi32, #tpu.memory_space<vmem>> -> memref<80xi32, #tpu.memory_space<vmem>>
    %dma_wait3A_165 = arith.constant 0 : i32
    %dma_wait3A_166 = arith.constant 0 : i32
    %dma_wait3A_167 = tpu.memref_slice %arg13[%dma_wait3A_165, %dma_wait3A_166] : memref<10112x128xf32, #tpu.memory_space<vmem_shared>> -> memref<10112x128xf32, #tpu.memory_space<vmem_shared>>
    tpu.wait_indirect_dma semaphore(%arg22 : memref<!tpu.dma_semaphore, #tpu.memory_space<semaphore_mem>>) src(%arg11 : memref<80x128xf32, #tpu.memory_space<vmem>>) dst(%dma_wait3A_167 : memref<10112x128xf32, #tpu.memory_space<vmem_shared>>)
    %barrier3A_168 = arith.constant 0 : index
    tpu.barrier barrier_id(%barrier3A_168)
    %eq3A = arith.constant 0 : i32
    %eq3A_169 = arith.cmpi eq, %arg0, %eq3A : i32
    %convert_element_type3A = arith.extui %eq3A_169 : i1 to i32
    %cond3A = arith.constant 0 : i32
    %cond3A_170 = arith.cmpi ne, %convert_element_type3A, %cond3A : i32
    scf.if %cond3A_170 {
      "tpu.region"() ({
        %run_scoped3A = tpu.sem_alloc : memref<!tpu.dma_semaphore, #tpu.memory_space<semaphore_mem>>
        %dma_start3A_176 = arith.constant 0 : i32
        %dma_start3A_177 = tpu.memref_slice %arg6[%mul3A_2, %dma_start3A_176] : memref<10112x128xf32, #tpu.memory_space<hbm>> -> memref<632x128xf32, #tpu.memory_space<hbm>>
        %dma_start3A_178 = arith.constant 0 : i32
        %dma_start3A_179 = tpu.memref_slice %arg13[%mul3A_2, %dma_start3A_178] : memref<10112x128xf32, #tpu.memory_space<vmem_shared>> -> memref<632x128xf32, #tpu.memory_space<vmem_shared>>
        tpu.enqueue_dma source(%dma_start3A_179 : memref<632x128xf32, #tpu.memory_space<vmem_shared>>) target(%dma_start3A_177 : memref<632x128xf32, #tpu.memory_space<hbm>>) target_semaphore(%run_scoped3A : memref<!tpu.dma_semaphore, #tpu.memory_space<semaphore_mem>>)
        %dma_wait3A_180 = arith.constant 0 : i32
        %dma_wait3A_181 = tpu.memref_slice %arg6[%mul3A_2, %dma_wait3A_180] : memref<10112x128xf32, #tpu.memory_space<hbm>> -> memref<632x128xf32, #tpu.memory_space<hbm>>
        %dma_wait3A_182 = arith.constant 0 : i32
        %dma_wait3A_183 = tpu.memref_slice %arg13[%mul3A_2, %dma_wait3A_182] : memref<10112x128xf32, #tpu.memory_space<vmem_shared>> -> memref<632x128xf32, #tpu.memory_space<vmem_shared>>
        tpu.wait_dma2 semaphore(%run_scoped3A : memref<!tpu.dma_semaphore, #tpu.memory_space<semaphore_mem>>) src(%dma_wait3A_183 : memref<632x128xf32, #tpu.memory_space<vmem_shared>>) dst(%dma_wait3A_181 : memref<632x128xf32, #tpu.memory_space<hbm>>)
        tpu.yield
      }) : () -> ()
    } else {
    }
    %eq3A_171 = arith.constant 1 : i32
    %eq3A_172 = arith.cmpi eq, %arg0, %eq3A_171 : i32
    %convert_element_type3A_173 = arith.extui %eq3A_172 : i1 to i32
    %cond3A_174 = arith.constant 0 : i32
    %cond3A_175 = arith.cmpi ne, %convert_element_type3A_173, %cond3A_174 : i32
    scf.if %cond3A_175 {
      "tpu.region"() ({
        %run_scoped3A = tpu.sem_alloc : memref<!tpu.dma_semaphore, #tpu.memory_space<semaphore_mem>>
        %dma_start3A_176 = arith.constant 0 : i32
        %dma_start3A_177 = tpu.memref_slice %arg7[%mul3A_2, %dma_start3A_176] : memref<10112x128xf32, #tpu.memory_space<hbm>> -> memref<632x128xf32, #tpu.memory_space<hbm>>
        %dma_start3A_178 = arith.constant 0 : i32
        %dma_start3A_179 = tpu.memref_slice %arg13[%mul3A_2, %dma_start3A_178] : memref<10112x128xf32, #tpu.memory_space<vmem_shared>> -> memref<632x128xf32, #tpu.memory_space<vmem_shared>>
        tpu.enqueue_dma source(%dma_start3A_179 : memref<632x128xf32, #tpu.memory_space<vmem_shared>>) target(%dma_start3A_177 : memref<632x128xf32, #tpu.memory_space<hbm>>) target_semaphore(%run_scoped3A : memref<!tpu.dma_semaphore, #tpu.memory_space<semaphore_mem>>)
        %dma_wait3A_180 = arith.constant 0 : i32
        %dma_wait3A_181 = tpu.memref_slice %arg7[%mul3A_2, %dma_wait3A_180] : memref<10112x128xf32, #tpu.memory_space<hbm>> -> memref<632x128xf32, #tpu.memory_space<hbm>>
        %dma_wait3A_182 = arith.constant 0 : i32
        %dma_wait3A_183 = tpu.memref_slice %arg13[%mul3A_2, %dma_wait3A_182] : memref<10112x128xf32, #tpu.memory_space<vmem_shared>> -> memref<632x128xf32, #tpu.memory_space<vmem_shared>>
        tpu.wait_dma2 semaphore(%run_scoped3A : memref<!tpu.dma_semaphore, #tpu.memory_space<semaphore_mem>>) src(%dma_wait3A_183 : memref<632x128xf32, #tpu.memory_space<vmem_shared>>) dst(%dma_wait3A_181 : memref<632x128xf32, #tpu.memory_space<hbm>>)
        tpu.yield
      }) : () -> ()
    } else {
    }
    return
  }
}

#map = affine_map<(d0, d1) -> (0, 0)>
#map1 = affine_map<(d0, d1) -> (0)>
#map2 = affine_map<(d0, d1) -> (0, 0, 0)>
module attributes {stable_mosaic.version = 14 : i64} {
  func.func @body(%arg0: i32, %arg1: i32, %arg2: memref<10000x128xf32, #tpu.memory_space<hbm>>, %arg3: memref<320000xi32, #tpu.memory_space<hbm>>, %arg4: memref<32x125x80xi32, #tpu.memory_space<hbm>>, %arg5: memref<10112x128xf32, #tpu.memory_space<hbm>>, %arg6: memref<10112x128xf32, #tpu.memory_space<hbm>>, %arg7: memref<10112x128xf32, #tpu.memory_space<hbm>>, %arg8: memref<10000xi32, #tpu.memory_space<vmem>>, %arg9: memref<3x80xi32, #tpu.memory_space<vmem>>, %arg10: memref<80x128xf32, #tpu.memory_space<vmem>>, %arg11: memref<80x128xf32, #tpu.memory_space<vmem>>, %arg12: memref<80x128xf32, #tpu.memory_space<vmem>>, %arg13: memref<10112x128xf32, #tpu.memory_space<vmem_shared>>, %arg14: memref<!tpu.dma_semaphore, #tpu.memory_space<semaphore_mem>>, %arg15: memref<!tpu.dma_semaphore, #tpu.memory_space<semaphore_mem>>, %arg16: memref<!tpu.dma_semaphore, #tpu.memory_space<semaphore_mem>>, %arg17: memref<!tpu.dma_semaphore, #tpu.memory_space<semaphore_mem>>, %arg18: memref<!tpu.dma_semaphore, #tpu.memory_space<semaphore_mem>>, %arg19: memref<!tpu.dma_semaphore, #tpu.memory_space<semaphore_mem>>, %arg20: memref<!tpu.dma_semaphore, #tpu.memory_space<semaphore_mem>>, %arg21: memref<!tpu.dma_semaphore, #tpu.memory_space<semaphore_mem>>, %arg22: memref<!tpu.dma_semaphore, #tpu.memory_space<semaphore_mem>>, %arg23: memref<!tpu.dma_semaphore, #tpu.memory_space<semaphore_mem>>) attributes {dimension_semantics = [#tpu.dimension_semantics<core_parallel>, #tpu.dimension_semantics<subcore_parallel>], iteration_bounds = array<i64: 2, 16>, scalar_prefetch = 0 : i64, scratch_operands = 16 : i64, tpu.core_type = #tpu.core_type<sc_vector_subcore>, window_params = [{transform_indices = #map}, {transform_indices = #map1}, {transform_indices = #map2}, {transform_indices = #map}, {transform_indices = #map}, {transform_indices = #map}]} {
    %mul3A = arith.constant 2 : i32
    %mul3A_0 = arith.muli %arg1, %mul3A : i32
    %add3A = arith.addi %mul3A_0, %arg0 : i32
    %mul3A_1 = arith.constant 632 : i32
    %mul3A_2 = arith.muli %arg1, %mul3A_1 : i32
    %mul3A_3 = arith.constant 10000 : i32
    %mul3A_4 = arith.muli %add3A, %mul3A_3 : i32
    %dma_start3A = tpu.memref_slice %arg3[%mul3A_4] : memref<320000xi32, #tpu.memory_space<hbm>> -> memref<10000xi32, #tpu.memory_space<hbm>>
    %dma_start3A_5 = tpu.memref_slice %arg3[%mul3A_4] : memref<320000xi32, #tpu.memory_space<hbm>> -> memref<10000xi32, #tpu.memory_space<hbm>>
    tpu.enqueue_dma source(%dma_start3A_5 : memref<10000xi32, #tpu.memory_space<hbm>>) target(%arg8 : memref<10000xi32, #tpu.memory_space<vmem>>) target_semaphore(%arg14 : memref<!tpu.dma_semaphore, #tpu.memory_space<semaphore_mem>>)
    "tpu.region"() ({
      %run_scoped3A = tpu.sem_alloc : memref<!tpu.dma_semaphore, #tpu.memory_space<semaphore_mem>>
      %dma_start3A_176 = arith.constant 0 : i32
      %dma_start3A_177 = tpu.memref_slice %arg13[%mul3A_2, %dma_start3A_176] : memref<10112x128xf32, #tpu.memory_space<vmem_shared>> -> memref<632x128xf32, #tpu.memory_space<vmem_shared>>
      %dma_start3A_178 = arith.constant 0 : i32
      %dma_start3A_179 = tpu.memref_slice %arg5[%mul3A_2, %dma_start3A_178] : memref<10112x128xf32, #tpu.memory_space<hbm>> -> memref<632x128xf32, #tpu.memory_space<hbm>>
      tpu.enqueue_dma source(%dma_start3A_179 : memref<632x128xf32, #tpu.memory_space<hbm>>) target(%dma_start3A_177 : memref<632x128xf32, #tpu.memory_space<vmem_shared>>) target_semaphore(%run_scoped3A : memref<!tpu.dma_semaphore, #tpu.memory_space<semaphore_mem>>)
      %dma_wait3A_180 = arith.constant 0 : i32
      %dma_wait3A_181 = tpu.memref_slice %arg13[%mul3A_2, %dma_wait3A_180] : memref<10112x128xf32, #tpu.memory_space<vmem_shared>> -> memref<632x128xf32, #tpu.memory_space<vmem_shared>>
      %dma_wait3A_182 = arith.constant 0 : i32
      %dma_wait3A_183 = tpu.memref_slice %arg5[%mul3A_2, %dma_wait3A_182] : memref<10112x128xf32, #tpu.memory_space<hbm>> -> memref<632x128xf32, #tpu.memory_space<hbm>>
      tpu.wait_dma2 semaphore(%run_scoped3A : memref<!tpu.dma_semaphore, #tpu.memory_space<semaphore_mem>>) src(%dma_wait3A_183 : memref<632x128xf32, #tpu.memory_space<hbm>>) dst(%dma_wait3A_181 : memref<632x128xf32, #tpu.memory_space<vmem_shared>>)
      tpu.yield
    }) : () -> ()
    %dma_wait3A = tpu.memref_slice %arg3[%mul3A_4] : memref<320000xi32, #tpu.memory_space<hbm>> -> memref<10000xi32, #tpu.memory_space<hbm>>
    %dma_wait3A_6 = tpu.memref_slice %arg3[%mul3A_4] : memref<320000xi32, #tpu.memory_space<hbm>> -> memref<10000xi32, #tpu.memory_space<hbm>>
    tpu.wait_dma2 semaphore(%arg14 : memref<!tpu.dma_semaphore, #tpu.memory_space<semaphore_mem>>) src(%dma_wait3A_6 : memref<10000xi32, #tpu.memory_space<hbm>>) dst(%arg8 : memref<10000xi32, #tpu.memory_space<vmem>>)
    %barrier3A = arith.constant 0 : index
    tpu.barrier barrier_id(%barrier3A)
    %dma_start3A_7 = arith.constant 0 : i32
    %dma_start3A_8 = arith.constant 0 : i32
    %dma_start3A_9 = arith.constant 0 : i32
    %dma_start3A_10 = tpu.memref_slice %arg9[%dma_start3A_8, %dma_start3A_9] : memref<3x80xi32, #tpu.memory_space<vmem>> -> memref<1x80xi32, #tpu.memory_space<vmem>>
    %dma_start3A_11 = tpu.memref_squeeze %dma_start3A_10 : memref<1x80xi32, #tpu.memory_space<vmem>> -> memref<80xi32, #tpu.memory_space<vmem>>
    %dma_start3A_12 = arith.constant 0 : i32
    %dma_start3A_13 = tpu.memref_slice %arg4[%add3A, %dma_start3A_7, %dma_start3A_12] : memref<32x125x80xi32, #tpu.memory_space<hbm>> -> memref<1x1x80xi32, #tpu.memory_space<hbm>>
    %dma_start3A_14 = tpu.memref_squeeze %dma_start3A_13 : memref<1x1x80xi32, #tpu.memory_space<hbm>> -> memref<80xi32, #tpu.memory_space<hbm>>
    %dma_start3A_15 = arith.constant 0 : i32
    %dma_start3A_16 = tpu.memref_slice %arg9[%dma_start3A_8, %dma_start3A_15] : memref<3x80xi32, #tpu.memory_space<vmem>> -> memref<1x80xi32, #tpu.memory_space<vmem>>
    %dma_start3A_17 = tpu.memref_squeeze %dma_start3A_16 : memref<1x80xi32, #tpu.memory_space<vmem>> -> memref<80xi32, #tpu.memory_space<vmem>>
    %dma_start3A_18 = arith.constant 0 : i32
    %dma_start3A_19 = tpu.memref_slice %arg4[%add3A, %dma_start3A_7, %dma_start3A_18] : memref<32x125x80xi32, #tpu.memory_space<hbm>> -> memref<1x1x80xi32, #tpu.memory_space<hbm>>
    %dma_start3A_20 = tpu.memref_squeeze %dma_start3A_19 : memref<1x1x80xi32, #tpu.memory_space<hbm>> -> memref<80xi32, #tpu.memory_space<hbm>>
    tpu.enqueue_dma source(%dma_start3A_20 : memref<80xi32, #tpu.memory_space<hbm>>) target(%dma_start3A_17 : memref<80xi32, #tpu.memory_space<vmem>>) target_semaphore(%arg15 : memref<!tpu.dma_semaphore, #tpu.memory_space<semaphore_mem>>)
    %dma_start3A_21 = arith.constant 1 : i32
    %dma_start3A_22 = arith.constant 1 : i32
    %dma_start3A_23 = arith.constant 0 : i32
    %dma_start3A_24 = tpu.memref_slice %arg9[%dma_start3A_22, %dma_start3A_23] : memref<3x80xi32, #tpu.memory_space<vmem>> -> memref<1x80xi32, #tpu.memory_space<vmem>>
    %dma_start3A_25 = tpu.memref_squeeze %dma_start3A_24 : memref<1x80xi32, #tpu.memory_space<vmem>> -> memref<80xi32, #tpu.memory_space<vmem>>
    %dma_start3A_26 = arith.constant 0 : i32
    %dma_start3A_27 = tpu.memref_slice %arg4[%add3A, %dma_start3A_21, %dma_start3A_26] : memref<32x125x80xi32, #tpu.memory_space<hbm>> -> memref<1x1x80xi32, #tpu.memory_space<hbm>>
    %dma_start3A_28 = tpu.memref_squeeze %dma_start3A_27 : memref<1x1x80xi32, #tpu.memory_space<hbm>> -> memref<80xi32, #tpu.memory_space<hbm>>
    %dma_start3A_29 = arith.constant 0 : i32
    %dma_start3A_30 = tpu.memref_slice %arg9[%dma_start3A_22, %dma_start3A_29] : memref<3x80xi32, #tpu.memory_space<vmem>> -> memref<1x80xi32, #tpu.memory_space<vmem>>
    %dma_start3A_31 = tpu.memref_squeeze %dma_start3A_30 : memref<1x80xi32, #tpu.memory_space<vmem>> -> memref<80xi32, #tpu.memory_space<vmem>>
    %dma_start3A_32 = arith.constant 0 : i32
    %dma_start3A_33 = tpu.memref_slice %arg4[%add3A, %dma_start3A_21, %dma_start3A_32] : memref<32x125x80xi32, #tpu.memory_space<hbm>> -> memref<1x1x80xi32, #tpu.memory_space<hbm>>
    %dma_start3A_34 = tpu.memref_squeeze %dma_start3A_33 : memref<1x1x80xi32, #tpu.memory_space<hbm>> -> memref<80xi32, #tpu.memory_space<hbm>>
    tpu.enqueue_dma source(%dma_start3A_34 : memref<80xi32, #tpu.memory_space<hbm>>) target(%dma_start3A_31 : memref<80xi32, #tpu.memory_space<vmem>>) target_semaphore(%arg16 : memref<!tpu.dma_semaphore, #tpu.memory_space<semaphore_mem>>)
    %dma_start3A_35 = arith.constant 0 : i32
    %dma_start3A_36 = tpu.memref_slice %arg8[%dma_start3A_35] : memref<10000xi32, #tpu.memory_space<vmem>> -> memref<80xi32, #tpu.memory_space<vmem>>
    %dma_start3A_37 = arith.constant 0 : i32
    %dma_start3A_38 = arith.constant 0 : i32
    %dma_start3A_39 = tpu.memref_slice %arg2[%dma_start3A_37, %dma_start3A_38] : memref<10000x128xf32, #tpu.memory_space<hbm>> -> memref<10000x128xf32, #tpu.memory_space<hbm>>
    tpu.enqueue_indirect_dma source(%dma_start3A_39 : memref<10000x128xf32, #tpu.memory_space<hbm>>) target(%arg10 : memref<80x128xf32, #tpu.memory_space<vmem>>) offsets(%dma_start3A_36 : memref<80xi32, #tpu.memory_space<vmem>>) semaphore(%arg18 : memref<!tpu.dma_semaphore, #tpu.memory_space<semaphore_mem>>)
    %dma_start3A_40 = arith.constant 80 : i32
    %dma_start3A_41 = tpu.memref_slice %arg8[%dma_start3A_40] : memref<10000xi32, #tpu.memory_space<vmem>> -> memref<80xi32, #tpu.memory_space<vmem>>
    %dma_start3A_42 = arith.constant 0 : i32
    %dma_start3A_43 = arith.constant 0 : i32
    %dma_start3A_44 = tpu.memref_slice %arg2[%dma_start3A_42, %dma_start3A_43] : memref<10000x128xf32, #tpu.memory_space<hbm>> -> memref<10000x128xf32, #tpu.memory_space<hbm>>
    tpu.enqueue_indirect_dma source(%dma_start3A_44 : memref<10000x128xf32, #tpu.memory_space<hbm>>) target(%arg11 : memref<80x128xf32, #tpu.memory_space<vmem>>) offsets(%dma_start3A_41 : memref<80xi32, #tpu.memory_space<vmem>>) semaphore(%arg19 : memref<!tpu.dma_semaphore, #tpu.memory_space<semaphore_mem>>)
    %dma_wait3A_45 = arith.constant 0 : i32
    %dma_wait3A_46 = tpu.memref_slice %arg8[%dma_wait3A_45] : memref<10000xi32, #tpu.memory_space<vmem>> -> memref<80xi32, #tpu.memory_space<vmem>>
    %dma_wait3A_47 = arith.constant 0 : i32
    %dma_wait3A_48 = arith.constant 0 : i32
    %dma_wait3A_49 = tpu.memref_slice %arg2[%dma_wait3A_47, %dma_wait3A_48] : memref<10000x128xf32, #tpu.memory_space<hbm>> -> memref<10000x128xf32, #tpu.memory_space<hbm>>
    tpu.wait_indirect_dma semaphore(%arg18 : memref<!tpu.dma_semaphore, #tpu.memory_space<semaphore_mem>>) src(%dma_wait3A_49 : memref<10000x128xf32, #tpu.memory_space<hbm>>) dst(%arg10 : memref<80x128xf32, #tpu.memory_space<vmem>>)
    %dma_wait3A_50 = arith.constant 0 : i32
    %dma_wait3A_51 = arith.constant 0 : i32
    %dma_wait3A_52 = arith.constant 0 : i32
    %dma_wait3A_53 = tpu.memref_slice %arg9[%dma_wait3A_51, %dma_wait3A_52] : memref<3x80xi32, #tpu.memory_space<vmem>> -> memref<1x80xi32, #tpu.memory_space<vmem>>
    %dma_wait3A_54 = tpu.memref_squeeze %dma_wait3A_53 : memref<1x80xi32, #tpu.memory_space<vmem>> -> memref<80xi32, #tpu.memory_space<vmem>>
    %dma_wait3A_55 = arith.constant 0 : i32
    %dma_wait3A_56 = tpu.memref_slice %arg4[%add3A, %dma_wait3A_50, %dma_wait3A_55] : memref<32x125x80xi32, #tpu.memory_space<hbm>> -> memref<1x1x80xi32, #tpu.memory_space<hbm>>
    %dma_wait3A_57 = tpu.memref_squeeze %dma_wait3A_56 : memref<1x1x80xi32, #tpu.memory_space<hbm>> -> memref<80xi32, #tpu.memory_space<hbm>>
    %dma_wait3A_58 = arith.constant 0 : i32
    %dma_wait3A_59 = tpu.memref_slice %arg9[%dma_wait3A_51, %dma_wait3A_58] : memref<3x80xi32, #tpu.memory_space<vmem>> -> memref<1x80xi32, #tpu.memory_space<vmem>>
    %dma_wait3A_60 = tpu.memref_squeeze %dma_wait3A_59 : memref<1x80xi32, #tpu.memory_space<vmem>> -> memref<80xi32, #tpu.memory_space<vmem>>
    %dma_wait3A_61 = arith.constant 0 : i32
    %dma_wait3A_62 = tpu.memref_slice %arg4[%add3A, %dma_wait3A_50, %dma_wait3A_61] : memref<32x125x80xi32, #tpu.memory_space<hbm>> -> memref<1x1x80xi32, #tpu.memory_space<hbm>>
    %dma_wait3A_63 = tpu.memref_squeeze %dma_wait3A_62 : memref<1x1x80xi32, #tpu.memory_space<hbm>> -> memref<80xi32, #tpu.memory_space<hbm>>
    tpu.wait_dma2 semaphore(%arg15 : memref<!tpu.dma_semaphore, #tpu.memory_space<semaphore_mem>>) src(%dma_wait3A_63 : memref<80xi32, #tpu.memory_space<hbm>>) dst(%dma_wait3A_60 : memref<80xi32, #tpu.memory_space<vmem>>)
    %dma_start3A_64 = arith.constant 0 : i32
    %dma_start3A_65 = arith.constant 0 : i32
    %dma_start3A_66 = tpu.memref_slice %arg9[%dma_start3A_64, %dma_start3A_65] : memref<3x80xi32, #tpu.memory_space<vmem>> -> memref<1x80xi32, #tpu.memory_space<vmem>>
    %dma_start3A_67 = tpu.memref_squeeze %dma_start3A_66 : memref<1x80xi32, #tpu.memory_space<vmem>> -> memref<80xi32, #tpu.memory_space<vmem>>
    %dma_start3A_68 = arith.constant 0 : i32
    %dma_start3A_69 = arith.constant 0 : i32
    %dma_start3A_70 = tpu.memref_slice %arg13[%dma_start3A_68, %dma_start3A_69] : memref<10112x128xf32, #tpu.memory_space<vmem_shared>> -> memref<10112x128xf32, #tpu.memory_space<vmem_shared>>
    tpu.enqueue_indirect_dma source(%arg10 : memref<80x128xf32, #tpu.memory_space<vmem>>) target(%dma_start3A_70 : memref<10112x128xf32, #tpu.memory_space<vmem_shared>>) offsets(%dma_start3A_67 : memref<80xi32, #tpu.memory_space<vmem>>) semaphore(%arg21 : memref<!tpu.dma_semaphore, #tpu.memory_space<semaphore_mem>>) {add = true}
    %dma_start3A_71 = arith.constant 2 : i32
    %dma_start3A_72 = arith.constant 2 : i32
    %dma_start3A_73 = arith.constant 0 : i32
    %dma_start3A_74 = tpu.memref_slice %arg9[%dma_start3A_72, %dma_start3A_73] : memref<3x80xi32, #tpu.memory_space<vmem>> -> memref<1x80xi32, #tpu.memory_space<vmem>>
    %dma_start3A_75 = tpu.memref_squeeze %dma_start3A_74 : memref<1x80xi32, #tpu.memory_space<vmem>> -> memref<80xi32, #tpu.memory_space<vmem>>
    %dma_start3A_76 = arith.constant 0 : i32
    %dma_start3A_77 = tpu.memref_slice %arg4[%add3A, %dma_start3A_71, %dma_start3A_76] : memref<32x125x80xi32, #tpu.memory_space<hbm>> -> memref<1x1x80xi32, #tpu.memory_space<hbm>>
    %dma_start3A_78 = tpu.memref_squeeze %dma_start3A_77 : memref<1x1x80xi32, #tpu.memory_space<hbm>> -> memref<80xi32, #tpu.memory_space<hbm>>
    %dma_start3A_79 = arith.constant 0 : i32
    %dma_start3A_80 = tpu.memref_slice %arg9[%dma_start3A_72, %dma_start3A_79] : memref<3x80xi32, #tpu.memory_space<vmem>> -> memref<1x80xi32, #tpu.memory_space<vmem>>
    %dma_start3A_81 = tpu.memref_squeeze %dma_start3A_80 : memref<1x80xi32, #tpu.memory_space<vmem>> -> memref<80xi32, #tpu.memory_space<vmem>>
    %dma_start3A_82 = arith.constant 0 : i32
    %dma_start3A_83 = tpu.memref_slice %arg4[%add3A, %dma_start3A_71, %dma_start3A_82] : memref<32x125x80xi32, #tpu.memory_space<hbm>> -> memref<1x1x80xi32, #tpu.memory_space<hbm>>
    %dma_start3A_84 = tpu.memref_squeeze %dma_start3A_83 : memref<1x1x80xi32, #tpu.memory_space<hbm>> -> memref<80xi32, #tpu.memory_space<hbm>>
    tpu.enqueue_dma source(%dma_start3A_84 : memref<80xi32, #tpu.memory_space<hbm>>) target(%dma_start3A_81 : memref<80xi32, #tpu.memory_space<vmem>>) target_semaphore(%arg17 : memref<!tpu.dma_semaphore, #tpu.memory_space<semaphore_mem>>)
    %dma_start3A_85 = arith.constant 160 : i32
    %dma_start3A_86 = tpu.memref_slice %arg8[%dma_start3A_85] : memref<10000xi32, #tpu.memory_space<vmem>> -> memref<80xi32, #tpu.memory_space<vmem>>
    %dma_start3A_87 = arith.constant 0 : i32
    %dma_start3A_88 = arith.constant 0 : i32
    %dma_start3A_89 = tpu.memref_slice %arg2[%dma_start3A_87, %dma_start3A_88] : memref<10000x128xf32, #tpu.memory_space<hbm>> -> memref<10000x128xf32, #tpu.memory_space<hbm>>
    tpu.enqueue_indirect_dma source(%dma_start3A_89 : memref<10000x128xf32, #tpu.memory_space<hbm>>) target(%arg12 : memref<80x128xf32, #tpu.memory_space<vmem>>) offsets(%dma_start3A_86 : memref<80xi32, #tpu.memory_space<vmem>>) semaphore(%arg20 : memref<!tpu.dma_semaphore, #tpu.memory_space<semaphore_mem>>)
    %dma_wait3A_90 = arith.constant 80 : i32
    %dma_wait3A_91 = tpu.memref_slice %arg8[%dma_wait3A_90] : memref<10000xi32, #tpu.memory_space<vmem>> -> memref<80xi32, #tpu.memory_space<vmem>>
    %dma_wait3A_92 = arith.constant 0 : i32
    %dma_wait3A_93 = arith.constant 0 : i32
    %dma_wait3A_94 = tpu.memref_slice %arg2[%dma_wait3A_92, %dma_wait3A_93] : memref<10000x128xf32, #tpu.memory_space<hbm>> -> memref<10000x128xf32, #tpu.memory_space<hbm>>
    tpu.wait_indirect_dma semaphore(%arg19 : memref<!tpu.dma_semaphore, #tpu.memory_space<semaphore_mem>>) src(%dma_wait3A_94 : memref<10000x128xf32, #tpu.memory_space<hbm>>) dst(%arg11 : memref<80x128xf32, #tpu.memory_space<vmem>>)
    %dma_wait3A_95 = arith.constant 1 : i32
    %dma_wait3A_96 = arith.constant 1 : i32
    %dma_wait3A_97 = arith.constant 0 : i32
    %dma_wait3A_98 = tpu.memref_slice %arg9[%dma_wait3A_96, %dma_wait3A_97] : memref<3x80xi32, #tpu.memory_space<vmem>> -> memref<1x80xi32, #tpu.memory_space<vmem>>
    %dma_wait3A_99 = tpu.memref_squeeze %dma_wait3A_98 : memref<1x80xi32, #tpu.memory_space<vmem>> -> memref<80xi32, #tpu.memory_space<vmem>>
    %dma_wait3A_100 = arith.constant 0 : i32
    %dma_wait3A_101 = tpu.memref_slice %arg4[%add3A, %dma_wait3A_95, %dma_wait3A_100] : memref<32x125x80xi32, #tpu.memory_space<hbm>> -> memref<1x1x80xi32, #tpu.memory_space<hbm>>
    %dma_wait3A_102 = tpu.memref_squeeze %dma_wait3A_101 : memref<1x1x80xi32, #tpu.memory_space<hbm>> -> memref<80xi32, #tpu.memory_space<hbm>>
    %dma_wait3A_103 = arith.constant 0 : i32
    %dma_wait3A_104 = tpu.memref_slice %arg9[%dma_wait3A_96, %dma_wait3A_103] : memref<3x80xi32, #tpu.memory_space<vmem>> -> memref<1x80xi32, #tpu.memory_space<vmem>>
    %dma_wait3A_105 = tpu.memref_squeeze %dma_wait3A_104 : memref<1x80xi32, #tpu.memory_space<vmem>> -> memref<80xi32, #tpu.memory_space<vmem>>
    %dma_wait3A_106 = arith.constant 0 : i32
    %dma_wait3A_107 = tpu.memref_slice %arg4[%add3A, %dma_wait3A_95, %dma_wait3A_106] : memref<32x125x80xi32, #tpu.memory_space<hbm>> -> memref<1x1x80xi32, #tpu.memory_space<hbm>>
    %dma_wait3A_108 = tpu.memref_squeeze %dma_wait3A_107 : memref<1x1x80xi32, #tpu.memory_space<hbm>> -> memref<80xi32, #tpu.memory_space<hbm>>
    tpu.wait_dma2 semaphore(%arg16 : memref<!tpu.dma_semaphore, #tpu.memory_space<semaphore_mem>>) src(%dma_wait3A_108 : memref<80xi32, #tpu.memory_space<hbm>>) dst(%dma_wait3A_105 : memref<80xi32, #tpu.memory_space<vmem>>)
    %dma_start3A_109 = arith.constant 1 : i32
    %dma_start3A_110 = arith.constant 0 : i32
    %dma_start3A_111 = tpu.memref_slice %arg9[%dma_start3A_109, %dma_start3A_110] : memref<3x80xi32, #tpu.memory_space<vmem>> -> memref<1x80xi32, #tpu.memory_space<vmem>>
    %dma_start3A_112 = tpu.memref_squeeze %dma_start3A_111 : memref<1x80xi32, #tpu.memory_space<vmem>> -> memref<80xi32, #tpu.memory_space<vmem>>
    %dma_start3A_113 = arith.constant 0 : i32
    %dma_start3A_114 = arith.constant 0 : i32
    %dma_start3A_115 = tpu.memref_slice %arg13[%dma_start3A_113, %dma_start3A_114] : memref<10112x128xf32, #tpu.memory_space<vmem_shared>> -> memref<10112x128xf32, #tpu.memory_space<vmem_shared>>
    tpu.enqueue_indirect_dma source(%arg11 : memref<80x128xf32, #tpu.memory_space<vmem>>) target(%dma_start3A_115 : memref<10112x128xf32, #tpu.memory_space<vmem_shared>>) offsets(%dma_start3A_112 : memref<80xi32, #tpu.memory_space<vmem>>) semaphore(%arg22 : memref<!tpu.dma_semaphore, #tpu.memory_space<semaphore_mem>>) {add = true}
    %dma_wait3A_116 = arith.constant 0 : i32
    %dma_wait3A_117 = arith.constant 0 : i32
    %dma_wait3A_118 = tpu.memref_slice %arg9[%dma_wait3A_116, %dma_wait3A_117] : memref<3x80xi32, #tpu.memory_space<vmem>> -> memref<1x80xi32, #tpu.memory_space<vmem>>
    %dma_wait3A_119 = tpu.memref_squeeze %dma_wait3A_118 : memref<1x80xi32, #tpu.memory_space<vmem>> -> memref<80xi32, #tpu.memory_space<vmem>>
    %dma_wait3A_120 = arith.constant 0 : i32
    %dma_wait3A_121 = arith.constant 0 : i32
    %dma_wait3A_122 = tpu.memref_slice %arg13[%dma_wait3A_120, %dma_wait3A_121] : memref<10112x128xf32, #tpu.memory_space<vmem_shared>> -> memref<10112x128xf32, #tpu.memory_space<vmem_shared>>
    tpu.wait_indirect_dma semaphore(%arg21 : memref<!tpu.dma_semaphore, #tpu.memory_space<semaphore_mem>>) src(%arg10 : memref<80x128xf32, #tpu.memory_space<vmem>>) dst(%dma_wait3A_122 : memref<10112x128xf32, #tpu.memory_space<vmem_shared>>)
    %dma_start3A_123 = arith.constant 3 : i32
    %dma_start3A_124 = arith.constant 0 : i32
    %dma_start3A_125 = arith.constant 0 : i32
    %dma_start3A_126 = tpu.memref_slice %arg9[%dma_start3A_124, %dma_start3A_125] : memref<3x80xi32, #tpu.memory_space<vmem>> -> memref<1x80xi32, #tpu.memory_space<vmem>>
    %dma_start3A_127 = tpu.memref_squeeze %dma_start3A_126 : memref<1x80xi32, #tpu.memory_space<vmem>> -> memref<80xi32, #tpu.memory_space<vmem>>
    %dma_start3A_128 = arith.constant 0 : i32
    %dma_start3A_129 = tpu.memref_slice %arg4[%add3A, %dma_start3A_123, %dma_start3A_128] : memref<32x125x80xi32, #tpu.memory_space<hbm>> -> memref<1x1x80xi32, #tpu.memory_space<hbm>>
    %dma_start3A_130 = tpu.memref_squeeze %dma_start3A_129 : memref<1x1x80xi32, #tpu.memory_space<hbm>> -> memref<80xi32, #tpu.memory_space<hbm>>
    %dma_start3A_131 = arith.constant 0 : i32
    %dma_start3A_132 = tpu.memref_slice %arg9[%dma_start3A_124, %dma_start3A_131] : memref<3x80xi32, #tpu.memory_space<vmem>> -> memref<1x80xi32, #tpu.memory_space<vmem>>
    %dma_start3A_133 = tpu.memref_squeeze %dma_start3A_132 : memref<1x80xi32, #tpu.memory_space<vmem>> -> memref<80xi32, #tpu.memory_space<vmem>>
    %dma_start3A_134 = arith.constant 0 : i32
    %dma_start3A_135 = tpu.memref_slice %arg4[%add3A, %dma_start3A_123, %dma_start3A_134] : memref<32x125x80xi32, #tpu.memory_space<hbm>> -> memref<1x1x80xi32, #tpu.memory_space<hbm>>
    %dma_start3A_136 = tpu.memref_squeeze %dma_start3A_135 : memref<1x1x80xi32, #tpu.memory_space<hbm>> -> memref<80xi32, #tpu.memory_space<hbm>>
    tpu.enqueue_dma source(%dma_start3A_136 : memref<80xi32, #tpu.memory_space<hbm>>) target(%dma_start3A_133 : memref<80xi32, #tpu.memory_space<vmem>>) target_semaphore(%arg15 : memref<!tpu.dma_semaphore, #tpu.memory_space<semaphore_mem>>)
    %dma_start3A_137 = arith.constant 240 : i32
    %dma_start3A_138 = tpu.memref_slice %arg8[%dma_start3A_137] : memref<10000xi32, #tpu.memory_space<vmem>> -> memref<80xi32, #tpu.memory_space<vmem>>
    %dma_start3A_139 = arith.constant 0 : i32
    %dma_start3A_140 = arith.constant 0 : i32
    %dma_start3A_141 = tpu.memref_slice %arg2[%dma_start3A_139, %dma_start3A_140] : memref<10000x128xf32, #tpu.memory_space<hbm>> -> memref<10000x128xf32, #tpu.memory_space<hbm>>
    tpu.enqueue_indirect_dma source(%dma_start3A_141 : memref<10000x128xf32, #tpu.memory_space<hbm>>) target(%arg10 : memref<80x128xf32, #tpu.memory_space<vmem>>) offsets(%dma_start3A_138 : memref<80xi32, #tpu.memory_space<vmem>>) semaphore(%arg18 : memref<!tpu.dma_semaphore, #tpu.memory_space<semaphore_mem>>)
    %scan3A = arith.constant 0 : i32
    %scan3A_142 = arith.constant 0 : i32
    %scan3A_143 = arith.constant 41 : i32
    %scan3A_144 = arith.addi %scan3A_142, %scan3A_143 : i32
    %scan3A_145 = arith.constant 1 : i32
    scf.for %scan3A_176 = %scan3A_142 to %scan3A_144 step %scan3A_145  : i32 {
      %mul3A_177 = arith.constant 3 : i32
      %mul3A_178 = arith.muli %mul3A_177, %scan3A_176 : i32
      %add3A_179 = arith.constant 2 : i32
      %add3A_180 = arith.addi %add3A_179, %mul3A_178 : i32
      %add3A_181 = arith.constant 0 : i32
      %add3A_182 = arith.addi %add3A_180, %add3A_181 : i32
      %mul3A_183 = arith.constant 80 : i32
      %mul3A_184 = arith.muli %add3A_182, %mul3A_183 : i32
      %dma_wait3A_185 = tpu.memref_slice %arg8[%mul3A_184] : memref<10000xi32, #tpu.memory_space<vmem>> -> memref<80xi32, #tpu.memory_space<vmem>>
      %dma_wait3A_186 = arith.constant 0 : i32
      %dma_wait3A_187 = arith.constant 0 : i32
      %dma_wait3A_188 = tpu.memref_slice %arg2[%dma_wait3A_186, %dma_wait3A_187] : memref<10000x128xf32, #tpu.memory_space<hbm>> -> memref<10000x128xf32, #tpu.memory_space<hbm>>
      tpu.wait_indirect_dma semaphore(%arg20 : memref<!tpu.dma_semaphore, #tpu.memory_space<semaphore_mem>>) src(%dma_wait3A_188 : memref<10000x128xf32, #tpu.memory_space<hbm>>) dst(%arg12 : memref<80x128xf32, #tpu.memory_space<vmem>>)
      %dma_wait3A_189 = arith.constant 2 : i32
      %dma_wait3A_190 = arith.constant 0 : i32
      %dma_wait3A_191 = tpu.memref_slice %arg9[%dma_wait3A_189, %dma_wait3A_190] : memref<3x80xi32, #tpu.memory_space<vmem>> -> memref<1x80xi32, #tpu.memory_space<vmem>>
      %dma_wait3A_192 = tpu.memref_squeeze %dma_wait3A_191 : memref<1x80xi32, #tpu.memory_space<vmem>> -> memref<80xi32, #tpu.memory_space<vmem>>
      %dma_wait3A_193 = arith.constant 0 : i32
      %dma_wait3A_194 = tpu.memref_slice %arg4[%add3A, %add3A_182, %dma_wait3A_193] : memref<32x125x80xi32, #tpu.memory_space<hbm>> -> memref<1x1x80xi32, #tpu.memory_space<hbm>>
      %dma_wait3A_195 = tpu.memref_squeeze %dma_wait3A_194 : memref<1x1x80xi32, #tpu.memory_space<hbm>> -> memref<80xi32, #tpu.memory_space<hbm>>
      %dma_wait3A_196 = arith.constant 0 : i32
      %dma_wait3A_197 = tpu.memref_slice %arg9[%dma_wait3A_189, %dma_wait3A_196] : memref<3x80xi32, #tpu.memory_space<vmem>> -> memref<1x80xi32, #tpu.memory_space<vmem>>
      %dma_wait3A_198 = tpu.memref_squeeze %dma_wait3A_197 : memref<1x80xi32, #tpu.memory_space<vmem>> -> memref<80xi32, #tpu.memory_space<vmem>>
      %dma_wait3A_199 = arith.constant 0 : i32
      %dma_wait3A_200 = tpu.memref_slice %arg4[%add3A, %add3A_182, %dma_wait3A_199] : memref<32x125x80xi32, #tpu.memory_space<hbm>> -> memref<1x1x80xi32, #tpu.memory_space<hbm>>
      %dma_wait3A_201 = tpu.memref_squeeze %dma_wait3A_200 : memref<1x1x80xi32, #tpu.memory_space<hbm>> -> memref<80xi32, #tpu.memory_space<hbm>>
      tpu.wait_dma2 semaphore(%arg17 : memref<!tpu.dma_semaphore, #tpu.memory_space<semaphore_mem>>) src(%dma_wait3A_201 : memref<80xi32, #tpu.memory_space<hbm>>) dst(%dma_wait3A_198 : memref<80xi32, #tpu.memory_space<vmem>>)
      %dma_start3A_202 = arith.constant 2 : i32
      %dma_start3A_203 = arith.constant 0 : i32
      %dma_start3A_204 = tpu.memref_slice %arg9[%dma_start3A_202, %dma_start3A_203] : memref<3x80xi32, #tpu.memory_space<vmem>> -> memref<1x80xi32, #tpu.memory_space<vmem>>
      %dma_start3A_205 = tpu.memref_squeeze %dma_start3A_204 : memref<1x80xi32, #tpu.memory_space<vmem>> -> memref<80xi32, #tpu.memory_space<vmem>>
      %dma_start3A_206 = arith.constant 0 : i32
      %dma_start3A_207 = arith.constant 0 : i32
      %dma_start3A_208 = tpu.memref_slice %arg13[%dma_start3A_206, %dma_start3A_207] : memref<10112x128xf32, #tpu.memory_space<vmem_shared>> -> memref<10112x128xf32, #tpu.memory_space<vmem_shared>>
      tpu.enqueue_indirect_dma source(%arg12 : memref<80x128xf32, #tpu.memory_space<vmem>>) target(%dma_start3A_208 : memref<10112x128xf32, #tpu.memory_space<vmem_shared>>) offsets(%dma_start3A_205 : memref<80xi32, #tpu.memory_space<vmem>>) semaphore(%arg23 : memref<!tpu.dma_semaphore, #tpu.memory_space<semaphore_mem>>) {add = true}
      %add3A_209 = arith.constant 2 : i32
      %add3A_210 = arith.addi %add3A_182, %add3A_209 : i32
      %lt3A = arith.constant 125 : i32
      %lt3A_211 = arith.cmpi slt, %add3A_210, %lt3A : i32
      %convert_element_type3A_212 = arith.extui %lt3A_211 : i1 to i32
      %cond3A_213 = arith.constant 0 : i32
      %cond3A_214 = arith.cmpi ne, %convert_element_type3A_212, %cond3A_213 : i32
      scf.if %cond3A_214 {
        %dma_wait3A_293 = arith.constant 1 : i32
        %dma_wait3A_294 = arith.constant 0 : i32
        %dma_wait3A_295 = tpu.memref_slice %arg9[%dma_wait3A_293, %dma_wait3A_294] : memref<3x80xi32, #tpu.memory_space<vmem>> -> memref<1x80xi32, #tpu.memory_space<vmem>>
        %dma_wait3A_296 = tpu.memref_squeeze %dma_wait3A_295 : memref<1x80xi32, #tpu.memory_space<vmem>> -> memref<80xi32, #tpu.memory_space<vmem>>
        %dma_wait3A_297 = arith.constant 0 : i32
        %dma_wait3A_298 = arith.constant 0 : i32
        %dma_wait3A_299 = tpu.memref_slice %arg13[%dma_wait3A_297, %dma_wait3A_298] : memref<10112x128xf32, #tpu.memory_space<vmem_shared>> -> memref<10112x128xf32, #tpu.memory_space<vmem_shared>>
        tpu.wait_indirect_dma semaphore(%arg22 : memref<!tpu.dma_semaphore, #tpu.memory_space<semaphore_mem>>) src(%arg11 : memref<80x128xf32, #tpu.memory_space<vmem>>) dst(%dma_wait3A_299 : memref<10112x128xf32, #tpu.memory_space<vmem_shared>>)
        %add3A_300 = arith.constant 2 : i32
        %add3A_301 = arith.addi %add3A_182, %add3A_300 : i32
        %dma_start3A_302 = arith.constant 1 : i32
        %dma_start3A_303 = arith.constant 0 : i32
        %dma_start3A_304 = tpu.memref_slice %arg9[%dma_start3A_302, %dma_start3A_303] : memref<3x80xi32, #tpu.memory_space<vmem>> -> memref<1x80xi32, #tpu.memory_space<vmem>>
        %dma_start3A_305 = tpu.memref_squeeze %dma_start3A_304 : memref<1x80xi32, #tpu.memory_space<vmem>> -> memref<80xi32, #tpu.memory_space<vmem>>
        %dma_start3A_306 = arith.constant 0 : i32
        %dma_start3A_307 = tpu.memref_slice %arg4[%add3A, %add3A_301, %dma_start3A_306] : memref<32x125x80xi32, #tpu.memory_space<hbm>> -> memref<1x1x80xi32, #tpu.memory_space<hbm>>
        %dma_start3A_308 = tpu.memref_squeeze %dma_start3A_307 : memref<1x1x80xi32, #tpu.memory_space<hbm>> -> memref<80xi32, #tpu.memory_space<hbm>>
        %dma_start3A_309 = arith.constant 0 : i32
        %dma_start3A_310 = tpu.memref_slice %arg9[%dma_start3A_302, %dma_start3A_309] : memref<3x80xi32, #tpu.memory_space<vmem>> -> memref<1x80xi32, #tpu.memory_space<vmem>>
        %dma_start3A_311 = tpu.memref_squeeze %dma_start3A_310 : memref<1x80xi32, #tpu.memory_space<vmem>> -> memref<80xi32, #tpu.memory_space<vmem>>
        %dma_start3A_312 = arith.constant 0 : i32
        %dma_start3A_313 = tpu.memref_slice %arg4[%add3A, %add3A_301, %dma_start3A_312] : memref<32x125x80xi32, #tpu.memory_space<hbm>> -> memref<1x1x80xi32, #tpu.memory_space<hbm>>
        %dma_start3A_314 = tpu.memref_squeeze %dma_start3A_313 : memref<1x1x80xi32, #tpu.memory_space<hbm>> -> memref<80xi32, #tpu.memory_space<hbm>>
        tpu.enqueue_dma source(%dma_start3A_314 : memref<80xi32, #tpu.memory_space<hbm>>) target(%dma_start3A_311 : memref<80xi32, #tpu.memory_space<vmem>>) target_semaphore(%arg16 : memref<!tpu.dma_semaphore, #tpu.memory_space<semaphore_mem>>)
        %add3A_315 = arith.constant 2 : i32
        %add3A_316 = arith.addi %add3A_182, %add3A_315 : i32
        %mul3A_317 = arith.constant 80 : i32
        %mul3A_318 = arith.muli %add3A_316, %mul3A_317 : i32
        %dma_start3A_319 = tpu.memref_slice %arg8[%mul3A_318] : memref<10000xi32, #tpu.memory_space<vmem>> -> memref<80xi32, #tpu.memory_space<vmem>>
        %dma_start3A_320 = arith.constant 0 : i32
        %dma_start3A_321 = arith.constant 0 : i32
        %dma_start3A_322 = tpu.memref_slice %arg2[%dma_start3A_320, %dma_start3A_321] : memref<10000x128xf32, #tpu.memory_space<hbm>> -> memref<10000x128xf32, #tpu.memory_space<hbm>>
        tpu.enqueue_indirect_dma source(%dma_start3A_322 : memref<10000x128xf32, #tpu.memory_space<hbm>>) target(%arg11 : memref<80x128xf32, #tpu.memory_space<vmem>>) offsets(%dma_start3A_319 : memref<80xi32, #tpu.memory_space<vmem>>) semaphore(%arg19 : memref<!tpu.dma_semaphore, #tpu.memory_space<semaphore_mem>>)
      } else {
      }
      %mul3A_215 = arith.constant 3 : i32
      %mul3A_216 = arith.muli %mul3A_215, %scan3A_176 : i32
      %add3A_217 = arith.constant 2 : i32
      %add3A_218 = arith.addi %add3A_217, %mul3A_216 : i32
      %add3A_219 = arith.constant 1 : i32
      %add3A_220 = arith.addi %add3A_218, %add3A_219 : i32
      %mul3A_221 = arith.constant 80 : i32
      %mul3A_222 = arith.muli %add3A_220, %mul3A_221 : i32
      %dma_wait3A_223 = tpu.memref_slice %arg8[%mul3A_222] : memref<10000xi32, #tpu.memory_space<vmem>> -> memref<80xi32, #tpu.memory_space<vmem>>
      %dma_wait3A_224 = arith.constant 0 : i32
      %dma_wait3A_225 = arith.constant 0 : i32
      %dma_wait3A_226 = tpu.memref_slice %arg2[%dma_wait3A_224, %dma_wait3A_225] : memref<10000x128xf32, #tpu.memory_space<hbm>> -> memref<10000x128xf32, #tpu.memory_space<hbm>>
      tpu.wait_indirect_dma semaphore(%arg18 : memref<!tpu.dma_semaphore, #tpu.memory_space<semaphore_mem>>) src(%dma_wait3A_226 : memref<10000x128xf32, #tpu.memory_space<hbm>>) dst(%arg10 : memref<80x128xf32, #tpu.memory_space<vmem>>)
      %dma_wait3A_227 = arith.constant 0 : i32
      %dma_wait3A_228 = arith.constant 0 : i32
      %dma_wait3A_229 = tpu.memref_slice %arg9[%dma_wait3A_227, %dma_wait3A_228] : memref<3x80xi32, #tpu.memory_space<vmem>> -> memref<1x80xi32, #tpu.memory_space<vmem>>
      %dma_wait3A_230 = tpu.memref_squeeze %dma_wait3A_229 : memref<1x80xi32, #tpu.memory_space<vmem>> -> memref<80xi32, #tpu.memory_space<vmem>>
      %dma_wait3A_231 = arith.constant 0 : i32
      %dma_wait3A_232 = tpu.memref_slice %arg4[%add3A, %add3A_220, %dma_wait3A_231] : memref<32x125x80xi32, #tpu.memory_space<hbm>> -> memref<1x1x80xi32, #tpu.memory_space<hbm>>
      %dma_wait3A_233 = tpu.memref_squeeze %dma_wait3A_232 : memref<1x1x80xi32, #tpu.memory_space<hbm>> -> memref<80xi32, #tpu.memory_space<hbm>>
      %dma_wait3A_234 = arith.constant 0 : i32
      %dma_wait3A_235 = tpu.memref_slice %arg9[%dma_wait3A_227, %dma_wait3A_234] : memref<3x80xi32, #tpu.memory_space<vmem>> -> memref<1x80xi32, #tpu.memory_space<vmem>>
      %dma_wait3A_236 = tpu.memref_squeeze %dma_wait3A_235 : memref<1x80xi32, #tpu.memory_space<vmem>> -> memref<80xi32, #tpu.memory_space<vmem>>
      %dma_wait3A_237 = arith.constant 0 : i32
      %dma_wait3A_238 = tpu.memref_slice %arg4[%add3A, %add3A_220, %dma_wait3A_237] : memref<32x125x80xi32, #tpu.memory_space<hbm>> -> memref<1x1x80xi32, #tpu.memory_space<hbm>>
      %dma_wait3A_239 = tpu.memref_squeeze %dma_wait3A_238 : memref<1x1x80xi32, #tpu.memory_space<hbm>> -> memref<80xi32, #tpu.memory_space<hbm>>
      tpu.wait_dma2 semaphore(%arg15 : memref<!tpu.dma_semaphore, #tpu.memory_space<semaphore_mem>>) src(%dma_wait3A_239 : memref<80xi32, #tpu.memory_space<hbm>>) dst(%dma_wait3A_236 : memref<80xi32, #tpu.memory_space<vmem>>)
      %dma_start3A_240 = arith.constant 0 : i32
      %dma_start3A_241 = arith.constant 0 : i32
      %dma_start3A_242 = tpu.memref_slice %arg9[%dma_start3A_240, %dma_start3A_241] : memref<3x80xi32, #tpu.memory_space<vmem>> -> memref<1x80xi32, #tpu.memory_space<vmem>>
      %dma_start3A_243 = tpu.memref_squeeze %dma_start3A_242 : memref<1x80xi32, #tpu.memory_space<vmem>> -> memref<80xi32, #tpu.memory_space<vmem>>
      %dma_start3A_244 = arith.constant 0 : i32
      %dma_start3A_245 = arith.constant 0 : i32
      %dma_start3A_246 = tpu.memref_slice %arg13[%dma_start3A_244, %dma_start3A_245] : memref<10112x128xf32, #tpu.memory_space<vmem_shared>> -> memref<10112x128xf32, #tpu.memory_space<vmem_shared>>
      tpu.enqueue_indirect_dma source(%arg10 : memref<80x128xf32, #tpu.memory_space<vmem>>) target(%dma_start3A_246 : memref<10112x128xf32, #tpu.memory_space<vmem_shared>>) offsets(%dma_start3A_243 : memref<80xi32, #tpu.memory_space<vmem>>) semaphore(%arg21 : memref<!tpu.dma_semaphore, #tpu.memory_space<semaphore_mem>>) {add = true}
      %add3A_247 = arith.constant 2 : i32
      %add3A_248 = arith.addi %add3A_220, %add3A_247 : i32
      %lt3A_249 = arith.constant 125 : i32
      %lt3A_250 = arith.cmpi slt, %add3A_248, %lt3A_249 : i32
      %convert_element_type3A_251 = arith.extui %lt3A_250 : i1 to i32
      %cond3A_252 = arith.constant 0 : i32
      %cond3A_253 = arith.cmpi ne, %convert_element_type3A_251, %cond3A_252 : i32
      scf.if %cond3A_253 {
        %dma_wait3A_293 = arith.constant 2 : i32
        %dma_wait3A_294 = arith.constant 0 : i32
        %dma_wait3A_295 = tpu.memref_slice %arg9[%dma_wait3A_293, %dma_wait3A_294] : memref<3x80xi32, #tpu.memory_space<vmem>> -> memref<1x80xi32, #tpu.memory_space<vmem>>
        %dma_wait3A_296 = tpu.memref_squeeze %dma_wait3A_295 : memref<1x80xi32, #tpu.memory_space<vmem>> -> memref<80xi32, #tpu.memory_space<vmem>>
        %dma_wait3A_297 = arith.constant 0 : i32
        %dma_wait3A_298 = arith.constant 0 : i32
        %dma_wait3A_299 = tpu.memref_slice %arg13[%dma_wait3A_297, %dma_wait3A_298] : memref<10112x128xf32, #tpu.memory_space<vmem_shared>> -> memref<10112x128xf32, #tpu.memory_space<vmem_shared>>
        tpu.wait_indirect_dma semaphore(%arg23 : memref<!tpu.dma_semaphore, #tpu.memory_space<semaphore_mem>>) src(%arg12 : memref<80x128xf32, #tpu.memory_space<vmem>>) dst(%dma_wait3A_299 : memref<10112x128xf32, #tpu.memory_space<vmem_shared>>)
        %add3A_300 = arith.constant 2 : i32
        %add3A_301 = arith.addi %add3A_220, %add3A_300 : i32
        %dma_start3A_302 = arith.constant 2 : i32
        %dma_start3A_303 = arith.constant 0 : i32
        %dma_start3A_304 = tpu.memref_slice %arg9[%dma_start3A_302, %dma_start3A_303] : memref<3x80xi32, #tpu.memory_space<vmem>> -> memref<1x80xi32, #tpu.memory_space<vmem>>
        %dma_start3A_305 = tpu.memref_squeeze %dma_start3A_304 : memref<1x80xi32, #tpu.memory_space<vmem>> -> memref<80xi32, #tpu.memory_space<vmem>>
        %dma_start3A_306 = arith.constant 0 : i32
        %dma_start3A_307 = tpu.memref_slice %arg4[%add3A, %add3A_301, %dma_start3A_306] : memref<32x125x80xi32, #tpu.memory_space<hbm>> -> memref<1x1x80xi32, #tpu.memory_space<hbm>>
        %dma_start3A_308 = tpu.memref_squeeze %dma_start3A_307 : memref<1x1x80xi32, #tpu.memory_space<hbm>> -> memref<80xi32, #tpu.memory_space<hbm>>
        %dma_start3A_309 = arith.constant 0 : i32
        %dma_start3A_310 = tpu.memref_slice %arg9[%dma_start3A_302, %dma_start3A_309] : memref<3x80xi32, #tpu.memory_space<vmem>> -> memref<1x80xi32, #tpu.memory_space<vmem>>
        %dma_start3A_311 = tpu.memref_squeeze %dma_start3A_310 : memref<1x80xi32, #tpu.memory_space<vmem>> -> memref<80xi32, #tpu.memory_space<vmem>>
        %dma_start3A_312 = arith.constant 0 : i32
        %dma_start3A_313 = tpu.memref_slice %arg4[%add3A, %add3A_301, %dma_start3A_312] : memref<32x125x80xi32, #tpu.memory_space<hbm>> -> memref<1x1x80xi32, #tpu.memory_space<hbm>>
        %dma_start3A_314 = tpu.memref_squeeze %dma_start3A_313 : memref<1x1x80xi32, #tpu.memory_space<hbm>> -> memref<80xi32, #tpu.memory_space<hbm>>
        tpu.enqueue_dma source(%dma_start3A_314 : memref<80xi32, #tpu.memory_space<hbm>>) target(%dma_start3A_311 : memref<80xi32, #tpu.memory_space<vmem>>) target_semaphore(%arg17 : memref<!tpu.dma_semaphore, #tpu.memory_space<semaphore_mem>>)
        %add3A_315 = arith.constant 2 : i32
        %add3A_316 = arith.addi %add3A_220, %add3A_315 : i32
        %mul3A_317 = arith.constant 80 : i32
        %mul3A_318 = arith.muli %add3A_316, %mul3A_317 : i32
        %dma_start3A_319 = tpu.memref_slice %arg8[%mul3A_318] : memref<10000xi32, #tpu.memory_space<vmem>> -> memref<80xi32, #tpu.memory_space<vmem>>
        %dma_start3A_320 = arith.constant 0 : i32
        %dma_start3A_321 = arith.constant 0 : i32
        %dma_start3A_322 = tpu.memref_slice %arg2[%dma_start3A_320, %dma_start3A_321] : memref<10000x128xf32, #tpu.memory_space<hbm>> -> memref<10000x128xf32, #tpu.memory_space<hbm>>
        tpu.enqueue_indirect_dma source(%dma_start3A_322 : memref<10000x128xf32, #tpu.memory_space<hbm>>) target(%arg12 : memref<80x128xf32, #tpu.memory_space<vmem>>) offsets(%dma_start3A_319 : memref<80xi32, #tpu.memory_space<vmem>>) semaphore(%arg20 : memref<!tpu.dma_semaphore, #tpu.memory_space<semaphore_mem>>)
      } else {
      }
      %mul3A_254 = arith.constant 3 : i32
      %mul3A_255 = arith.muli %mul3A_254, %scan3A_176 : i32
      %add3A_256 = arith.constant 2 : i32
      %add3A_257 = arith.addi %add3A_256, %mul3A_255 : i32
      %add3A_258 = arith.constant 2 : i32
      %add3A_259 = arith.addi %add3A_257, %add3A_258 : i32
      %mul3A_260 = arith.constant 80 : i32
      %mul3A_261 = arith.muli %add3A_259, %mul3A_260 : i32
      %dma_wait3A_262 = tpu.memref_slice %arg8[%mul3A_261] : memref<10000xi32, #tpu.memory_space<vmem>> -> memref<80xi32, #tpu.memory_space<vmem>>
      %dma_wait3A_263 = arith.constant 0 : i32
      %dma_wait3A_264 = arith.constant 0 : i32
      %dma_wait3A_265 = tpu.memref_slice %arg2[%dma_wait3A_263, %dma_wait3A_264] : memref<10000x128xf32, #tpu.memory_space<hbm>> -> memref<10000x128xf32, #tpu.memory_space<hbm>>
      tpu.wait_indirect_dma semaphore(%arg19 : memref<!tpu.dma_semaphore, #tpu.memory_space<semaphore_mem>>) src(%dma_wait3A_265 : memref<10000x128xf32, #tpu.memory_space<hbm>>) dst(%arg11 : memref<80x128xf32, #tpu.memory_space<vmem>>)
      %dma_wait3A_266 = arith.constant 1 : i32
      %dma_wait3A_267 = arith.constant 0 : i32
      %dma_wait3A_268 = tpu.memref_slice %arg9[%dma_wait3A_266, %dma_wait3A_267] : memref<3x80xi32, #tpu.memory_space<vmem>> -> memref<1x80xi32, #tpu.memory_space<vmem>>
      %dma_wait3A_269 = tpu.memref_squeeze %dma_wait3A_268 : memref<1x80xi32, #tpu.memory_space<vmem>> -> memref<80xi32, #tpu.memory_space<vmem>>
      %dma_wait3A_270 = arith.constant 0 : i32
      %dma_wait3A_271 = tpu.memref_slice %arg4[%add3A, %add3A_259, %dma_wait3A_270] : memref<32x125x80xi32, #tpu.memory_space<hbm>> -> memref<1x1x80xi32, #tpu.memory_space<hbm>>
      %dma_wait3A_272 = tpu.memref_squeeze %dma_wait3A_271 : memref<1x1x80xi32, #tpu.memory_space<hbm>> -> memref<80xi32, #tpu.memory_space<hbm>>
      %dma_wait3A_273 = arith.constant 0 : i32
      %dma_wait3A_274 = tpu.memref_slice %arg9[%dma_wait3A_266, %dma_wait3A_273] : memref<3x80xi32, #tpu.memory_space<vmem>> -> memref<1x80xi32, #tpu.memory_space<vmem>>
      %dma_wait3A_275 = tpu.memref_squeeze %dma_wait3A_274 : memref<1x80xi32, #tpu.memory_space<vmem>> -> memref<80xi32, #tpu.memory_space<vmem>>
      %dma_wait3A_276 = arith.constant 0 : i32
      %dma_wait3A_277 = tpu.memref_slice %arg4[%add3A, %add3A_259, %dma_wait3A_276] : memref<32x125x80xi32, #tpu.memory_space<hbm>> -> memref<1x1x80xi32, #tpu.memory_space<hbm>>
      %dma_wait3A_278 = tpu.memref_squeeze %dma_wait3A_277 : memref<1x1x80xi32, #tpu.memory_space<hbm>> -> memref<80xi32, #tpu.memory_space<hbm>>
      tpu.wait_dma2 semaphore(%arg16 : memref<!tpu.dma_semaphore, #tpu.memory_space<semaphore_mem>>) src(%dma_wait3A_278 : memref<80xi32, #tpu.memory_space<hbm>>) dst(%dma_wait3A_275 : memref<80xi32, #tpu.memory_space<vmem>>)
      %dma_start3A_279 = arith.constant 1 : i32
      %dma_start3A_280 = arith.constant 0 : i32
      %dma_start3A_281 = tpu.memref_slice %arg9[%dma_start3A_279, %dma_start3A_280] : memref<3x80xi32, #tpu.memory_space<vmem>> -> memref<1x80xi32, #tpu.memory_space<vmem>>
      %dma_start3A_282 = tpu.memref_squeeze %dma_start3A_281 : memref<1x80xi32, #tpu.memory_space<vmem>> -> memref<80xi32, #tpu.memory_space<vmem>>
      %dma_start3A_283 = arith.constant 0 : i32
      %dma_start3A_284 = arith.constant 0 : i32
      %dma_start3A_285 = tpu.memref_slice %arg13[%dma_start3A_283, %dma_start3A_284] : memref<10112x128xf32, #tpu.memory_space<vmem_shared>> -> memref<10112x128xf32, #tpu.memory_space<vmem_shared>>
      tpu.enqueue_indirect_dma source(%arg11 : memref<80x128xf32, #tpu.memory_space<vmem>>) target(%dma_start3A_285 : memref<10112x128xf32, #tpu.memory_space<vmem_shared>>) offsets(%dma_start3A_282 : memref<80xi32, #tpu.memory_space<vmem>>) semaphore(%arg22 : memref<!tpu.dma_semaphore, #tpu.memory_space<semaphore_mem>>) {add = true}
      %add3A_286 = arith.constant 2 : i32
      %add3A_287 = arith.addi %add3A_259, %add3A_286 : i32
      %lt3A_288 = arith.constant 125 : i32
      %lt3A_289 = arith.cmpi slt, %add3A_287, %lt3A_288 : i32
      %convert_element_type3A_290 = arith.extui %lt3A_289 : i1 to i32
      %cond3A_291 = arith.constant 0 : i32
      %cond3A_292 = arith.cmpi ne, %convert_element_type3A_290, %cond3A_291 : i32
      scf.if %cond3A_292 {
        %dma_wait3A_293 = arith.constant 0 : i32
        %dma_wait3A_294 = arith.constant 0 : i32
        %dma_wait3A_295 = tpu.memref_slice %arg9[%dma_wait3A_293, %dma_wait3A_294] : memref<3x80xi32, #tpu.memory_space<vmem>> -> memref<1x80xi32, #tpu.memory_space<vmem>>
        %dma_wait3A_296 = tpu.memref_squeeze %dma_wait3A_295 : memref<1x80xi32, #tpu.memory_space<vmem>> -> memref<80xi32, #tpu.memory_space<vmem>>
        %dma_wait3A_297 = arith.constant 0 : i32
        %dma_wait3A_298 = arith.constant 0 : i32
        %dma_wait3A_299 = tpu.memref_slice %arg13[%dma_wait3A_297, %dma_wait3A_298] : memref<10112x128xf32, #tpu.memory_space<vmem_shared>> -> memref<10112x128xf32, #tpu.memory_space<vmem_shared>>
        tpu.wait_indirect_dma semaphore(%arg21 : memref<!tpu.dma_semaphore, #tpu.memory_space<semaphore_mem>>) src(%arg10 : memref<80x128xf32, #tpu.memory_space<vmem>>) dst(%dma_wait3A_299 : memref<10112x128xf32, #tpu.memory_space<vmem_shared>>)
        %add3A_300 = arith.constant 2 : i32
        %add3A_301 = arith.addi %add3A_259, %add3A_300 : i32
        %dma_start3A_302 = arith.constant 0 : i32
        %dma_start3A_303 = arith.constant 0 : i32
        %dma_start3A_304 = tpu.memref_slice %arg9[%dma_start3A_302, %dma_start3A_303] : memref<3x80xi32, #tpu.memory_space<vmem>> -> memref<1x80xi32, #tpu.memory_space<vmem>>
        %dma_start3A_305 = tpu.memref_squeeze %dma_start3A_304 : memref<1x80xi32, #tpu.memory_space<vmem>> -> memref<80xi32, #tpu.memory_space<vmem>>
        %dma_start3A_306 = arith.constant 0 : i32
        %dma_start3A_307 = tpu.memref_slice %arg4[%add3A, %add3A_301, %dma_start3A_306] : memref<32x125x80xi32, #tpu.memory_space<hbm>> -> memref<1x1x80xi32, #tpu.memory_space<hbm>>
        %dma_start3A_308 = tpu.memref_squeeze %dma_start3A_307 : memref<1x1x80xi32, #tpu.memory_space<hbm>> -> memref<80xi32, #tpu.memory_space<hbm>>
        %dma_start3A_309 = arith.constant 0 : i32
        %dma_start3A_310 = tpu.memref_slice %arg9[%dma_start3A_302, %dma_start3A_309] : memref<3x80xi32, #tpu.memory_space<vmem>> -> memref<1x80xi32, #tpu.memory_space<vmem>>
        %dma_start3A_311 = tpu.memref_squeeze %dma_start3A_310 : memref<1x80xi32, #tpu.memory_space<vmem>> -> memref<80xi32, #tpu.memory_space<vmem>>
        %dma_start3A_312 = arith.constant 0 : i32
        %dma_start3A_313 = tpu.memref_slice %arg4[%add3A, %add3A_301, %dma_start3A_312] : memref<32x125x80xi32, #tpu.memory_space<hbm>> -> memref<1x1x80xi32, #tpu.memory_space<hbm>>
        %dma_start3A_314 = tpu.memref_squeeze %dma_start3A_313 : memref<1x1x80xi32, #tpu.memory_space<hbm>> -> memref<80xi32, #tpu.memory_space<hbm>>
        tpu.enqueue_dma source(%dma_start3A_314 : memref<80xi32, #tpu.memory_space<hbm>>) target(%dma_start3A_311 : memref<80xi32, #tpu.memory_space<vmem>>) target_semaphore(%arg15 : memref<!tpu.dma_semaphore, #tpu.memory_space<semaphore_mem>>)
        %add3A_315 = arith.constant 2 : i32
        %add3A_316 = arith.addi %add3A_259, %add3A_315 : i32
        %mul3A_317 = arith.constant 80 : i32
        %mul3A_318 = arith.muli %add3A_316, %mul3A_317 : i32
        %dma_start3A_319 = tpu.memref_slice %arg8[%mul3A_318] : memref<10000xi32, #tpu.memory_space<vmem>> -> memref<80xi32, #tpu.memory_space<vmem>>
        %dma_start3A_320 = arith.constant 0 : i32
        %dma_start3A_321 = arith.constant 0 : i32
        %dma_start3A_322 = tpu.memref_slice %arg2[%dma_start3A_320, %dma_start3A_321] : memref<10000x128xf32, #tpu.memory_space<hbm>> -> memref<10000x128xf32, #tpu.memory_space<hbm>>
        tpu.enqueue_indirect_dma source(%dma_start3A_322 : memref<10000x128xf32, #tpu.memory_space<hbm>>) target(%arg10 : memref<80x128xf32, #tpu.memory_space<vmem>>) offsets(%dma_start3A_319 : memref<80xi32, #tpu.memory_space<vmem>>) semaphore(%arg18 : memref<!tpu.dma_semaphore, #tpu.memory_space<semaphore_mem>>)
      } else {
      }
    }
    %scan3A_146 = arith.constant 41 : i32
    %dma_wait3A_147 = arith.constant 2 : i32
    %dma_wait3A_148 = arith.constant 0 : i32
    %dma_wait3A_149 = tpu.memref_slice %arg9[%dma_wait3A_147, %dma_wait3A_148] : memref<3x80xi32, #tpu.memory_space<vmem>> -> memref<1x80xi32, #tpu.memory_space<vmem>>
    %dma_wait3A_150 = tpu.memref_squeeze %dma_wait3A_149 : memref<1x80xi32, #tpu.memory_space<vmem>> -> memref<80xi32, #tpu.memory_space<vmem>>
    %dma_wait3A_151 = arith.constant 0 : i32
    %dma_wait3A_152 = arith.constant 0 : i32
    %dma_wait3A_153 = tpu.memref_slice %arg13[%dma_wait3A_151, %dma_wait3A_152] : memref<10112x128xf32, #tpu.memory_space<vmem_shared>> -> memref<10112x128xf32, #tpu.memory_space<vmem_shared>>
    tpu.wait_indirect_dma semaphore(%arg23 : memref<!tpu.dma_semaphore, #tpu.memory_space<semaphore_mem>>) src(%arg12 : memref<80x128xf32, #tpu.memory_space<vmem>>) dst(%dma_wait3A_153 : memref<10112x128xf32, #tpu.memory_space<vmem_shared>>)
    %dma_wait3A_154 = arith.constant 0 : i32
    %dma_wait3A_155 = arith.constant 0 : i32
    %dma_wait3A_156 = tpu.memref_slice %arg9[%dma_wait3A_154, %dma_wait3A_155] : memref<3x80xi32, #tpu.memory_space<vmem>> -> memref<1x80xi32, #tpu.memory_space<vmem>>
    %dma_wait3A_157 = tpu.memref_squeeze %dma_wait3A_156 : memref<1x80xi32, #tpu.memory_space<vmem>> -> memref<80xi32, #tpu.memory_space<vmem>>
    %dma_wait3A_158 = arith.constant 0 : i32
    %dma_wait3A_159 = arith.constant 0 : i32
    %dma_wait3A_160 = tpu.memref_slice %arg13[%dma_wait3A_158, %dma_wait3A_159] : memref<10112x128xf32, #tpu.memory_space<vmem_shared>> -> memref<10112x128xf32, #tpu.memory_space<vmem_shared>>
    tpu.wait_indirect_dma semaphore(%arg21 : memref<!tpu.dma_semaphore, #tpu.memory_space<semaphore_mem>>) src(%arg10 : memref<80x128xf32, #tpu.memory_space<vmem>>) dst(%dma_wait3A_160 : memref<10112x128xf32, #tpu.memory_space<vmem_shared>>)
    %dma_wait3A_161 = arith.constant 1 : i32
    %dma_wait3A_162 = arith.constant 0 : i32
    %dma_wait3A_163 = tpu.memref_slice %arg9[%dma_wait3A_161, %dma_wait3A_162] : memref<3x80xi32, #tpu.memory_space<vmem>> -> memref<1x80xi32, #tpu.memory_space<vmem>>
    %dma_wait3A_164 = tpu.memref_squeeze %dma_wait3A_163 : memref<1x80xi32, #tpu.memory_space<vmem>> -> memref<80xi32, #tpu.memory_space<vmem>>
    %dma_wait3A_165 = arith.constant 0 : i32
    %dma_wait3A_166 = arith.constant 0 : i32
    %dma_wait3A_167 = tpu.memref_slice %arg13[%dma_wait3A_165, %dma_wait3A_166] : memref<10112x128xf32, #tpu.memory_space<vmem_shared>> -> memref<10112x128xf32, #tpu.memory_space<vmem_shared>>
    tpu.wait_indirect_dma semaphore(%arg22 : memref<!tpu.dma_semaphore, #tpu.memory_space<semaphore_mem>>) src(%arg11 : memref<80x128xf32, #tpu.memory_space<vmem>>) dst(%dma_wait3A_167 : memref<10112x128xf32, #tpu.memory_space<vmem_shared>>)
    %barrier3A_168 = arith.constant 0 : index
    tpu.barrier barrier_id(%barrier3A_168)
    %eq3A = arith.constant 0 : i32
    %eq3A_169 = arith.cmpi eq, %arg0, %eq3A : i32
    %convert_element_type3A = arith.extui %eq3A_169 : i1 to i32
    %cond3A = arith.constant 0 : i32
    %cond3A_170 = arith.cmpi ne, %convert_element_type3A, %cond3A : i32
    scf.if %cond3A_170 {
      "tpu.region"() ({
        %run_scoped3A = tpu.sem_alloc : memref<!tpu.dma_semaphore, #tpu.memory_space<semaphore_mem>>
        %dma_start3A_176 = arith.constant 0 : i32
        %dma_start3A_177 = tpu.memref_slice %arg6[%mul3A_2, %dma_start3A_176] : memref<10112x128xf32, #tpu.memory_space<hbm>> -> memref<632x128xf32, #tpu.memory_space<hbm>>
        %dma_start3A_178 = arith.constant 0 : i32
        %dma_start3A_179 = tpu.memref_slice %arg13[%mul3A_2, %dma_start3A_178] : memref<10112x128xf32, #tpu.memory_space<vmem_shared>> -> memref<632x128xf32, #tpu.memory_space<vmem_shared>>
        tpu.enqueue_dma source(%dma_start3A_179 : memref<632x128xf32, #tpu.memory_space<vmem_shared>>) target(%dma_start3A_177 : memref<632x128xf32, #tpu.memory_space<hbm>>) target_semaphore(%run_scoped3A : memref<!tpu.dma_semaphore, #tpu.memory_space<semaphore_mem>>)
        %dma_wait3A_180 = arith.constant 0 : i32
        %dma_wait3A_181 = tpu.memref_slice %arg6[%mul3A_2, %dma_wait3A_180] : memref<10112x128xf32, #tpu.memory_space<hbm>> -> memref<632x128xf32, #tpu.memory_space<hbm>>
        %dma_wait3A_182 = arith.constant 0 : i32
        %dma_wait3A_183 = tpu.memref_slice %arg13[%mul3A_2, %dma_wait3A_182] : memref<10112x128xf32, #tpu.memory_space<vmem_shared>> -> memref<632x128xf32, #tpu.memory_space<vmem_shared>>
        tpu.wait_dma2 semaphore(%run_scoped3A : memref<!tpu.dma_semaphore, #tpu.memory_space<semaphore_mem>>) src(%dma_wait3A_183 : memref<632x128xf32, #tpu.memory_space<vmem_shared>>) dst(%dma_wait3A_181 : memref<632x128xf32, #tpu.memory_space<hbm>>)
        tpu.yield
      }) : () -> ()
    } else {
    }
    %eq3A_171 = arith.constant 1 : i32
    %eq3A_172 = arith.cmpi eq, %arg0, %eq3A_171 : i32
    %convert_element_type3A_173 = arith.extui %eq3A_172 : i1 to i32
    %cond3A_174 = arith.constant 0 : i32
    %cond3A_175 = arith.cmpi ne, %convert_element_type3A_173, %cond3A_174 : i32
    scf.if %cond3A_175 {
      "tpu.region"() ({
        %run_scoped3A = tpu.sem_alloc : memref<!tpu.dma_semaphore, #tpu.memory_space<semaphore_mem>>
        %dma_start3A_176 = arith.constant 0 : i32
        %dma_start3A_177 = tpu.memref_slice %arg7[%mul3A_2, %dma_start3A_176] : memref<10112x128xf32, #tpu.memory_space<hbm>> -> memref<632x128xf32, #tpu.memory_space<hbm>>
        %dma_start3A_178 = arith.constant 0 : i32
        %dma_start3A_179 = tpu.memref_slice %arg13[%mul3A_2, %dma_start3A_178] : memref<10112x128xf32, #tpu.memory_space<vmem_shared>> -> memref<632x128xf32, #tpu.memory_space<vmem_shared>>
        tpu.enqueue_dma source(%dma_start3A_179 : memref<632x128xf32, #tpu.memory_space<vmem_shared>>) target(%dma_start3A_177 : memref<632x128xf32, #tpu.memory_space<hbm>>) target_semaphore(%run_scoped3A : memref<!tpu.dma_semaphore, #tpu.memory_space<semaphore_mem>>)
        %dma_wait3A_180 = arith.constant 0 : i32
        %dma_wait3A_181 = tpu.memref_slice %arg7[%mul3A_2, %dma_wait3A_180] : memref<10112x128xf32, #tpu.memory_space<hbm>> -> memref<632x128xf32, #tpu.memory_space<hbm>>
        %dma_wait3A_182 = arith.constant 0 : i32
        %dma_wait3A_183 = tpu.memref_slice %arg13[%mul3A_2, %dma_wait3A_182] : memref<10112x128xf32, #tpu.memory_space<vmem_shared>> -> memref<632x128xf32, #tpu.memory_space<vmem_shared>>
        tpu.wait_dma2 semaphore(%run_scoped3A : memref<!tpu.dma_semaphore, #tpu.memory_space<semaphore_mem>>) src(%dma_wait3A_183 : memref<632x128xf32, #tpu.memory_space<vmem_shared>>) dst(%dma_wait3A_181 : memref<632x128xf32, #tpu.memory_space<hbm>>)
        tpu.yield
      }) : () -> ()
    } else {
    }
    return
  }
}

#map = affine_map<(d0, d1) -> (0, 0)>
#map1 = affine_map<(d0, d1) -> (0)>
#map2 = affine_map<(d0, d1) -> (0, 0, 0)>
module attributes {stable_mosaic.version = 14 : i64} {
  func.func @body(%arg0: i32, %arg1: i32, %arg2: memref<10000x128xf32, #tpu.memory_space<hbm>>, %arg3: memref<320000xi32, #tpu.memory_space<hbm>>, %arg4: memref<32x125x80xi32, #tpu.memory_space<hbm>>, %arg5: memref<10112x128xf32, #tpu.memory_space<hbm>>, %arg6: memref<10112x128xf32, #tpu.memory_space<hbm>>, %arg7: memref<10112x128xf32, #tpu.memory_space<hbm>>, %arg8: memref<10000xi32, #tpu.memory_space<vmem>>, %arg9: memref<3x80xi32, #tpu.memory_space<vmem>>, %arg10: memref<80x128xf32, #tpu.memory_space<vmem>>, %arg11: memref<80x128xf32, #tpu.memory_space<vmem>>, %arg12: memref<80x128xf32, #tpu.memory_space<vmem>>, %arg13: memref<10112x128xf32, #tpu.memory_space<vmem_shared>>, %arg14: memref<!tpu.dma_semaphore, #tpu.memory_space<semaphore_mem>>, %arg15: memref<!tpu.dma_semaphore, #tpu.memory_space<semaphore_mem>>, %arg16: memref<!tpu.dma_semaphore, #tpu.memory_space<semaphore_mem>>, %arg17: memref<!tpu.dma_semaphore, #tpu.memory_space<semaphore_mem>>, %arg18: memref<!tpu.dma_semaphore, #tpu.memory_space<semaphore_mem>>, %arg19: memref<!tpu.dma_semaphore, #tpu.memory_space<semaphore_mem>>, %arg20: memref<!tpu.dma_semaphore, #tpu.memory_space<semaphore_mem>>, %arg21: memref<!tpu.dma_semaphore, #tpu.memory_space<semaphore_mem>>, %arg22: memref<!tpu.dma_semaphore, #tpu.memory_space<semaphore_mem>>, %arg23: memref<!tpu.dma_semaphore, #tpu.memory_space<semaphore_mem>>) attributes {dimension_semantics = [#tpu.dimension_semantics<core_parallel>, #tpu.dimension_semantics<subcore_parallel>], iteration_bounds = array<i64: 2, 16>, scalar_prefetch = 0 : i64, scratch_operands = 16 : i64, tpu.core_type = #tpu.core_type<sc_vector_subcore>, window_params = [{transform_indices = #map}, {transform_indices = #map1}, {transform_indices = #map2}, {transform_indices = #map}, {transform_indices = #map}, {transform_indices = #map}]} {
    %mul3A = arith.constant 2 : i32
    %mul3A_0 = arith.muli %arg1, %mul3A : i32
    %add3A = arith.addi %mul3A_0, %arg0 : i32
    %mul3A_1 = arith.constant 632 : i32
    %mul3A_2 = arith.muli %arg1, %mul3A_1 : i32
    %mul3A_3 = arith.constant 10000 : i32
    %mul3A_4 = arith.muli %add3A, %mul3A_3 : i32
    %dma_start3A = tpu.memref_slice %arg3[%mul3A_4] : memref<320000xi32, #tpu.memory_space<hbm>> -> memref<10000xi32, #tpu.memory_space<hbm>>
    %dma_start3A_5 = tpu.memref_slice %arg3[%mul3A_4] : memref<320000xi32, #tpu.memory_space<hbm>> -> memref<10000xi32, #tpu.memory_space<hbm>>
    tpu.enqueue_dma source(%dma_start3A_5 : memref<10000xi32, #tpu.memory_space<hbm>>) target(%arg8 : memref<10000xi32, #tpu.memory_space<vmem>>) target_semaphore(%arg14 : memref<!tpu.dma_semaphore, #tpu.memory_space<semaphore_mem>>)
    "tpu.region"() ({
      %run_scoped3A = tpu.sem_alloc : memref<!tpu.dma_semaphore, #tpu.memory_space<semaphore_mem>>
      %dma_start3A_176 = arith.constant 0 : i32
      %dma_start3A_177 = tpu.memref_slice %arg13[%mul3A_2, %dma_start3A_176] : memref<10112x128xf32, #tpu.memory_space<vmem_shared>> -> memref<632x128xf32, #tpu.memory_space<vmem_shared>>
      %dma_start3A_178 = arith.constant 0 : i32
      %dma_start3A_179 = tpu.memref_slice %arg5[%mul3A_2, %dma_start3A_178] : memref<10112x128xf32, #tpu.memory_space<hbm>> -> memref<632x128xf32, #tpu.memory_space<hbm>>
      tpu.enqueue_dma source(%dma_start3A_179 : memref<632x128xf32, #tpu.memory_space<hbm>>) target(%dma_start3A_177 : memref<632x128xf32, #tpu.memory_space<vmem_shared>>) target_semaphore(%run_scoped3A : memref<!tpu.dma_semaphore, #tpu.memory_space<semaphore_mem>>)
      %dma_wait3A_180 = arith.constant 0 : i32
      %dma_wait3A_181 = tpu.memref_slice %arg13[%mul3A_2, %dma_wait3A_180] : memref<10112x128xf32, #tpu.memory_space<vmem_shared>> -> memref<632x128xf32, #tpu.memory_space<vmem_shared>>
      %dma_wait3A_182 = arith.constant 0 : i32
      %dma_wait3A_183 = tpu.memref_slice %arg5[%mul3A_2, %dma_wait3A_182] : memref<10112x128xf32, #tpu.memory_space<hbm>> -> memref<632x128xf32, #tpu.memory_space<hbm>>
      tpu.wait_dma2 semaphore(%run_scoped3A : memref<!tpu.dma_semaphore, #tpu.memory_space<semaphore_mem>>) src(%dma_wait3A_183 : memref<632x128xf32, #tpu.memory_space<hbm>>) dst(%dma_wait3A_181 : memref<632x128xf32, #tpu.memory_space<vmem_shared>>)
      tpu.yield
    }) : () -> ()
    %dma_wait3A = tpu.memref_slice %arg3[%mul3A_4] : memref<320000xi32, #tpu.memory_space<hbm>> -> memref<10000xi32, #tpu.memory_space<hbm>>
    %dma_wait3A_6 = tpu.memref_slice %arg3[%mul3A_4] : memref<320000xi32, #tpu.memory_space<hbm>> -> memref<10000xi32, #tpu.memory_space<hbm>>
    tpu.wait_dma2 semaphore(%arg14 : memref<!tpu.dma_semaphore, #tpu.memory_space<semaphore_mem>>) src(%dma_wait3A_6 : memref<10000xi32, #tpu.memory_space<hbm>>) dst(%arg8 : memref<10000xi32, #tpu.memory_space<vmem>>)
    %barrier3A = arith.constant 0 : index
    tpu.barrier barrier_id(%barrier3A)
    %dma_start3A_7 = arith.constant 0 : i32
    %dma_start3A_8 = arith.constant 0 : i32
    %dma_start3A_9 = arith.constant 0 : i32
    %dma_start3A_10 = tpu.memref_slice %arg9[%dma_start3A_8, %dma_start3A_9] : memref<3x80xi32, #tpu.memory_space<vmem>> -> memref<1x80xi32, #tpu.memory_space<vmem>>
    %dma_start3A_11 = tpu.memref_squeeze %dma_start3A_10 : memref<1x80xi32, #tpu.memory_space<vmem>> -> memref<80xi32, #tpu.memory_space<vmem>>
    %dma_start3A_12 = arith.constant 0 : i32
    %dma_start3A_13 = tpu.memref_slice %arg4[%add3A, %dma_start3A_7, %dma_start3A_12] : memref<32x125x80xi32, #tpu.memory_space<hbm>> -> memref<1x1x80xi32, #tpu.memory_space<hbm>>
    %dma_start3A_14 = tpu.memref_squeeze %dma_start3A_13 : memref<1x1x80xi32, #tpu.memory_space<hbm>> -> memref<80xi32, #tpu.memory_space<hbm>>
    %dma_start3A_15 = arith.constant 0 : i32
    %dma_start3A_16 = tpu.memref_slice %arg9[%dma_start3A_8, %dma_start3A_15] : memref<3x80xi32, #tpu.memory_space<vmem>> -> memref<1x80xi32, #tpu.memory_space<vmem>>
    %dma_start3A_17 = tpu.memref_squeeze %dma_start3A_16 : memref<1x80xi32, #tpu.memory_space<vmem>> -> memref<80xi32, #tpu.memory_space<vmem>>
    %dma_start3A_18 = arith.constant 0 : i32
    %dma_start3A_19 = tpu.memref_slice %arg4[%add3A, %dma_start3A_7, %dma_start3A_18] : memref<32x125x80xi32, #tpu.memory_space<hbm>> -> memref<1x1x80xi32, #tpu.memory_space<hbm>>
    %dma_start3A_20 = tpu.memref_squeeze %dma_start3A_19 : memref<1x1x80xi32, #tpu.memory_space<hbm>> -> memref<80xi32, #tpu.memory_space<hbm>>
    tpu.enqueue_dma source(%dma_start3A_20 : memref<80xi32, #tpu.memory_space<hbm>>) target(%dma_start3A_17 : memref<80xi32, #tpu.memory_space<vmem>>) target_semaphore(%arg15 : memref<!tpu.dma_semaphore, #tpu.memory_space<semaphore_mem>>)
    %dma_start3A_21 = arith.constant 1 : i32
    %dma_start3A_22 = arith.constant 1 : i32
    %dma_start3A_23 = arith.constant 0 : i32
    %dma_start3A_24 = tpu.memref_slice %arg9[%dma_start3A_22, %dma_start3A_23] : memref<3x80xi32, #tpu.memory_space<vmem>> -> memref<1x80xi32, #tpu.memory_space<vmem>>
    %dma_start3A_25 = tpu.memref_squeeze %dma_start3A_24 : memref<1x80xi32, #tpu.memory_space<vmem>> -> memref<80xi32, #tpu.memory_space<vmem>>
    %dma_start3A_26 = arith.constant 0 : i32
    %dma_start3A_27 = tpu.memref_slice %arg4[%add3A, %dma_start3A_21, %dma_start3A_26] : memref<32x125x80xi32, #tpu.memory_space<hbm>> -> memref<1x1x80xi32, #tpu.memory_space<hbm>>
    %dma_start3A_28 = tpu.memref_squeeze %dma_start3A_27 : memref<1x1x80xi32, #tpu.memory_space<hbm>> -> memref<80xi32, #tpu.memory_space<hbm>>
    %dma_start3A_29 = arith.constant 0 : i32
    %dma_start3A_30 = tpu.memref_slice %arg9[%dma_start3A_22, %dma_start3A_29] : memref<3x80xi32, #tpu.memory_space<vmem>> -> memref<1x80xi32, #tpu.memory_space<vmem>>
    %dma_start3A_31 = tpu.memref_squeeze %dma_start3A_30 : memref<1x80xi32, #tpu.memory_space<vmem>> -> memref<80xi32, #tpu.memory_space<vmem>>
    %dma_start3A_32 = arith.constant 0 : i32
    %dma_start3A_33 = tpu.memref_slice %arg4[%add3A, %dma_start3A_21, %dma_start3A_32] : memref<32x125x80xi32, #tpu.memory_space<hbm>> -> memref<1x1x80xi32, #tpu.memory_space<hbm>>
    %dma_start3A_34 = tpu.memref_squeeze %dma_start3A_33 : memref<1x1x80xi32, #tpu.memory_space<hbm>> -> memref<80xi32, #tpu.memory_space<hbm>>
    tpu.enqueue_dma source(%dma_start3A_34 : memref<80xi32, #tpu.memory_space<hbm>>) target(%dma_start3A_31 : memref<80xi32, #tpu.memory_space<vmem>>) target_semaphore(%arg16 : memref<!tpu.dma_semaphore, #tpu.memory_space<semaphore_mem>>)
    %dma_start3A_35 = arith.constant 0 : i32
    %dma_start3A_36 = tpu.memref_slice %arg8[%dma_start3A_35] : memref<10000xi32, #tpu.memory_space<vmem>> -> memref<80xi32, #tpu.memory_space<vmem>>
    %dma_start3A_37 = arith.constant 0 : i32
    %dma_start3A_38 = arith.constant 0 : i32
    %dma_start3A_39 = tpu.memref_slice %arg2[%dma_start3A_37, %dma_start3A_38] : memref<10000x128xf32, #tpu.memory_space<hbm>> -> memref<10000x128xf32, #tpu.memory_space<hbm>>
    tpu.enqueue_indirect_dma source(%dma_start3A_39 : memref<10000x128xf32, #tpu.memory_space<hbm>>) target(%arg10 : memref<80x128xf32, #tpu.memory_space<vmem>>) offsets(%dma_start3A_36 : memref<80xi32, #tpu.memory_space<vmem>>) semaphore(%arg18 : memref<!tpu.dma_semaphore, #tpu.memory_space<semaphore_mem>>)
    %dma_start3A_40 = arith.constant 80 : i32
    %dma_start3A_41 = tpu.memref_slice %arg8[%dma_start3A_40] : memref<10000xi32, #tpu.memory_space<vmem>> -> memref<80xi32, #tpu.memory_space<vmem>>
    %dma_start3A_42 = arith.constant 0 : i32
    %dma_start3A_43 = arith.constant 0 : i32
    %dma_start3A_44 = tpu.memref_slice %arg2[%dma_start3A_42, %dma_start3A_43] : memref<10000x128xf32, #tpu.memory_space<hbm>> -> memref<10000x128xf32, #tpu.memory_space<hbm>>
    tpu.enqueue_indirect_dma source(%dma_start3A_44 : memref<10000x128xf32, #tpu.memory_space<hbm>>) target(%arg11 : memref<80x128xf32, #tpu.memory_space<vmem>>) offsets(%dma_start3A_41 : memref<80xi32, #tpu.memory_space<vmem>>) semaphore(%arg19 : memref<!tpu.dma_semaphore, #tpu.memory_space<semaphore_mem>>)
    %dma_wait3A_45 = arith.constant 0 : i32
    %dma_wait3A_46 = tpu.memref_slice %arg8[%dma_wait3A_45] : memref<10000xi32, #tpu.memory_space<vmem>> -> memref<80xi32, #tpu.memory_space<vmem>>
    %dma_wait3A_47 = arith.constant 0 : i32
    %dma_wait3A_48 = arith.constant 0 : i32
    %dma_wait3A_49 = tpu.memref_slice %arg2[%dma_wait3A_47, %dma_wait3A_48] : memref<10000x128xf32, #tpu.memory_space<hbm>> -> memref<10000x128xf32, #tpu.memory_space<hbm>>
    tpu.wait_indirect_dma semaphore(%arg18 : memref<!tpu.dma_semaphore, #tpu.memory_space<semaphore_mem>>) src(%dma_wait3A_49 : memref<10000x128xf32, #tpu.memory_space<hbm>>) dst(%arg10 : memref<80x128xf32, #tpu.memory_space<vmem>>)
    %dma_wait3A_50 = arith.constant 0 : i32
    %dma_wait3A_51 = arith.constant 0 : i32
    %dma_wait3A_52 = arith.constant 0 : i32
    %dma_wait3A_53 = tpu.memref_slice %arg9[%dma_wait3A_51, %dma_wait3A_52] : memref<3x80xi32, #tpu.memory_space<vmem>> -> memref<1x80xi32, #tpu.memory_space<vmem>>
    %dma_wait3A_54 = tpu.memref_squeeze %dma_wait3A_53 : memref<1x80xi32, #tpu.memory_space<vmem>> -> memref<80xi32, #tpu.memory_space<vmem>>
    %dma_wait3A_55 = arith.constant 0 : i32
    %dma_wait3A_56 = tpu.memref_slice %arg4[%add3A, %dma_wait3A_50, %dma_wait3A_55] : memref<32x125x80xi32, #tpu.memory_space<hbm>> -> memref<1x1x80xi32, #tpu.memory_space<hbm>>
    %dma_wait3A_57 = tpu.memref_squeeze %dma_wait3A_56 : memref<1x1x80xi32, #tpu.memory_space<hbm>> -> memref<80xi32, #tpu.memory_space<hbm>>
    %dma_wait3A_58 = arith.constant 0 : i32
    %dma_wait3A_59 = tpu.memref_slice %arg9[%dma_wait3A_51, %dma_wait3A_58] : memref<3x80xi32, #tpu.memory_space<vmem>> -> memref<1x80xi32, #tpu.memory_space<vmem>>
    %dma_wait3A_60 = tpu.memref_squeeze %dma_wait3A_59 : memref<1x80xi32, #tpu.memory_space<vmem>> -> memref<80xi32, #tpu.memory_space<vmem>>
    %dma_wait3A_61 = arith.constant 0 : i32
    %dma_wait3A_62 = tpu.memref_slice %arg4[%add3A, %dma_wait3A_50, %dma_wait3A_61] : memref<32x125x80xi32, #tpu.memory_space<hbm>> -> memref<1x1x80xi32, #tpu.memory_space<hbm>>
    %dma_wait3A_63 = tpu.memref_squeeze %dma_wait3A_62 : memref<1x1x80xi32, #tpu.memory_space<hbm>> -> memref<80xi32, #tpu.memory_space<hbm>>
    tpu.wait_dma2 semaphore(%arg15 : memref<!tpu.dma_semaphore, #tpu.memory_space<semaphore_mem>>) src(%dma_wait3A_63 : memref<80xi32, #tpu.memory_space<hbm>>) dst(%dma_wait3A_60 : memref<80xi32, #tpu.memory_space<vmem>>)
    %dma_start3A_64 = arith.constant 0 : i32
    %dma_start3A_65 = arith.constant 0 : i32
    %dma_start3A_66 = tpu.memref_slice %arg9[%dma_start3A_64, %dma_start3A_65] : memref<3x80xi32, #tpu.memory_space<vmem>> -> memref<1x80xi32, #tpu.memory_space<vmem>>
    %dma_start3A_67 = tpu.memref_squeeze %dma_start3A_66 : memref<1x80xi32, #tpu.memory_space<vmem>> -> memref<80xi32, #tpu.memory_space<vmem>>
    %dma_start3A_68 = arith.constant 0 : i32
    %dma_start3A_69 = arith.constant 0 : i32
    %dma_start3A_70 = tpu.memref_slice %arg13[%dma_start3A_68, %dma_start3A_69] : memref<10112x128xf32, #tpu.memory_space<vmem_shared>> -> memref<10112x128xf32, #tpu.memory_space<vmem_shared>>
    tpu.enqueue_indirect_dma source(%arg10 : memref<80x128xf32, #tpu.memory_space<vmem>>) target(%dma_start3A_70 : memref<10112x128xf32, #tpu.memory_space<vmem_shared>>) offsets(%dma_start3A_67 : memref<80xi32, #tpu.memory_space<vmem>>) semaphore(%arg21 : memref<!tpu.dma_semaphore, #tpu.memory_space<semaphore_mem>>) {add = true}
    %dma_start3A_71 = arith.constant 2 : i32
    %dma_start3A_72 = arith.constant 2 : i32
    %dma_start3A_73 = arith.constant 0 : i32
    %dma_start3A_74 = tpu.memref_slice %arg9[%dma_start3A_72, %dma_start3A_73] : memref<3x80xi32, #tpu.memory_space<vmem>> -> memref<1x80xi32, #tpu.memory_space<vmem>>
    %dma_start3A_75 = tpu.memref_squeeze %dma_start3A_74 : memref<1x80xi32, #tpu.memory_space<vmem>> -> memref<80xi32, #tpu.memory_space<vmem>>
    %dma_start3A_76 = arith.constant 0 : i32
    %dma_start3A_77 = tpu.memref_slice %arg4[%add3A, %dma_start3A_71, %dma_start3A_76] : memref<32x125x80xi32, #tpu.memory_space<hbm>> -> memref<1x1x80xi32, #tpu.memory_space<hbm>>
    %dma_start3A_78 = tpu.memref_squeeze %dma_start3A_77 : memref<1x1x80xi32, #tpu.memory_space<hbm>> -> memref<80xi32, #tpu.memory_space<hbm>>
    %dma_start3A_79 = arith.constant 0 : i32
    %dma_start3A_80 = tpu.memref_slice %arg9[%dma_start3A_72, %dma_start3A_79] : memref<3x80xi32, #tpu.memory_space<vmem>> -> memref<1x80xi32, #tpu.memory_space<vmem>>
    %dma_start3A_81 = tpu.memref_squeeze %dma_start3A_80 : memref<1x80xi32, #tpu.memory_space<vmem>> -> memref<80xi32, #tpu.memory_space<vmem>>
    %dma_start3A_82 = arith.constant 0 : i32
    %dma_start3A_83 = tpu.memref_slice %arg4[%add3A, %dma_start3A_71, %dma_start3A_82] : memref<32x125x80xi32, #tpu.memory_space<hbm>> -> memref<1x1x80xi32, #tpu.memory_space<hbm>>
    %dma_start3A_84 = tpu.memref_squeeze %dma_start3A_83 : memref<1x1x80xi32, #tpu.memory_space<hbm>> -> memref<80xi32, #tpu.memory_space<hbm>>
    tpu.enqueue_dma source(%dma_start3A_84 : memref<80xi32, #tpu.memory_space<hbm>>) target(%dma_start3A_81 : memref<80xi32, #tpu.memory_space<vmem>>) target_semaphore(%arg17 : memref<!tpu.dma_semaphore, #tpu.memory_space<semaphore_mem>>)
    %dma_start3A_85 = arith.constant 160 : i32
    %dma_start3A_86 = tpu.memref_slice %arg8[%dma_start3A_85] : memref<10000xi32, #tpu.memory_space<vmem>> -> memref<80xi32, #tpu.memory_space<vmem>>
    %dma_start3A_87 = arith.constant 0 : i32
    %dma_start3A_88 = arith.constant 0 : i32
    %dma_start3A_89 = tpu.memref_slice %arg2[%dma_start3A_87, %dma_start3A_88] : memref<10000x128xf32, #tpu.memory_space<hbm>> -> memref<10000x128xf32, #tpu.memory_space<hbm>>
    tpu.enqueue_indirect_dma source(%dma_start3A_89 : memref<10000x128xf32, #tpu.memory_space<hbm>>) target(%arg12 : memref<80x128xf32, #tpu.memory_space<vmem>>) offsets(%dma_start3A_86 : memref<80xi32, #tpu.memory_space<vmem>>) semaphore(%arg20 : memref<!tpu.dma_semaphore, #tpu.memory_space<semaphore_mem>>)
    %dma_wait3A_90 = arith.constant 80 : i32
    %dma_wait3A_91 = tpu.memref_slice %arg8[%dma_wait3A_90] : memref<10000xi32, #tpu.memory_space<vmem>> -> memref<80xi32, #tpu.memory_space<vmem>>
    %dma_wait3A_92 = arith.constant 0 : i32
    %dma_wait3A_93 = arith.constant 0 : i32
    %dma_wait3A_94 = tpu.memref_slice %arg2[%dma_wait3A_92, %dma_wait3A_93] : memref<10000x128xf32, #tpu.memory_space<hbm>> -> memref<10000x128xf32, #tpu.memory_space<hbm>>
    tpu.wait_indirect_dma semaphore(%arg19 : memref<!tpu.dma_semaphore, #tpu.memory_space<semaphore_mem>>) src(%dma_wait3A_94 : memref<10000x128xf32, #tpu.memory_space<hbm>>) dst(%arg11 : memref<80x128xf32, #tpu.memory_space<vmem>>)
    %dma_wait3A_95 = arith.constant 1 : i32
    %dma_wait3A_96 = arith.constant 1 : i32
    %dma_wait3A_97 = arith.constant 0 : i32
    %dma_wait3A_98 = tpu.memref_slice %arg9[%dma_wait3A_96, %dma_wait3A_97] : memref<3x80xi32, #tpu.memory_space<vmem>> -> memref<1x80xi32, #tpu.memory_space<vmem>>
    %dma_wait3A_99 = tpu.memref_squeeze %dma_wait3A_98 : memref<1x80xi32, #tpu.memory_space<vmem>> -> memref<80xi32, #tpu.memory_space<vmem>>
    %dma_wait3A_100 = arith.constant 0 : i32
    %dma_wait3A_101 = tpu.memref_slice %arg4[%add3A, %dma_wait3A_95, %dma_wait3A_100] : memref<32x125x80xi32, #tpu.memory_space<hbm>> -> memref<1x1x80xi32, #tpu.memory_space<hbm>>
    %dma_wait3A_102 = tpu.memref_squeeze %dma_wait3A_101 : memref<1x1x80xi32, #tpu.memory_space<hbm>> -> memref<80xi32, #tpu.memory_space<hbm>>
    %dma_wait3A_103 = arith.constant 0 : i32
    %dma_wait3A_104 = tpu.memref_slice %arg9[%dma_wait3A_96, %dma_wait3A_103] : memref<3x80xi32, #tpu.memory_space<vmem>> -> memref<1x80xi32, #tpu.memory_space<vmem>>
    %dma_wait3A_105 = tpu.memref_squeeze %dma_wait3A_104 : memref<1x80xi32, #tpu.memory_space<vmem>> -> memref<80xi32, #tpu.memory_space<vmem>>
    %dma_wait3A_106 = arith.constant 0 : i32
    %dma_wait3A_107 = tpu.memref_slice %arg4[%add3A, %dma_wait3A_95, %dma_wait3A_106] : memref<32x125x80xi32, #tpu.memory_space<hbm>> -> memref<1x1x80xi32, #tpu.memory_space<hbm>>
    %dma_wait3A_108 = tpu.memref_squeeze %dma_wait3A_107 : memref<1x1x80xi32, #tpu.memory_space<hbm>> -> memref<80xi32, #tpu.memory_space<hbm>>
    tpu.wait_dma2 semaphore(%arg16 : memref<!tpu.dma_semaphore, #tpu.memory_space<semaphore_mem>>) src(%dma_wait3A_108 : memref<80xi32, #tpu.memory_space<hbm>>) dst(%dma_wait3A_105 : memref<80xi32, #tpu.memory_space<vmem>>)
    %dma_start3A_109 = arith.constant 1 : i32
    %dma_start3A_110 = arith.constant 0 : i32
    %dma_start3A_111 = tpu.memref_slice %arg9[%dma_start3A_109, %dma_start3A_110] : memref<3x80xi32, #tpu.memory_space<vmem>> -> memref<1x80xi32, #tpu.memory_space<vmem>>
    %dma_start3A_112 = tpu.memref_squeeze %dma_start3A_111 : memref<1x80xi32, #tpu.memory_space<vmem>> -> memref<80xi32, #tpu.memory_space<vmem>>
    %dma_start3A_113 = arith.constant 0 : i32
    %dma_start3A_114 = arith.constant 0 : i32
    %dma_start3A_115 = tpu.memref_slice %arg13[%dma_start3A_113, %dma_start3A_114] : memref<10112x128xf32, #tpu.memory_space<vmem_shared>> -> memref<10112x128xf32, #tpu.memory_space<vmem_shared>>
    tpu.enqueue_indirect_dma source(%arg11 : memref<80x128xf32, #tpu.memory_space<vmem>>) target(%dma_start3A_115 : memref<10112x128xf32, #tpu.memory_space<vmem_shared>>) offsets(%dma_start3A_112 : memref<80xi32, #tpu.memory_space<vmem>>) semaphore(%arg22 : memref<!tpu.dma_semaphore, #tpu.memory_space<semaphore_mem>>) {add = true}
    %dma_wait3A_116 = arith.constant 0 : i32
    %dma_wait3A_117 = arith.constant 0 : i32
    %dma_wait3A_118 = tpu.memref_slice %arg9[%dma_wait3A_116, %dma_wait3A_117] : memref<3x80xi32, #tpu.memory_space<vmem>> -> memref<1x80xi32, #tpu.memory_space<vmem>>
    %dma_wait3A_119 = tpu.memref_squeeze %dma_wait3A_118 : memref<1x80xi32, #tpu.memory_space<vmem>> -> memref<80xi32, #tpu.memory_space<vmem>>
    %dma_wait3A_120 = arith.constant 0 : i32
    %dma_wait3A_121 = arith.constant 0 : i32
    %dma_wait3A_122 = tpu.memref_slice %arg13[%dma_wait3A_120, %dma_wait3A_121] : memref<10112x128xf32, #tpu.memory_space<vmem_shared>> -> memref<10112x128xf32, #tpu.memory_space<vmem_shared>>
    tpu.wait_indirect_dma semaphore(%arg21 : memref<!tpu.dma_semaphore, #tpu.memory_space<semaphore_mem>>) src(%arg10 : memref<80x128xf32, #tpu.memory_space<vmem>>) dst(%dma_wait3A_122 : memref<10112x128xf32, #tpu.memory_space<vmem_shared>>)
    %dma_start3A_123 = arith.constant 3 : i32
    %dma_start3A_124 = arith.constant 0 : i32
    %dma_start3A_125 = arith.constant 0 : i32
    %dma_start3A_126 = tpu.memref_slice %arg9[%dma_start3A_124, %dma_start3A_125] : memref<3x80xi32, #tpu.memory_space<vmem>> -> memref<1x80xi32, #tpu.memory_space<vmem>>
    %dma_start3A_127 = tpu.memref_squeeze %dma_start3A_126 : memref<1x80xi32, #tpu.memory_space<vmem>> -> memref<80xi32, #tpu.memory_space<vmem>>
    %dma_start3A_128 = arith.constant 0 : i32
    %dma_start3A_129 = tpu.memref_slice %arg4[%add3A, %dma_start3A_123, %dma_start3A_128] : memref<32x125x80xi32, #tpu.memory_space<hbm>> -> memref<1x1x80xi32, #tpu.memory_space<hbm>>
    %dma_start3A_130 = tpu.memref_squeeze %dma_start3A_129 : memref<1x1x80xi32, #tpu.memory_space<hbm>> -> memref<80xi32, #tpu.memory_space<hbm>>
    %dma_start3A_131 = arith.constant 0 : i32
    %dma_start3A_132 = tpu.memref_slice %arg9[%dma_start3A_124, %dma_start3A_131] : memref<3x80xi32, #tpu.memory_space<vmem>> -> memref<1x80xi32, #tpu.memory_space<vmem>>
    %dma_start3A_133 = tpu.memref_squeeze %dma_start3A_132 : memref<1x80xi32, #tpu.memory_space<vmem>> -> memref<80xi32, #tpu.memory_space<vmem>>
    %dma_start3A_134 = arith.constant 0 : i32
    %dma_start3A_135 = tpu.memref_slice %arg4[%add3A, %dma_start3A_123, %dma_start3A_134] : memref<32x125x80xi32, #tpu.memory_space<hbm>> -> memref<1x1x80xi32, #tpu.memory_space<hbm>>
    %dma_start3A_136 = tpu.memref_squeeze %dma_start3A_135 : memref<1x1x80xi32, #tpu.memory_space<hbm>> -> memref<80xi32, #tpu.memory_space<hbm>>
    tpu.enqueue_dma source(%dma_start3A_136 : memref<80xi32, #tpu.memory_space<hbm>>) target(%dma_start3A_133 : memref<80xi32, #tpu.memory_space<vmem>>) target_semaphore(%arg15 : memref<!tpu.dma_semaphore, #tpu.memory_space<semaphore_mem>>)
    %dma_start3A_137 = arith.constant 240 : i32
    %dma_start3A_138 = tpu.memref_slice %arg8[%dma_start3A_137] : memref<10000xi32, #tpu.memory_space<vmem>> -> memref<80xi32, #tpu.memory_space<vmem>>
    %dma_start3A_139 = arith.constant 0 : i32
    %dma_start3A_140 = arith.constant 0 : i32
    %dma_start3A_141 = tpu.memref_slice %arg2[%dma_start3A_139, %dma_start3A_140] : memref<10000x128xf32, #tpu.memory_space<hbm>> -> memref<10000x128xf32, #tpu.memory_space<hbm>>
    tpu.enqueue_indirect_dma source(%dma_start3A_141 : memref<10000x128xf32, #tpu.memory_space<hbm>>) target(%arg10 : memref<80x128xf32, #tpu.memory_space<vmem>>) offsets(%dma_start3A_138 : memref<80xi32, #tpu.memory_space<vmem>>) semaphore(%arg18 : memref<!tpu.dma_semaphore, #tpu.memory_space<semaphore_mem>>)
    %scan3A = arith.constant 0 : i32
    %scan3A_142 = arith.constant 0 : i32
    %scan3A_143 = arith.constant 41 : i32
    %scan3A_144 = arith.addi %scan3A_142, %scan3A_143 : i32
    %scan3A_145 = arith.constant 1 : i32
    scf.for %scan3A_176 = %scan3A_142 to %scan3A_144 step %scan3A_145  : i32 {
      %mul3A_177 = arith.constant 3 : i32
      %mul3A_178 = arith.muli %mul3A_177, %scan3A_176 : i32
      %add3A_179 = arith.constant 2 : i32
      %add3A_180 = arith.addi %add3A_179, %mul3A_178 : i32
      %add3A_181 = arith.constant 0 : i32
      %add3A_182 = arith.addi %add3A_180, %add3A_181 : i32
      %mul3A_183 = arith.constant 80 : i32
      %mul3A_184 = arith.muli %add3A_182, %mul3A_183 : i32
      %dma_wait3A_185 = tpu.memref_slice %arg8[%mul3A_184] : memref<10000xi32, #tpu.memory_space<vmem>> -> memref<80xi32, #tpu.memory_space<vmem>>
      %dma_wait3A_186 = arith.constant 0 : i32
      %dma_wait3A_187 = arith.constant 0 : i32
      %dma_wait3A_188 = tpu.memref_slice %arg2[%dma_wait3A_186, %dma_wait3A_187] : memref<10000x128xf32, #tpu.memory_space<hbm>> -> memref<10000x128xf32, #tpu.memory_space<hbm>>
      tpu.wait_indirect_dma semaphore(%arg20 : memref<!tpu.dma_semaphore, #tpu.memory_space<semaphore_mem>>) src(%dma_wait3A_188 : memref<10000x128xf32, #tpu.memory_space<hbm>>) dst(%arg12 : memref<80x128xf32, #tpu.memory_space<vmem>>)
      %dma_wait3A_189 = arith.constant 2 : i32
      %dma_wait3A_190 = arith.constant 0 : i32
      %dma_wait3A_191 = tpu.memref_slice %arg9[%dma_wait3A_189, %dma_wait3A_190] : memref<3x80xi32, #tpu.memory_space<vmem>> -> memref<1x80xi32, #tpu.memory_space<vmem>>
      %dma_wait3A_192 = tpu.memref_squeeze %dma_wait3A_191 : memref<1x80xi32, #tpu.memory_space<vmem>> -> memref<80xi32, #tpu.memory_space<vmem>>
      %dma_wait3A_193 = arith.constant 0 : i32
      %dma_wait3A_194 = tpu.memref_slice %arg4[%add3A, %add3A_182, %dma_wait3A_193] : memref<32x125x80xi32, #tpu.memory_space<hbm>> -> memref<1x1x80xi32, #tpu.memory_space<hbm>>
      %dma_wait3A_195 = tpu.memref_squeeze %dma_wait3A_194 : memref<1x1x80xi32, #tpu.memory_space<hbm>> -> memref<80xi32, #tpu.memory_space<hbm>>
      %dma_wait3A_196 = arith.constant 0 : i32
      %dma_wait3A_197 = tpu.memref_slice %arg9[%dma_wait3A_189, %dma_wait3A_196] : memref<3x80xi32, #tpu.memory_space<vmem>> -> memref<1x80xi32, #tpu.memory_space<vmem>>
      %dma_wait3A_198 = tpu.memref_squeeze %dma_wait3A_197 : memref<1x80xi32, #tpu.memory_space<vmem>> -> memref<80xi32, #tpu.memory_space<vmem>>
      %dma_wait3A_199 = arith.constant 0 : i32
      %dma_wait3A_200 = tpu.memref_slice %arg4[%add3A, %add3A_182, %dma_wait3A_199] : memref<32x125x80xi32, #tpu.memory_space<hbm>> -> memref<1x1x80xi32, #tpu.memory_space<hbm>>
      %dma_wait3A_201 = tpu.memref_squeeze %dma_wait3A_200 : memref<1x1x80xi32, #tpu.memory_space<hbm>> -> memref<80xi32, #tpu.memory_space<hbm>>
      tpu.wait_dma2 semaphore(%arg17 : memref<!tpu.dma_semaphore, #tpu.memory_space<semaphore_mem>>) src(%dma_wait3A_201 : memref<80xi32, #tpu.memory_space<hbm>>) dst(%dma_wait3A_198 : memref<80xi32, #tpu.memory_space<vmem>>)
      %dma_start3A_202 = arith.constant 2 : i32
      %dma_start3A_203 = arith.constant 0 : i32
      %dma_start3A_204 = tpu.memref_slice %arg9[%dma_start3A_202, %dma_start3A_203] : memref<3x80xi32, #tpu.memory_space<vmem>> -> memref<1x80xi32, #tpu.memory_space<vmem>>
      %dma_start3A_205 = tpu.memref_squeeze %dma_start3A_204 : memref<1x80xi32, #tpu.memory_space<vmem>> -> memref<80xi32, #tpu.memory_space<vmem>>
      %dma_start3A_206 = arith.constant 0 : i32
      %dma_start3A_207 = arith.constant 0 : i32
      %dma_start3A_208 = tpu.memref_slice %arg13[%dma_start3A_206, %dma_start3A_207] : memref<10112x128xf32, #tpu.memory_space<vmem_shared>> -> memref<10112x128xf32, #tpu.memory_space<vmem_shared>>
      tpu.enqueue_indirect_dma source(%arg12 : memref<80x128xf32, #tpu.memory_space<vmem>>) target(%dma_start3A_208 : memref<10112x128xf32, #tpu.memory_space<vmem_shared>>) offsets(%dma_start3A_205 : memref<80xi32, #tpu.memory_space<vmem>>) semaphore(%arg23 : memref<!tpu.dma_semaphore, #tpu.memory_space<semaphore_mem>>) {add = true}
      %add3A_209 = arith.constant 2 : i32
      %add3A_210 = arith.addi %add3A_182, %add3A_209 : i32
      %lt3A = arith.constant 125 : i32
      %lt3A_211 = arith.cmpi slt, %add3A_210, %lt3A : i32
      %convert_element_type3A_212 = arith.extui %lt3A_211 : i1 to i32
      %cond3A_213 = arith.constant 0 : i32
      %cond3A_214 = arith.cmpi ne, %convert_element_type3A_212, %cond3A_213 : i32
      scf.if %cond3A_214 {
        %dma_wait3A_293 = arith.constant 1 : i32
        %dma_wait3A_294 = arith.constant 0 : i32
        %dma_wait3A_295 = tpu.memref_slice %arg9[%dma_wait3A_293, %dma_wait3A_294] : memref<3x80xi32, #tpu.memory_space<vmem>> -> memref<1x80xi32, #tpu.memory_space<vmem>>
        %dma_wait3A_296 = tpu.memref_squeeze %dma_wait3A_295 : memref<1x80xi32, #tpu.memory_space<vmem>> -> memref<80xi32, #tpu.memory_space<vmem>>
        %dma_wait3A_297 = arith.constant 0 : i32
        %dma_wait3A_298 = arith.constant 0 : i32
        %dma_wait3A_299 = tpu.memref_slice %arg13[%dma_wait3A_297, %dma_wait3A_298] : memref<10112x128xf32, #tpu.memory_space<vmem_shared>> -> memref<10112x128xf32, #tpu.memory_space<vmem_shared>>
        tpu.wait_indirect_dma semaphore(%arg22 : memref<!tpu.dma_semaphore, #tpu.memory_space<semaphore_mem>>) src(%arg11 : memref<80x128xf32, #tpu.memory_space<vmem>>) dst(%dma_wait3A_299 : memref<10112x128xf32, #tpu.memory_space<vmem_shared>>)
        %add3A_300 = arith.constant 2 : i32
        %add3A_301 = arith.addi %add3A_182, %add3A_300 : i32
        %dma_start3A_302 = arith.constant 1 : i32
        %dma_start3A_303 = arith.constant 0 : i32
        %dma_start3A_304 = tpu.memref_slice %arg9[%dma_start3A_302, %dma_start3A_303] : memref<3x80xi32, #tpu.memory_space<vmem>> -> memref<1x80xi32, #tpu.memory_space<vmem>>
        %dma_start3A_305 = tpu.memref_squeeze %dma_start3A_304 : memref<1x80xi32, #tpu.memory_space<vmem>> -> memref<80xi32, #tpu.memory_space<vmem>>
        %dma_start3A_306 = arith.constant 0 : i32
        %dma_start3A_307 = tpu.memref_slice %arg4[%add3A, %add3A_301, %dma_start3A_306] : memref<32x125x80xi32, #tpu.memory_space<hbm>> -> memref<1x1x80xi32, #tpu.memory_space<hbm>>
        %dma_start3A_308 = tpu.memref_squeeze %dma_start3A_307 : memref<1x1x80xi32, #tpu.memory_space<hbm>> -> memref<80xi32, #tpu.memory_space<hbm>>
        %dma_start3A_309 = arith.constant 0 : i32
        %dma_start3A_310 = tpu.memref_slice %arg9[%dma_start3A_302, %dma_start3A_309] : memref<3x80xi32, #tpu.memory_space<vmem>> -> memref<1x80xi32, #tpu.memory_space<vmem>>
        %dma_start3A_311 = tpu.memref_squeeze %dma_start3A_310 : memref<1x80xi32, #tpu.memory_space<vmem>> -> memref<80xi32, #tpu.memory_space<vmem>>
        %dma_start3A_312 = arith.constant 0 : i32
        %dma_start3A_313 = tpu.memref_slice %arg4[%add3A, %add3A_301, %dma_start3A_312] : memref<32x125x80xi32, #tpu.memory_space<hbm>> -> memref<1x1x80xi32, #tpu.memory_space<hbm>>
        %dma_start3A_314 = tpu.memref_squeeze %dma_start3A_313 : memref<1x1x80xi32, #tpu.memory_space<hbm>> -> memref<80xi32, #tpu.memory_space<hbm>>
        tpu.enqueue_dma source(%dma_start3A_314 : memref<80xi32, #tpu.memory_space<hbm>>) target(%dma_start3A_311 : memref<80xi32, #tpu.memory_space<vmem>>) target_semaphore(%arg16 : memref<!tpu.dma_semaphore, #tpu.memory_space<semaphore_mem>>)
        %add3A_315 = arith.constant 2 : i32
        %add3A_316 = arith.addi %add3A_182, %add3A_315 : i32
        %mul3A_317 = arith.constant 80 : i32
        %mul3A_318 = arith.muli %add3A_316, %mul3A_317 : i32
        %dma_start3A_319 = tpu.memref_slice %arg8[%mul3A_318] : memref<10000xi32, #tpu.memory_space<vmem>> -> memref<80xi32, #tpu.memory_space<vmem>>
        %dma_start3A_320 = arith.constant 0 : i32
        %dma_start3A_321 = arith.constant 0 : i32
        %dma_start3A_322 = tpu.memref_slice %arg2[%dma_start3A_320, %dma_start3A_321] : memref<10000x128xf32, #tpu.memory_space<hbm>> -> memref<10000x128xf32, #tpu.memory_space<hbm>>
        tpu.enqueue_indirect_dma source(%dma_start3A_322 : memref<10000x128xf32, #tpu.memory_space<hbm>>) target(%arg11 : memref<80x128xf32, #tpu.memory_space<vmem>>) offsets(%dma_start3A_319 : memref<80xi32, #tpu.memory_space<vmem>>) semaphore(%arg19 : memref<!tpu.dma_semaphore, #tpu.memory_space<semaphore_mem>>)
      } else {
      }
      %mul3A_215 = arith.constant 3 : i32
      %mul3A_216 = arith.muli %mul3A_215, %scan3A_176 : i32
      %add3A_217 = arith.constant 2 : i32
      %add3A_218 = arith.addi %add3A_217, %mul3A_216 : i32
      %add3A_219 = arith.constant 1 : i32
      %add3A_220 = arith.addi %add3A_218, %add3A_219 : i32
      %mul3A_221 = arith.constant 80 : i32
      %mul3A_222 = arith.muli %add3A_220, %mul3A_221 : i32
      %dma_wait3A_223 = tpu.memref_slice %arg8[%mul3A_222] : memref<10000xi32, #tpu.memory_space<vmem>> -> memref<80xi32, #tpu.memory_space<vmem>>
      %dma_wait3A_224 = arith.constant 0 : i32
      %dma_wait3A_225 = arith.constant 0 : i32
      %dma_wait3A_226 = tpu.memref_slice %arg2[%dma_wait3A_224, %dma_wait3A_225] : memref<10000x128xf32, #tpu.memory_space<hbm>> -> memref<10000x128xf32, #tpu.memory_space<hbm>>
      tpu.wait_indirect_dma semaphore(%arg18 : memref<!tpu.dma_semaphore, #tpu.memory_space<semaphore_mem>>) src(%dma_wait3A_226 : memref<10000x128xf32, #tpu.memory_space<hbm>>) dst(%arg10 : memref<80x128xf32, #tpu.memory_space<vmem>>)
      %dma_wait3A_227 = arith.constant 0 : i32
      %dma_wait3A_228 = arith.constant 0 : i32
      %dma_wait3A_229 = tpu.memref_slice %arg9[%dma_wait3A_227, %dma_wait3A_228] : memref<3x80xi32, #tpu.memory_space<vmem>> -> memref<1x80xi32, #tpu.memory_space<vmem>>
      %dma_wait3A_230 = tpu.memref_squeeze %dma_wait3A_229 : memref<1x80xi32, #tpu.memory_space<vmem>> -> memref<80xi32, #tpu.memory_space<vmem>>
      %dma_wait3A_231 = arith.constant 0 : i32
      %dma_wait3A_232 = tpu.memref_slice %arg4[%add3A, %add3A_220, %dma_wait3A_231] : memref<32x125x80xi32, #tpu.memory_space<hbm>> -> memref<1x1x80xi32, #tpu.memory_space<hbm>>
      %dma_wait3A_233 = tpu.memref_squeeze %dma_wait3A_232 : memref<1x1x80xi32, #tpu.memory_space<hbm>> -> memref<80xi32, #tpu.memory_space<hbm>>
      %dma_wait3A_234 = arith.constant 0 : i32
      %dma_wait3A_235 = tpu.memref_slice %arg9[%dma_wait3A_227, %dma_wait3A_234] : memref<3x80xi32, #tpu.memory_space<vmem>> -> memref<1x80xi32, #tpu.memory_space<vmem>>
      %dma_wait3A_236 = tpu.memref_squeeze %dma_wait3A_235 : memref<1x80xi32, #tpu.memory_space<vmem>> -> memref<80xi32, #tpu.memory_space<vmem>>
      %dma_wait3A_237 = arith.constant 0 : i32
      %dma_wait3A_238 = tpu.memref_slice %arg4[%add3A, %add3A_220, %dma_wait3A_237] : memref<32x125x80xi32, #tpu.memory_space<hbm>> -> memref<1x1x80xi32, #tpu.memory_space<hbm>>
      %dma_wait3A_239 = tpu.memref_squeeze %dma_wait3A_238 : memref<1x1x80xi32, #tpu.memory_space<hbm>> -> memref<80xi32, #tpu.memory_space<hbm>>
      tpu.wait_dma2 semaphore(%arg15 : memref<!tpu.dma_semaphore, #tpu.memory_space<semaphore_mem>>) src(%dma_wait3A_239 : memref<80xi32, #tpu.memory_space<hbm>>) dst(%dma_wait3A_236 : memref<80xi32, #tpu.memory_space<vmem>>)
      %dma_start3A_240 = arith.constant 0 : i32
      %dma_start3A_241 = arith.constant 0 : i32
      %dma_start3A_242 = tpu.memref_slice %arg9[%dma_start3A_240, %dma_start3A_241] : memref<3x80xi32, #tpu.memory_space<vmem>> -> memref<1x80xi32, #tpu.memory_space<vmem>>
      %dma_start3A_243 = tpu.memref_squeeze %dma_start3A_242 : memref<1x80xi32, #tpu.memory_space<vmem>> -> memref<80xi32, #tpu.memory_space<vmem>>
      %dma_start3A_244 = arith.constant 0 : i32
      %dma_start3A_245 = arith.constant 0 : i32
      %dma_start3A_246 = tpu.memref_slice %arg13[%dma_start3A_244, %dma_start3A_245] : memref<10112x128xf32, #tpu.memory_space<vmem_shared>> -> memref<10112x128xf32, #tpu.memory_space<vmem_shared>>
      tpu.enqueue_indirect_dma source(%arg10 : memref<80x128xf32, #tpu.memory_space<vmem>>) target(%dma_start3A_246 : memref<10112x128xf32, #tpu.memory_space<vmem_shared>>) offsets(%dma_start3A_243 : memref<80xi32, #tpu.memory_space<vmem>>) semaphore(%arg21 : memref<!tpu.dma_semaphore, #tpu.memory_space<semaphore_mem>>) {add = true}
      %add3A_247 = arith.constant 2 : i32
      %add3A_248 = arith.addi %add3A_220, %add3A_247 : i32
      %lt3A_249 = arith.constant 125 : i32
      %lt3A_250 = arith.cmpi slt, %add3A_248, %lt3A_249 : i32
      %convert_element_type3A_251 = arith.extui %lt3A_250 : i1 to i32
      %cond3A_252 = arith.constant 0 : i32
      %cond3A_253 = arith.cmpi ne, %convert_element_type3A_251, %cond3A_252 : i32
      scf.if %cond3A_253 {
        %dma_wait3A_293 = arith.constant 2 : i32
        %dma_wait3A_294 = arith.constant 0 : i32
        %dma_wait3A_295 = tpu.memref_slice %arg9[%dma_wait3A_293, %dma_wait3A_294] : memref<3x80xi32, #tpu.memory_space<vmem>> -> memref<1x80xi32, #tpu.memory_space<vmem>>
        %dma_wait3A_296 = tpu.memref_squeeze %dma_wait3A_295 : memref<1x80xi32, #tpu.memory_space<vmem>> -> memref<80xi32, #tpu.memory_space<vmem>>
        %dma_wait3A_297 = arith.constant 0 : i32
        %dma_wait3A_298 = arith.constant 0 : i32
        %dma_wait3A_299 = tpu.memref_slice %arg13[%dma_wait3A_297, %dma_wait3A_298] : memref<10112x128xf32, #tpu.memory_space<vmem_shared>> -> memref<10112x128xf32, #tpu.memory_space<vmem_shared>>
        tpu.wait_indirect_dma semaphore(%arg23 : memref<!tpu.dma_semaphore, #tpu.memory_space<semaphore_mem>>) src(%arg12 : memref<80x128xf32, #tpu.memory_space<vmem>>) dst(%dma_wait3A_299 : memref<10112x128xf32, #tpu.memory_space<vmem_shared>>)
        %add3A_300 = arith.constant 2 : i32
        %add3A_301 = arith.addi %add3A_220, %add3A_300 : i32
        %dma_start3A_302 = arith.constant 2 : i32
        %dma_start3A_303 = arith.constant 0 : i32
        %dma_start3A_304 = tpu.memref_slice %arg9[%dma_start3A_302, %dma_start3A_303] : memref<3x80xi32, #tpu.memory_space<vmem>> -> memref<1x80xi32, #tpu.memory_space<vmem>>
        %dma_start3A_305 = tpu.memref_squeeze %dma_start3A_304 : memref<1x80xi32, #tpu.memory_space<vmem>> -> memref<80xi32, #tpu.memory_space<vmem>>
        %dma_start3A_306 = arith.constant 0 : i32
        %dma_start3A_307 = tpu.memref_slice %arg4[%add3A, %add3A_301, %dma_start3A_306] : memref<32x125x80xi32, #tpu.memory_space<hbm>> -> memref<1x1x80xi32, #tpu.memory_space<hbm>>
        %dma_start3A_308 = tpu.memref_squeeze %dma_start3A_307 : memref<1x1x80xi32, #tpu.memory_space<hbm>> -> memref<80xi32, #tpu.memory_space<hbm>>
        %dma_start3A_309 = arith.constant 0 : i32
        %dma_start3A_310 = tpu.memref_slice %arg9[%dma_start3A_302, %dma_start3A_309] : memref<3x80xi32, #tpu.memory_space<vmem>> -> memref<1x80xi32, #tpu.memory_space<vmem>>
        %dma_start3A_311 = tpu.memref_squeeze %dma_start3A_310 : memref<1x80xi32, #tpu.memory_space<vmem>> -> memref<80xi32, #tpu.memory_space<vmem>>
        %dma_start3A_312 = arith.constant 0 : i32
        %dma_start3A_313 = tpu.memref_slice %arg4[%add3A, %add3A_301, %dma_start3A_312] : memref<32x125x80xi32, #tpu.memory_space<hbm>> -> memref<1x1x80xi32, #tpu.memory_space<hbm>>
        %dma_start3A_314 = tpu.memref_squeeze %dma_start3A_313 : memref<1x1x80xi32, #tpu.memory_space<hbm>> -> memref<80xi32, #tpu.memory_space<hbm>>
        tpu.enqueue_dma source(%dma_start3A_314 : memref<80xi32, #tpu.memory_space<hbm>>) target(%dma_start3A_311 : memref<80xi32, #tpu.memory_space<vmem>>) target_semaphore(%arg17 : memref<!tpu.dma_semaphore, #tpu.memory_space<semaphore_mem>>)
        %add3A_315 = arith.constant 2 : i32
        %add3A_316 = arith.addi %add3A_220, %add3A_315 : i32
        %mul3A_317 = arith.constant 80 : i32
        %mul3A_318 = arith.muli %add3A_316, %mul3A_317 : i32
        %dma_start3A_319 = tpu.memref_slice %arg8[%mul3A_318] : memref<10000xi32, #tpu.memory_space<vmem>> -> memref<80xi32, #tpu.memory_space<vmem>>
        %dma_start3A_320 = arith.constant 0 : i32
        %dma_start3A_321 = arith.constant 0 : i32
        %dma_start3A_322 = tpu.memref_slice %arg2[%dma_start3A_320, %dma_start3A_321] : memref<10000x128xf32, #tpu.memory_space<hbm>> -> memref<10000x128xf32, #tpu.memory_space<hbm>>
        tpu.enqueue_indirect_dma source(%dma_start3A_322 : memref<10000x128xf32, #tpu.memory_space<hbm>>) target(%arg12 : memref<80x128xf32, #tpu.memory_space<vmem>>) offsets(%dma_start3A_319 : memref<80xi32, #tpu.memory_space<vmem>>) semaphore(%arg20 : memref<!tpu.dma_semaphore, #tpu.memory_space<semaphore_mem>>)
      } else {
      }
      %mul3A_254 = arith.constant 3 : i32
      %mul3A_255 = arith.muli %mul3A_254, %scan3A_176 : i32
      %add3A_256 = arith.constant 2 : i32
      %add3A_257 = arith.addi %add3A_256, %mul3A_255 : i32
      %add3A_258 = arith.constant 2 : i32
      %add3A_259 = arith.addi %add3A_257, %add3A_258 : i32
      %mul3A_260 = arith.constant 80 : i32
      %mul3A_261 = arith.muli %add3A_259, %mul3A_260 : i32
      %dma_wait3A_262 = tpu.memref_slice %arg8[%mul3A_261] : memref<10000xi32, #tpu.memory_space<vmem>> -> memref<80xi32, #tpu.memory_space<vmem>>
      %dma_wait3A_263 = arith.constant 0 : i32
      %dma_wait3A_264 = arith.constant 0 : i32
      %dma_wait3A_265 = tpu.memref_slice %arg2[%dma_wait3A_263, %dma_wait3A_264] : memref<10000x128xf32, #tpu.memory_space<hbm>> -> memref<10000x128xf32, #tpu.memory_space<hbm>>
      tpu.wait_indirect_dma semaphore(%arg19 : memref<!tpu.dma_semaphore, #tpu.memory_space<semaphore_mem>>) src(%dma_wait3A_265 : memref<10000x128xf32, #tpu.memory_space<hbm>>) dst(%arg11 : memref<80x128xf32, #tpu.memory_space<vmem>>)
      %dma_wait3A_266 = arith.constant 1 : i32
      %dma_wait3A_267 = arith.constant 0 : i32
      %dma_wait3A_268 = tpu.memref_slice %arg9[%dma_wait3A_266, %dma_wait3A_267] : memref<3x80xi32, #tpu.memory_space<vmem>> -> memref<1x80xi32, #tpu.memory_space<vmem>>
      %dma_wait3A_269 = tpu.memref_squeeze %dma_wait3A_268 : memref<1x80xi32, #tpu.memory_space<vmem>> -> memref<80xi32, #tpu.memory_space<vmem>>
      %dma_wait3A_270 = arith.constant 0 : i32
      %dma_wait3A_271 = tpu.memref_slice %arg4[%add3A, %add3A_259, %dma_wait3A_270] : memref<32x125x80xi32, #tpu.memory_space<hbm>> -> memref<1x1x80xi32, #tpu.memory_space<hbm>>
      %dma_wait3A_272 = tpu.memref_squeeze %dma_wait3A_271 : memref<1x1x80xi32, #tpu.memory_space<hbm>> -> memref<80xi32, #tpu.memory_space<hbm>>
      %dma_wait3A_273 = arith.constant 0 : i32
      %dma_wait3A_274 = tpu.memref_slice %arg9[%dma_wait3A_266, %dma_wait3A_273] : memref<3x80xi32, #tpu.memory_space<vmem>> -> memref<1x80xi32, #tpu.memory_space<vmem>>
      %dma_wait3A_275 = tpu.memref_squeeze %dma_wait3A_274 : memref<1x80xi32, #tpu.memory_space<vmem>> -> memref<80xi32, #tpu.memory_space<vmem>>
      %dma_wait3A_276 = arith.constant 0 : i32
      %dma_wait3A_277 = tpu.memref_slice %arg4[%add3A, %add3A_259, %dma_wait3A_276] : memref<32x125x80xi32, #tpu.memory_space<hbm>> -> memref<1x1x80xi32, #tpu.memory_space<hbm>>
      %dma_wait3A_278 = tpu.memref_squeeze %dma_wait3A_277 : memref<1x1x80xi32, #tpu.memory_space<hbm>> -> memref<80xi32, #tpu.memory_space<hbm>>
      tpu.wait_dma2 semaphore(%arg16 : memref<!tpu.dma_semaphore, #tpu.memory_space<semaphore_mem>>) src(%dma_wait3A_278 : memref<80xi32, #tpu.memory_space<hbm>>) dst(%dma_wait3A_275 : memref<80xi32, #tpu.memory_space<vmem>>)
      %dma_start3A_279 = arith.constant 1 : i32
      %dma_start3A_280 = arith.constant 0 : i32
      %dma_start3A_281 = tpu.memref_slice %arg9[%dma_start3A_279, %dma_start3A_280] : memref<3x80xi32, #tpu.memory_space<vmem>> -> memref<1x80xi32, #tpu.memory_space<vmem>>
      %dma_start3A_282 = tpu.memref_squeeze %dma_start3A_281 : memref<1x80xi32, #tpu.memory_space<vmem>> -> memref<80xi32, #tpu.memory_space<vmem>>
      %dma_start3A_283 = arith.constant 0 : i32
      %dma_start3A_284 = arith.constant 0 : i32
      %dma_start3A_285 = tpu.memref_slice %arg13[%dma_start3A_283, %dma_start3A_284] : memref<10112x128xf32, #tpu.memory_space<vmem_shared>> -> memref<10112x128xf32, #tpu.memory_space<vmem_shared>>
      tpu.enqueue_indirect_dma source(%arg11 : memref<80x128xf32, #tpu.memory_space<vmem>>) target(%dma_start3A_285 : memref<10112x128xf32, #tpu.memory_space<vmem_shared>>) offsets(%dma_start3A_282 : memref<80xi32, #tpu.memory_space<vmem>>) semaphore(%arg22 : memref<!tpu.dma_semaphore, #tpu.memory_space<semaphore_mem>>) {add = true}
      %add3A_286 = arith.constant 2 : i32
      %add3A_287 = arith.addi %add3A_259, %add3A_286 : i32
      %lt3A_288 = arith.constant 125 : i32
      %lt3A_289 = arith.cmpi slt, %add3A_287, %lt3A_288 : i32
      %convert_element_type3A_290 = arith.extui %lt3A_289 : i1 to i32
      %cond3A_291 = arith.constant 0 : i32
      %cond3A_292 = arith.cmpi ne, %convert_element_type3A_290, %cond3A_291 : i32
      scf.if %cond3A_292 {
        %dma_wait3A_293 = arith.constant 0 : i32
        %dma_wait3A_294 = arith.constant 0 : i32
        %dma_wait3A_295 = tpu.memref_slice %arg9[%dma_wait3A_293, %dma_wait3A_294] : memref<3x80xi32, #tpu.memory_space<vmem>> -> memref<1x80xi32, #tpu.memory_space<vmem>>
        %dma_wait3A_296 = tpu.memref_squeeze %dma_wait3A_295 : memref<1x80xi32, #tpu.memory_space<vmem>> -> memref<80xi32, #tpu.memory_space<vmem>>
        %dma_wait3A_297 = arith.constant 0 : i32
        %dma_wait3A_298 = arith.constant 0 : i32
        %dma_wait3A_299 = tpu.memref_slice %arg13[%dma_wait3A_297, %dma_wait3A_298] : memref<10112x128xf32, #tpu.memory_space<vmem_shared>> -> memref<10112x128xf32, #tpu.memory_space<vmem_shared>>
        tpu.wait_indirect_dma semaphore(%arg21 : memref<!tpu.dma_semaphore, #tpu.memory_space<semaphore_mem>>) src(%arg10 : memref<80x128xf32, #tpu.memory_space<vmem>>) dst(%dma_wait3A_299 : memref<10112x128xf32, #tpu.memory_space<vmem_shared>>)
        %add3A_300 = arith.constant 2 : i32
        %add3A_301 = arith.addi %add3A_259, %add3A_300 : i32
        %dma_start3A_302 = arith.constant 0 : i32
        %dma_start3A_303 = arith.constant 0 : i32
        %dma_start3A_304 = tpu.memref_slice %arg9[%dma_start3A_302, %dma_start3A_303] : memref<3x80xi32, #tpu.memory_space<vmem>> -> memref<1x80xi32, #tpu.memory_space<vmem>>
        %dma_start3A_305 = tpu.memref_squeeze %dma_start3A_304 : memref<1x80xi32, #tpu.memory_space<vmem>> -> memref<80xi32, #tpu.memory_space<vmem>>
        %dma_start3A_306 = arith.constant 0 : i32
        %dma_start3A_307 = tpu.memref_slice %arg4[%add3A, %add3A_301, %dma_start3A_306] : memref<32x125x80xi32, #tpu.memory_space<hbm>> -> memref<1x1x80xi32, #tpu.memory_space<hbm>>
        %dma_start3A_308 = tpu.memref_squeeze %dma_start3A_307 : memref<1x1x80xi32, #tpu.memory_space<hbm>> -> memref<80xi32, #tpu.memory_space<hbm>>
        %dma_start3A_309 = arith.constant 0 : i32
        %dma_start3A_310 = tpu.memref_slice %arg9[%dma_start3A_302, %dma_start3A_309] : memref<3x80xi32, #tpu.memory_space<vmem>> -> memref<1x80xi32, #tpu.memory_space<vmem>>
        %dma_start3A_311 = tpu.memref_squeeze %dma_start3A_310 : memref<1x80xi32, #tpu.memory_space<vmem>> -> memref<80xi32, #tpu.memory_space<vmem>>
        %dma_start3A_312 = arith.constant 0 : i32
        %dma_start3A_313 = tpu.memref_slice %arg4[%add3A, %add3A_301, %dma_start3A_312] : memref<32x125x80xi32, #tpu.memory_space<hbm>> -> memref<1x1x80xi32, #tpu.memory_space<hbm>>
        %dma_start3A_314 = tpu.memref_squeeze %dma_start3A_313 : memref<1x1x80xi32, #tpu.memory_space<hbm>> -> memref<80xi32, #tpu.memory_space<hbm>>
        tpu.enqueue_dma source(%dma_start3A_314 : memref<80xi32, #tpu.memory_space<hbm>>) target(%dma_start3A_311 : memref<80xi32, #tpu.memory_space<vmem>>) target_semaphore(%arg15 : memref<!tpu.dma_semaphore, #tpu.memory_space<semaphore_mem>>)
        %add3A_315 = arith.constant 2 : i32
        %add3A_316 = arith.addi %add3A_259, %add3A_315 : i32
        %mul3A_317 = arith.constant 80 : i32
        %mul3A_318 = arith.muli %add3A_316, %mul3A_317 : i32
        %dma_start3A_319 = tpu.memref_slice %arg8[%mul3A_318] : memref<10000xi32, #tpu.memory_space<vmem>> -> memref<80xi32, #tpu.memory_space<vmem>>
        %dma_start3A_320 = arith.constant 0 : i32
        %dma_start3A_321 = arith.constant 0 : i32
        %dma_start3A_322 = tpu.memref_slice %arg2[%dma_start3A_320, %dma_start3A_321] : memref<10000x128xf32, #tpu.memory_space<hbm>> -> memref<10000x128xf32, #tpu.memory_space<hbm>>
        tpu.enqueue_indirect_dma source(%dma_start3A_322 : memref<10000x128xf32, #tpu.memory_space<hbm>>) target(%arg10 : memref<80x128xf32, #tpu.memory_space<vmem>>) offsets(%dma_start3A_319 : memref<80xi32, #tpu.memory_space<vmem>>) semaphore(%arg18 : memref<!tpu.dma_semaphore, #tpu.memory_space<semaphore_mem>>)
      } else {
      }
    }
    %scan3A_146 = arith.constant 41 : i32
    %dma_wait3A_147 = arith.constant 2 : i32
    %dma_wait3A_148 = arith.constant 0 : i32
    %dma_wait3A_149 = tpu.memref_slice %arg9[%dma_wait3A_147, %dma_wait3A_148] : memref<3x80xi32, #tpu.memory_space<vmem>> -> memref<1x80xi32, #tpu.memory_space<vmem>>
    %dma_wait3A_150 = tpu.memref_squeeze %dma_wait3A_149 : memref<1x80xi32, #tpu.memory_space<vmem>> -> memref<80xi32, #tpu.memory_space<vmem>>
    %dma_wait3A_151 = arith.constant 0 : i32
    %dma_wait3A_152 = arith.constant 0 : i32
    %dma_wait3A_153 = tpu.memref_slice %arg13[%dma_wait3A_151, %dma_wait3A_152] : memref<10112x128xf32, #tpu.memory_space<vmem_shared>> -> memref<10112x128xf32, #tpu.memory_space<vmem_shared>>
    tpu.wait_indirect_dma semaphore(%arg23 : memref<!tpu.dma_semaphore, #tpu.memory_space<semaphore_mem>>) src(%arg12 : memref<80x128xf32, #tpu.memory_space<vmem>>) dst(%dma_wait3A_153 : memref<10112x128xf32, #tpu.memory_space<vmem_shared>>)
    %dma_wait3A_154 = arith.constant 0 : i32
    %dma_wait3A_155 = arith.constant 0 : i32
    %dma_wait3A_156 = tpu.memref_slice %arg9[%dma_wait3A_154, %dma_wait3A_155] : memref<3x80xi32, #tpu.memory_space<vmem>> -> memref<1x80xi32, #tpu.memory_space<vmem>>
    %dma_wait3A_157 = tpu.memref_squeeze %dma_wait3A_156 : memref<1x80xi32, #tpu.memory_space<vmem>> -> memref<80xi32, #tpu.memory_space<vmem>>
    %dma_wait3A_158 = arith.constant 0 : i32
    %dma_wait3A_159 = arith.constant 0 : i32
    %dma_wait3A_160 = tpu.memref_slice %arg13[%dma_wait3A_158, %dma_wait3A_159] : memref<10112x128xf32, #tpu.memory_space<vmem_shared>> -> memref<10112x128xf32, #tpu.memory_space<vmem_shared>>
    tpu.wait_indirect_dma semaphore(%arg21 : memref<!tpu.dma_semaphore, #tpu.memory_space<semaphore_mem>>) src(%arg10 : memref<80x128xf32, #tpu.memory_space<vmem>>) dst(%dma_wait3A_160 : memref<10112x128xf32, #tpu.memory_space<vmem_shared>>)
    %dma_wait3A_161 = arith.constant 1 : i32
    %dma_wait3A_162 = arith.constant 0 : i32
    %dma_wait3A_163 = tpu.memref_slice %arg9[%dma_wait3A_161, %dma_wait3A_162] : memref<3x80xi32, #tpu.memory_space<vmem>> -> memref<1x80xi32, #tpu.memory_space<vmem>>
    %dma_wait3A_164 = tpu.memref_squeeze %dma_wait3A_163 : memref<1x80xi32, #tpu.memory_space<vmem>> -> memref<80xi32, #tpu.memory_space<vmem>>
    %dma_wait3A_165 = arith.constant 0 : i32
    %dma_wait3A_166 = arith.constant 0 : i32
    %dma_wait3A_167 = tpu.memref_slice %arg13[%dma_wait3A_165, %dma_wait3A_166] : memref<10112x128xf32, #tpu.memory_space<vmem_shared>> -> memref<10112x128xf32, #tpu.memory_space<vmem_shared>>
    tpu.wait_indirect_dma semaphore(%arg22 : memref<!tpu.dma_semaphore, #tpu.memory_space<semaphore_mem>>) src(%arg11 : memref<80x128xf32, #tpu.memory_space<vmem>>) dst(%dma_wait3A_167 : memref<10112x128xf32, #tpu.memory_space<vmem_shared>>)
    %barrier3A_168 = arith.constant 0 : index
    tpu.barrier barrier_id(%barrier3A_168)
    %eq3A = arith.constant 0 : i32
    %eq3A_169 = arith.cmpi eq, %arg0, %eq3A : i32
    %convert_element_type3A = arith.extui %eq3A_169 : i1 to i32
    %cond3A = arith.constant 0 : i32
    %cond3A_170 = arith.cmpi ne, %convert_element_type3A, %cond3A : i32
    scf.if %cond3A_170 {
      "tpu.region"() ({
        %run_scoped3A = tpu.sem_alloc : memref<!tpu.dma_semaphore, #tpu.memory_space<semaphore_mem>>
        %dma_start3A_176 = arith.constant 0 : i32
        %dma_start3A_177 = tpu.memref_slice %arg6[%mul3A_2, %dma_start3A_176] : memref<10112x128xf32, #tpu.memory_space<hbm>> -> memref<632x128xf32, #tpu.memory_space<hbm>>
        %dma_start3A_178 = arith.constant 0 : i32
        %dma_start3A_179 = tpu.memref_slice %arg13[%mul3A_2, %dma_start3A_178] : memref<10112x128xf32, #tpu.memory_space<vmem_shared>> -> memref<632x128xf32, #tpu.memory_space<vmem_shared>>
        tpu.enqueue_dma source(%dma_start3A_179 : memref<632x128xf32, #tpu.memory_space<vmem_shared>>) target(%dma_start3A_177 : memref<632x128xf32, #tpu.memory_space<hbm>>) target_semaphore(%run_scoped3A : memref<!tpu.dma_semaphore, #tpu.memory_space<semaphore_mem>>)
        %dma_wait3A_180 = arith.constant 0 : i32
        %dma_wait3A_181 = tpu.memref_slice %arg6[%mul3A_2, %dma_wait3A_180] : memref<10112x128xf32, #tpu.memory_space<hbm>> -> memref<632x128xf32, #tpu.memory_space<hbm>>
        %dma_wait3A_182 = arith.constant 0 : i32
        %dma_wait3A_183 = tpu.memref_slice %arg13[%mul3A_2, %dma_wait3A_182] : memref<10112x128xf32, #tpu.memory_space<vmem_shared>> -> memref<632x128xf32, #tpu.memory_space<vmem_shared>>
        tpu.wait_dma2 semaphore(%run_scoped3A : memref<!tpu.dma_semaphore, #tpu.memory_space<semaphore_mem>>) src(%dma_wait3A_183 : memref<632x128xf32, #tpu.memory_space<vmem_shared>>) dst(%dma_wait3A_181 : memref<632x128xf32, #tpu.memory_space<hbm>>)
        tpu.yield
      }) : () -> ()
    } else {
    }
    %eq3A_171 = arith.constant 1 : i32
    %eq3A_172 = arith.cmpi eq, %arg0, %eq3A_171 : i32
    %convert_element_type3A_173 = arith.extui %eq3A_172 : i1 to i32
    %cond3A_174 = arith.constant 0 : i32
    %cond3A_175 = arith.cmpi ne, %convert_element_type3A_173, %cond3A_174 : i32
    scf.if %cond3A_175 {
      "tpu.region"() ({
        %run_scoped3A = tpu.sem_alloc : memref<!tpu.dma_semaphore, #tpu.memory_space<semaphore_mem>>
        %dma_start3A_176 = arith.constant 0 : i32
        %dma_start3A_177 = tpu.memref_slice %arg7[%mul3A_2, %dma_start3A_176] : memref<10112x128xf32, #tpu.memory_space<hbm>> -> memref<632x128xf32, #tpu.memory_space<hbm>>
        %dma_start3A_178 = arith.constant 0 : i32
        %dma_start3A_179 = tpu.memref_slice %arg13[%mul3A_2, %dma_start3A_178] : memref<10112x128xf32, #tpu.memory_space<vmem_shared>> -> memref<632x128xf32, #tpu.memory_space<vmem_shared>>
        tpu.enqueue_dma source(%dma_start3A_179 : memref<632x128xf32, #tpu.memory_space<vmem_shared>>) target(%dma_start3A_177 : memref<632x128xf32, #tpu.memory_space<hbm>>) target_semaphore(%run_scoped3A : memref<!tpu.dma_semaphore, #tpu.memory_space<semaphore_mem>>)
        %dma_wait3A_180 = arith.constant 0 : i32
        %dma_wait3A_181 = tpu.memref_slice %arg7[%mul3A_2, %dma_wait3A_180] : memref<10112x128xf32, #tpu.memory_space<hbm>> -> memref<632x128xf32, #tpu.memory_space<hbm>>
        %dma_wait3A_182 = arith.constant 0 : i32
        %dma_wait3A_183 = tpu.memref_slice %arg13[%mul3A_2, %dma_wait3A_182] : memref<10112x128xf32, #tpu.memory_space<vmem_shared>> -> memref<632x128xf32, #tpu.memory_space<vmem_shared>>
        tpu.wait_dma2 semaphore(%run_scoped3A : memref<!tpu.dma_semaphore, #tpu.memory_space<semaphore_mem>>) src(%dma_wait3A_183 : memref<632x128xf32, #tpu.memory_space<vmem_shared>>) dst(%dma_wait3A_181 : memref<632x128xf32, #tpu.memory_space<hbm>>)
        tpu.yield
      }) : () -> ()
    } else {
    }
    return
  }
}

module attributes {stable_mosaic.version = 14 : i64} {
  func.func @body(%arg0: i32, %arg1: memref<1000x128xf32, #tpu.memory_space<vmem>>, %arg2: memref<16x128xf32, #tpu.memory_space<vmem>>, %arg3: memref<1x16xf32, #tpu.memory_space<vmem>>, %arg4: memref<128x16xf32, #tpu.memory_space<vmem>>, %arg5: memref<1x128xf32, #tpu.memory_space<vmem>>, %arg6: memref<1000x128xf32, #tpu.memory_space<vmem>>) attributes {dimension_semantics = [#tpu.dimension_semantics<arbitrary>], iteration_bounds = array<i64: 10>, scalar_prefetch = 0 : i64, scratch_operands = 0 : i64, tpu.core_type = #tpu.core_type<tc>, window_params = [{transform_indices = @transform_0, window_bounds = array<i64: 1000, 128>}, {pipeline_mode = #tpu.pipeline_mode<synchronous>, transform_indices = @transform_1, window_bounds = array<i64: 16, 128>}, {pipeline_mode = #tpu.pipeline_mode<synchronous>, transform_indices = @transform_2, window_bounds = array<i64: 1, 16>}, {pipeline_mode = #tpu.pipeline_mode<synchronous>, transform_indices = @transform_3, window_bounds = array<i64: 128, 16>}, {pipeline_mode = #tpu.pipeline_mode<synchronous>, transform_indices = @transform_4, window_bounds = array<i64: 1, 128>}, {transform_indices = @transform_5, window_bounds = array<i64: 1000, 128>}]} {
    %get3A = arith.constant 0 : index
    %get3A_0 = arith.constant 0 : index
    %get3A_1 = vector.load %arg1[%get3A, %get3A_0] : memref<1000x128xf32, #tpu.memory_space<vmem>>, vector<1000x128xf32>
    %get3A_2 = arith.constant 0 : index
    %get3A_3 = arith.constant 0 : index
    %get3A_4 = vector.load %arg2[%get3A_2, %get3A_3] : memref<16x128xf32, #tpu.memory_space<vmem>>, vector<16x128xf32>
    %dot_general3A = arith.constant dense<0.000000e+00> : vector<1000x16xf32>
    %dot_general3A_5 = tpu.matmul %get3A_1, %get3A_4, %dot_general3A {dimension_numbers = #tpu.dot_dimension_numbers<[1], [1], [0], [0], [0, 0, 1, 0], [], []>, transpose_lhs_hint = false} : vector<1000x128xf32>, vector<16x128xf32>, vector<1000x16xf32> -> vector<1000x16xf32>
    %get3A_6 = arith.constant 0 : index
    %get3A_7 = arith.constant 0 : index
    %get3A_8 = vector.load %arg3[%get3A_6, %get3A_7] : memref<1x16xf32, #tpu.memory_space<vmem>>, vector<1x16xf32>
    %add3A = vector.broadcast %get3A_8 : vector<1x16xf32> to vector<1000x16xf32>
    %add3A_9 = arith.addf %dot_general3A_5, %add3A : vector<1000x16xf32>
    %max3A = arith.constant 0.000000e+00 : f32
    %max3A_10 = vector.broadcast %max3A : f32 to vector<1000x16xf32>
    %max3A_11 = arith.maximumf %add3A_9, %max3A_10 : vector<1000x16xf32>
    %get3A_12 = arith.constant 0 : index
    %get3A_13 = arith.constant 0 : index
    %get3A_14 = vector.load %arg4[%get3A_12, %get3A_13] : memref<128x16xf32, #tpu.memory_space<vmem>>, vector<128x16xf32>
    %dot_general3A_15 = arith.constant dense<0.000000e+00> : vector<1000x128xf32>
    %dot_general3A_16 = tpu.matmul %max3A_11, %get3A_14, %dot_general3A_15 {dimension_numbers = #tpu.dot_dimension_numbers<[1], [1], [0], [0], [0, 0, 1, 0], [], []>, transpose_lhs_hint = false} : vector<1000x16xf32>, vector<128x16xf32>, vector<1000x128xf32> -> vector<1000x128xf32>
    %get3A_17 = arith.constant 0 : index
    %get3A_18 = arith.constant 0 : index
    %get3A_19 = vector.load %arg5[%get3A_17, %get3A_18] : memref<1x128xf32, #tpu.memory_space<vmem>>, vector<1x128xf32>
    %add3A_20 = vector.broadcast %get3A_19 : vector<1x128xf32> to vector<1000x128xf32>
    %add3A_21 = arith.addf %dot_general3A_16, %add3A_20 : vector<1000x128xf32>
    %max3A_22 = arith.constant 0.000000e+00 : f32
    %max3A_23 = vector.broadcast %max3A_22 : f32 to vector<1000x128xf32>
    %max3A_24 = arith.maximumf %add3A_21, %max3A_23 : vector<1000x128xf32>
    %swap3A = arith.constant 0 : index
    %swap3A_25 = arith.constant 0 : index
    %swap3A_26 = vector.load %arg6[%swap3A, %swap3A_25] : memref<1000x128xf32, #tpu.memory_space<vmem>>, vector<1000x128xf32>
    tpu.vector_store %arg6[%swap3A, %swap3A_25], %max3A_24 {strides = array<i32>} : memref<1000x128xf32, #tpu.memory_space<vmem>>, vector<1000x128xf32>,
    return
  }
  func.func @transform_0(%arg0: i32) -> (i32, i32) {
    %c0_i32 = arith.constant 0 : i32
    %c0_i32_0 = arith.constant 0 : i32
    return %arg0, %c0_i32 : i32, i32
  }
  func.func @transform_1(%arg0: i32) -> (i32, i32) {
    %c0_i32 = arith.constant 0 : i32
    %c0_i32_0 = arith.constant 0 : i32
    %c0_i32_1 = arith.constant 0 : i32
    return %c0_i32, %c0_i32_0 : i32, i32
  }
  func.func @transform_2(%arg0: i32) -> (i32, i32) {
    %c0_i32 = arith.constant 0 : i32
    %c0_i32_0 = arith.constant 0 : i32
    %c0_i32_1 = arith.constant 0 : i32
    return %c0_i32, %c0_i32_0 : i32, i32
  }
  func.func @transform_3(%arg0: i32) -> (i32, i32) {
    %c0_i32 = arith.constant 0 : i32
    %c0_i32_0 = arith.constant 0 : i32
    %c0_i32_1 = arith.constant 0 : i32
    return %c0_i32, %c0_i32_0 : i32, i32
  }
  func.func @transform_4(%arg0: i32) -> (i32, i32) {
    %c0_i32 = arith.constant 0 : i32
    %c0_i32_0 = arith.constant 0 : i32
    %c0_i32_1 = arith.constant 0 : i32
    return %c0_i32, %c0_i32_0 : i32, i32
  }
  func.func @transform_5(%arg0: i32) -> (i32, i32) {
    %c0_i32 = arith.constant 0 : i32
    %c0_i32_0 = arith.constant 0 : i32
    return %arg0, %c0_i32 : i32, i32
  }
}

module attributes {stable_mosaic.version = 14 : i64} {
  func.func @body(%arg0: i32, %arg1: memref<1000x128xf32, #tpu.memory_space<vmem>>, %arg2: memref<1000x128xf32, #tpu.memory_space<vmem>>, %arg3: memref<1000x128xf32, #tpu.memory_space<vmem>>, %arg4: memref<16x128xf32, #tpu.memory_space<vmem>>, %arg5: memref<16x128xf32, #tpu.memory_space<vmem>>, %arg6: memref<1x16xf32, #tpu.memory_space<vmem>>, %arg7: memref<128x16xf32, #tpu.memory_space<vmem>>, %arg8: memref<1x128xf32, #tpu.memory_space<vmem>>, %arg9: memref<1000x128xf32, #tpu.memory_space<vmem>>) attributes {dimension_semantics = [#tpu.dimension_semantics<arbitrary>], iteration_bounds = array<i64: 10>, scalar_prefetch = 0 : i64, scratch_operands = 0 : i64, tpu.core_type = #tpu.core_type<tc>, window_params = [{transform_indices = @transform_0, window_bounds = array<i64: 1000, 128>}, {transform_indices = @transform_1, window_bounds = array<i64: 1000, 128>}, {transform_indices = @transform_2, window_bounds = array<i64: 1000, 128>}, {pipeline_mode = #tpu.pipeline_mode<synchronous>, transform_indices = @transform_3, window_bounds = array<i64: 16, 128>}, {pipeline_mode = #tpu.pipeline_mode<synchronous>, transform_indices = @transform_4, window_bounds = array<i64: 16, 128>}, {pipeline_mode = #tpu.pipeline_mode<synchronous>, transform_indices = @transform_5, window_bounds = array<i64: 1, 16>}, {pipeline_mode = #tpu.pipeline_mode<synchronous>, transform_indices = @transform_6, window_bounds = array<i64: 128, 16>}, {pipeline_mode = #tpu.pipeline_mode<synchronous>, transform_indices = @transform_7, window_bounds = array<i64: 1, 128>}, {transform_indices = @transform_8, window_bounds = array<i64: 1000, 128>}]} {
    %get3A = arith.constant 0 : index
    %get3A_0 = arith.constant 0 : index
    %get3A_1 = vector.load %arg1[%get3A, %get3A_0] : memref<1000x128xf32, #tpu.memory_space<vmem>>, vector<1000x128xf32>
    %get3A_2 = arith.constant 0 : index
    %get3A_3 = arith.constant 0 : index
    %get3A_4 = vector.load %arg2[%get3A_2, %get3A_3] : memref<1000x128xf32, #tpu.memory_space<vmem>>, vector<1000x128xf32>
    %add3A = arith.addf %get3A_1, %get3A_4 : vector<1000x128xf32>
    %get3A_5 = arith.constant 0 : index
    %get3A_6 = arith.constant 0 : index
    %get3A_7 = vector.load %arg4[%get3A_5, %get3A_6] : memref<16x128xf32, #tpu.memory_space<vmem>>, vector<16x128xf32>
    %dot_general3A = arith.constant dense<0.000000e+00> : vector<1000x16xf32>
    %dot_general3A_8 = tpu.matmul %add3A, %get3A_7, %dot_general3A {dimension_numbers = #tpu.dot_dimension_numbers<[1], [1], [0], [0], [0, 0, 1, 0], [], []>, transpose_lhs_hint = false} : vector<1000x128xf32>, vector<16x128xf32>, vector<1000x16xf32> -> vector<1000x16xf32>
    %get3A_9 = arith.constant 0 : index
    %get3A_10 = arith.constant 0 : index
    %get3A_11 = vector.load %arg3[%get3A_9, %get3A_10] : memref<1000x128xf32, #tpu.memory_space<vmem>>, vector<1000x128xf32>
    %get3A_12 = arith.constant 0 : index
    %get3A_13 = arith.constant 0 : index
    %get3A_14 = vector.load %arg5[%get3A_12, %get3A_13] : memref<16x128xf32, #tpu.memory_space<vmem>>, vector<16x128xf32>
    %dot_general3A_15 = arith.constant dense<0.000000e+00> : vector<1000x16xf32>
    %dot_general3A_16 = tpu.matmul %get3A_11, %get3A_14, %dot_general3A_15 {dimension_numbers = #tpu.dot_dimension_numbers<[1], [1], [0], [0], [0, 0, 1, 0], [], []>, transpose_lhs_hint = false} : vector<1000x128xf32>, vector<16x128xf32>, vector<1000x16xf32> -> vector<1000x16xf32>
    %add3A_17 = arith.addf %dot_general3A_8, %dot_general3A_16 : vector<1000x16xf32>
    %get3A_18 = arith.constant 0 : index
    %get3A_19 = arith.constant 0 : index
    %get3A_20 = vector.load %arg6[%get3A_18, %get3A_19] : memref<1x16xf32, #tpu.memory_space<vmem>>, vector<1x16xf32>
    %add3A_21 = vector.broadcast %get3A_20 : vector<1x16xf32> to vector<1000x16xf32>
    %add3A_22 = arith.addf %add3A_17, %add3A_21 : vector<1000x16xf32>
    %max3A = arith.constant 0.000000e+00 : f32
    %max3A_23 = vector.broadcast %max3A : f32 to vector<1000x16xf32>
    %max3A_24 = arith.maximumf %add3A_22, %max3A_23 : vector<1000x16xf32>
    %get3A_25 = arith.constant 0 : index
    %get3A_26 = arith.constant 0 : index
    %get3A_27 = vector.load %arg7[%get3A_25, %get3A_26] : memref<128x16xf32, #tpu.memory_space<vmem>>, vector<128x16xf32>
    %dot_general3A_28 = arith.constant dense<0.000000e+00> : vector<1000x128xf32>
    %dot_general3A_29 = tpu.matmul %max3A_24, %get3A_27, %dot_general3A_28 {dimension_numbers = #tpu.dot_dimension_numbers<[1], [1], [0], [0], [0, 0, 1, 0], [], []>, transpose_lhs_hint = false} : vector<1000x16xf32>, vector<128x16xf32>, vector<1000x128xf32> -> vector<1000x128xf32>
    %get3A_30 = arith.constant 0 : index
    %get3A_31 = arith.constant 0 : index
    %get3A_32 = vector.load %arg8[%get3A_30, %get3A_31] : memref<1x128xf32, #tpu.memory_space<vmem>>, vector<1x128xf32>
    %add3A_33 = vector.broadcast %get3A_32 : vector<1x128xf32> to vector<1000x128xf32>
    %add3A_34 = arith.addf %dot_general3A_29, %add3A_33 : vector<1000x128xf32>
    %max3A_35 = arith.constant 0.000000e+00 : f32
    %max3A_36 = vector.broadcast %max3A_35 : f32 to vector<1000x128xf32>
    %max3A_37 = arith.maximumf %add3A_34, %max3A_36 : vector<1000x128xf32>
    %swap3A = arith.constant 0 : index
    %swap3A_38 = arith.constant 0 : index
    %swap3A_39 = vector.load %arg9[%swap3A, %swap3A_38] : memref<1000x128xf32, #tpu.memory_space<vmem>>, vector<1000x128xf32>
    tpu.vector_store %arg9[%swap3A, %swap3A_38], %max3A_37 {strides = array<i32>} : memref<1000x128xf32, #tpu.memory_space<vmem>>, vector<1000x128xf32>,
    return
  }
  func.func @transform_0(%arg0: i32) -> (i32, i32) {
    %c0_i32 = arith.constant 0 : i32
    %c0_i32_0 = arith.constant 0 : i32
    return %arg0, %c0_i32 : i32, i32
  }
  func.func @transform_1(%arg0: i32) -> (i32, i32) {
    %c0_i32 = arith.constant 0 : i32
    %c0_i32_0 = arith.constant 0 : i32
    return %arg0, %c0_i32 : i32, i32
  }
  func.func @transform_2(%arg0: i32) -> (i32, i32) {
    %c0_i32 = arith.constant 0 : i32
    %c0_i32_0 = arith.constant 0 : i32
    return %arg0, %c0_i32 : i32, i32
  }
  func.func @transform_3(%arg0: i32) -> (i32, i32) {
    %c0_i32 = arith.constant 0 : i32
    %c0_i32_0 = arith.constant 0 : i32
    %c0_i32_1 = arith.constant 0 : i32
    return %c0_i32, %c0_i32_0 : i32, i32
  }
  func.func @transform_4(%arg0: i32) -> (i32, i32) {
    %c0_i32 = arith.constant 0 : i32
    %c0_i32_0 = arith.constant 0 : i32
    %c0_i32_1 = arith.constant 0 : i32
    return %c0_i32, %c0_i32_0 : i32, i32
  }
  func.func @transform_5(%arg0: i32) -> (i32, i32) {
    %c0_i32 = arith.constant 0 : i32
    %c0_i32_0 = arith.constant 0 : i32
    %c0_i32_1 = arith.constant 0 : i32
    return %c0_i32, %c0_i32_0 : i32, i32
  }
  func.func @transform_6(%arg0: i32) -> (i32, i32) {
    %c0_i32 = arith.constant 0 : i32
    %c0_i32_0 = arith.constant 0 : i32
    %c0_i32_1 = arith.constant 0 : i32
    return %c0_i32, %c0_i32_0 : i32, i32
  }
  func.func @transform_7(%arg0: i32) -> (i32, i32) {
    %c0_i32 = arith.constant 0 : i32
    %c0_i32_0 = arith.constant 0 : i32
    %c0_i32_1 = arith.constant 0 : i32
    return %c0_i32, %c0_i32_0 : i32, i32
  }
  func.func @transform_8(%arg0: i32) -> (i32, i32) {
    %c0_i32 = arith.constant 0 : i32
    %c0_i32_0 = arith.constant 0 : i32
    return %arg0, %c0_i32 : i32, i32
  }
}

module attributes {stable_mosaic.version = 14 : i64} {
  func.func @body(%arg0: i32, %arg1: memref<1000x128xf32, #tpu.memory_space<vmem>>, %arg2: memref<1000x128xf32, #tpu.memory_space<vmem>>, %arg3: memref<1000x128xf32, #tpu.memory_space<vmem>>, %arg4: memref<16x128xf32, #tpu.memory_space<vmem>>, %arg5: memref<16x128xf32, #tpu.memory_space<vmem>>, %arg6: memref<1x16xf32, #tpu.memory_space<vmem>>, %arg7: memref<128x16xf32, #tpu.memory_space<vmem>>, %arg8: memref<1x128xf32, #tpu.memory_space<vmem>>, %arg9: memref<1000x128xf32, #tpu.memory_space<vmem>>) attributes {dimension_semantics = [#tpu.dimension_semantics<arbitrary>], iteration_bounds = array<i64: 10>, scalar_prefetch = 0 : i64, scratch_operands = 0 : i64, tpu.core_type = #tpu.core_type<tc>, window_params = [{transform_indices = @transform_0, window_bounds = array<i64: 1000, 128>}, {transform_indices = @transform_1, window_bounds = array<i64: 1000, 128>}, {transform_indices = @transform_2, window_bounds = array<i64: 1000, 128>}, {pipeline_mode = #tpu.pipeline_mode<synchronous>, transform_indices = @transform_3, window_bounds = array<i64: 16, 128>}, {pipeline_mode = #tpu.pipeline_mode<synchronous>, transform_indices = @transform_4, window_bounds = array<i64: 16, 128>}, {pipeline_mode = #tpu.pipeline_mode<synchronous>, transform_indices = @transform_5, window_bounds = array<i64: 1, 16>}, {pipeline_mode = #tpu.pipeline_mode<synchronous>, transform_indices = @transform_6, window_bounds = array<i64: 128, 16>}, {pipeline_mode = #tpu.pipeline_mode<synchronous>, transform_indices = @transform_7, window_bounds = array<i64: 1, 128>}, {transform_indices = @transform_8, window_bounds = array<i64: 1000, 128>}]} {
    %get3A = arith.constant 0 : index
    %get3A_0 = arith.constant 0 : index
    %get3A_1 = vector.load %arg1[%get3A, %get3A_0] : memref<1000x128xf32, #tpu.memory_space<vmem>>, vector<1000x128xf32>
    %get3A_2 = arith.constant 0 : index
    %get3A_3 = arith.constant 0 : index
    %get3A_4 = vector.load %arg2[%get3A_2, %get3A_3] : memref<1000x128xf32, #tpu.memory_space<vmem>>, vector<1000x128xf32>
    %add3A = arith.addf %get3A_1, %get3A_4 : vector<1000x128xf32>
    %get3A_5 = arith.constant 0 : index
    %get3A_6 = arith.constant 0 : index
    %get3A_7 = vector.load %arg4[%get3A_5, %get3A_6] : memref<16x128xf32, #tpu.memory_space<vmem>>, vector<16x128xf32>
    %dot_general3A = arith.constant dense<0.000000e+00> : vector<1000x16xf32>
    %dot_general3A_8 = tpu.matmul %add3A, %get3A_7, %dot_general3A {dimension_numbers = #tpu.dot_dimension_numbers<[1], [1], [0], [0], [0, 0, 1, 0], [], []>, transpose_lhs_hint = false} : vector<1000x128xf32>, vector<16x128xf32>, vector<1000x16xf32> -> vector<1000x16xf32>
    %get3A_9 = arith.constant 0 : index
    %get3A_10 = arith.constant 0 : index
    %get3A_11 = vector.load %arg3[%get3A_9, %get3A_10] : memref<1000x128xf32, #tpu.memory_space<vmem>>, vector<1000x128xf32>
    %get3A_12 = arith.constant 0 : index
    %get3A_13 = arith.constant 0 : index
    %get3A_14 = vector.load %arg5[%get3A_12, %get3A_13] : memref<16x128xf32, #tpu.memory_space<vmem>>, vector<16x128xf32>
    %dot_general3A_15 = arith.constant dense<0.000000e+00> : vector<1000x16xf32>
    %dot_general3A_16 = tpu.matmul %get3A_11, %get3A_14, %dot_general3A_15 {dimension_numbers = #tpu.dot_dimension_numbers<[1], [1], [0], [0], [0, 0, 1, 0], [], []>, transpose_lhs_hint = false} : vector<1000x128xf32>, vector<16x128xf32>, vector<1000x16xf32> -> vector<1000x16xf32>
    %add3A_17 = arith.addf %dot_general3A_8, %dot_general3A_16 : vector<1000x16xf32>
    %get3A_18 = arith.constant 0 : index
    %get3A_19 = arith.constant 0 : index
    %get3A_20 = vector.load %arg6[%get3A_18, %get3A_19] : memref<1x16xf32, #tpu.memory_space<vmem>>, vector<1x16xf32>
    %add3A_21 = vector.broadcast %get3A_20 : vector<1x16xf32> to vector<1000x16xf32>
    %add3A_22 = arith.addf %add3A_17, %add3A_21 : vector<1000x16xf32>
    %max3A = arith.constant 0.000000e+00 : f32
    %max3A_23 = vector.broadcast %max3A : f32 to vector<1000x16xf32>
    %max3A_24 = arith.maximumf %add3A_22, %max3A_23 : vector<1000x16xf32>
    %get3A_25 = arith.constant 0 : index
    %get3A_26 = arith.constant 0 : index
    %get3A_27 = vector.load %arg7[%get3A_25, %get3A_26] : memref<128x16xf32, #tpu.memory_space<vmem>>, vector<128x16xf32>
    %dot_general3A_28 = arith.constant dense<0.000000e+00> : vector<1000x128xf32>
    %dot_general3A_29 = tpu.matmul %max3A_24, %get3A_27, %dot_general3A_28 {dimension_numbers = #tpu.dot_dimension_numbers<[1], [1], [0], [0], [0, 0, 1, 0], [], []>, transpose_lhs_hint = false} : vector<1000x16xf32>, vector<128x16xf32>, vector<1000x128xf32> -> vector<1000x128xf32>
    %get3A_30 = arith.constant 0 : index
    %get3A_31 = arith.constant 0 : index
    %get3A_32 = vector.load %arg8[%get3A_30, %get3A_31] : memref<1x128xf32, #tpu.memory_space<vmem>>, vector<1x128xf32>
    %add3A_33 = vector.broadcast %get3A_32 : vector<1x128xf32> to vector<1000x128xf32>
    %add3A_34 = arith.addf %dot_general3A_29, %add3A_33 : vector<1000x128xf32>
    %max3A_35 = arith.constant 0.000000e+00 : f32
    %max3A_36 = vector.broadcast %max3A_35 : f32 to vector<1000x128xf32>
    %max3A_37 = arith.maximumf %add3A_34, %max3A_36 : vector<1000x128xf32>
    %swap3A = arith.constant 0 : index
    %swap3A_38 = arith.constant 0 : index
    %swap3A_39 = vector.load %arg9[%swap3A, %swap3A_38] : memref<1000x128xf32, #tpu.memory_space<vmem>>, vector<1000x128xf32>
    tpu.vector_store %arg9[%swap3A, %swap3A_38], %max3A_37 {strides = array<i32>} : memref<1000x128xf32, #tpu.memory_space<vmem>>, vector<1000x128xf32>,
    return
  }
  func.func @transform_0(%arg0: i32) -> (i32, i32) {
    %c0_i32 = arith.constant 0 : i32
    %c0_i32_0 = arith.constant 0 : i32
    return %arg0, %c0_i32 : i32, i32
  }
  func.func @transform_1(%arg0: i32) -> (i32, i32) {
    %c0_i32 = arith.constant 0 : i32
    %c0_i32_0 = arith.constant 0 : i32
    return %arg0, %c0_i32 : i32, i32
  }
  func.func @transform_2(%arg0: i32) -> (i32, i32) {
    %c0_i32 = arith.constant 0 : i32
    %c0_i32_0 = arith.constant 0 : i32
    return %arg0, %c0_i32 : i32, i32
  }
  func.func @transform_3(%arg0: i32) -> (i32, i32) {
    %c0_i32 = arith.constant 0 : i32
    %c0_i32_0 = arith.constant 0 : i32
    %c0_i32_1 = arith.constant 0 : i32
    return %c0_i32, %c0_i32_0 : i32, i32
  }
  func.func @transform_4(%arg0: i32) -> (i32, i32) {
    %c0_i32 = arith.constant 0 : i32
    %c0_i32_0 = arith.constant 0 : i32
    %c0_i32_1 = arith.constant 0 : i32
    return %c0_i32, %c0_i32_0 : i32, i32
  }
  func.func @transform_5(%arg0: i32) -> (i32, i32) {
    %c0_i32 = arith.constant 0 : i32
    %c0_i32_0 = arith.constant 0 : i32
    %c0_i32_1 = arith.constant 0 : i32
    return %c0_i32, %c0_i32_0 : i32, i32
  }
  func.func @transform_6(%arg0: i32) -> (i32, i32) {
    %c0_i32 = arith.constant 0 : i32
    %c0_i32_0 = arith.constant 0 : i32
    %c0_i32_1 = arith.constant 0 : i32
    return %c0_i32, %c0_i32_0 : i32, i32
  }
  func.func @transform_7(%arg0: i32) -> (i32, i32) {
    %c0_i32 = arith.constant 0 : i32
    %c0_i32_0 = arith.constant 0 : i32
    %c0_i32_1 = arith.constant 0 : i32
    return %c0_i32, %c0_i32_0 : i32, i32
  }
  func.func @transform_8(%arg0: i32) -> (i32, i32) {
    %c0_i32 = arith.constant 0 : i32
    %c0_i32_0 = arith.constant 0 : i32
    return %arg0, %c0_i32 : i32, i32
  }
}

</mosaic_0001>

<sc_bundles>
// kernel: kernel.11.cloned.1.call-start
scs
__scs_entry_jumppad:
0x0: {  	(pc) =	sbr.rel $0x88, $3  }
0x1: {  	(tag) =	ssettag $0x0;
	lr =	simm.s32 $0x1  }
0x2: {  	[smem:$0x3F87] =	sst lr;
	_ =	strace $0xD0000000  }
0x3: {  	_ = 	snop  }
0x4: {  	_ = 	snop  }
0x5: {  	_ = 	snop  }
0x6: {  	_ = 	snop  }
0x7: {  	_ = 	snop  }
__scs_overlays_trampoline_lowered:
0x8: {  	[smem:$0x3F96] =	sst s0  }
0x9: {  	[smem:$0x3F97] =	sst s1  }
0xa: {  	[smem:$0x3F98] =	sst s2  }
0xb: {  	[smem:$0x3F99] =	sst s3  }
0xc: {  	[smem:$0x3F9A] =	sst s4  }
0xd: {  	[smem:$0x3F9B] =	sst s5  }
0xe: {  	[smem:$0x3F9C] =	sst s6  }
0xf: {  	[smem:$0x3F9D] =	sst s7  }
0x10: {  	[smem:$0x3F9E] =	sst s8  }
0x11: {  	[smem:$0x3F9F] =	sst s9;
	s0 =	simm.s32 @!p0 $0x0  }
0x12: {  	s1 =	sld [smem:$0x3F85];
	s0 =	simm.s32 @p0 $0x1  }
0x13: {  	[smem:$0x3FA0] =	sst s0;
	s0 =	simm.s32 @!p1 $0x0  }
0x14: {  	s2 =	sld [smem:$0x3F84];
	s0 =	simm.s32 @p1 $0x1  }
0x15: {  	[smem:$0x3FA1] =	sst s0;
	s0 =	simm.s32 @!p2 $0x0  }
0x16: {  	s3 =	sld [smem:$0x3FDB];
	s0 =	simm.s32 @p2 $0x1  }
0x17: {  	s4 =	simm.s32 $0x1BF5;
	[smem:$0x3FA3] =	sst s0  }
0x18: {  	s0 =	sld [smem:$0x3F86];
	_ =	swait.ge [sflag:s4], $0x0  }
0x19: {  	s7 =	sld [smem:$0x3F87]  }
0x1a: {  	s8 =	sadd.s32 $0xFFFFE003, lr  }
0x1b: {  	s9 =	sadd.s32 $0xFFFFFEF7, lr;
	s5 =	simm.s32 $0xFFFFFFFF;
	p2 =	slt.u32 s8, $0xFFFFF086  }
0x1c: {  	p1 =	slt.u32 s9, $0xF7A;
	s5 =	simm.s32 @!p2 $0x0  }
0x1d: {  	s5 =	simm.s32 @p1 $0x1;
	p0 =	seq.s32 s7, s2  }
0x1e: {  	s7 =	smul.u32 @!p0 $0xF7A, s2;
	p2 =	seq.s32 @!p0 s5, $0x0  }
0x1f: {  	s9 =	smul.u32 $0xF7A, s1;
	s8 =	simm.s32 @!p0 $0x1BF5;
	p2 =	por !p2, p0  }
0x20: {  	[sflag:s8] =	ssyncset.s32 @!p0 $0xFFFFF086;
	s6 =	sadd.s32 @!p0 s3, s7;
	s7 =	simm.s32 @!p0 $0x108  }
0x21: {  	s3 =	sadd.s32 s3, s9;
	s6 =	sadd.s32 @!p0 $0x88, s6;
	s7 =	simm.s32 @p2 $0x1082  }
0x22: {  	[simem:s7], [sflag:s8] =	dma.local @!p0 [hbm:s6], $0xF7A  }
0x23: {  	s9 =	sor.u32 $0xD0000000, s2;
	s6 =	simm.s32 $0x108;
	_ =	swait.ge @!p0 [sflag:s8], $0x0  }
0x24: {  	s3 =	sadd.s32 $0x88, s3;
	s6 =	simm.s32 @!p1 $0x1082;
	[sflag:s4] =	ssyncset.s32 $0xFFFFF086  }
0x25: {  	[simem:s6], [sflag:s4] =	dma.local [hbm:s3], $0xF7A  }
0x26: {  	[smem:$0x3F87] =	sst s1;
	(tag) =	ssettag s2;
	_ =	strace s9  }
0x27: {  	s1 =	sld [smem:$0x3F97]  }
0x28: {  	s2 =	sld [smem:$0x3F98]  }
0x29: {  	s4 =	sld [smem:$0x3F9A]  }
0x2a: {  	p0 =	seq.s32 s5, $0x0;
	s5 =	sld [smem:$0x3F9B]  }
0x2b: {  	s6 =	sld [smem:$0x3F9C]  }
0x2c: {  	s7 =	sld [smem:$0x3F9D]  }
0x2d: {  	s3 =	simm.s32 $0x108;
	s8 =	sld [smem:$0x3F9E]  }
0x2e: {  	s3 =	simm.s32 @!p0 $0x1082;
	s9 =	sld [smem:$0x3F9F]  }
0x2f: {  	lr =	sadd.s32 s0, s3;
	s0 =	sld [smem:$0x3F96]  }
0x30: {  	s3 =	sld [smem:$0x3F99]  }
0x31: {  	[smem:$0x3FA2] =	sst s10  }
0x32: {  	s10 =	sld [smem:$0x3FA0];
	_ =	sdelay $0x3  }
0x33: {  	p0 =	seq.s32 s10, $0x1;
	s10 =	sld [smem:$0x3FA2];
	_ =	sdelay $0x3  }
0x34: {  	[smem:$0x3FA2] =	sst s10  }
0x35: {  	s10 =	sld [smem:$0x3FA1];
	_ =	sdelay $0x3  }
0x36: {  	p1 =	seq.s32 s10, $0x1;
	s10 =	sld [smem:$0x3FA2];
	_ =	sdelay $0x3  }
0x37: {  	[smem:$0x3FA2] =	sst s10  }
0x38: {  	s10 =	sld [smem:$0x3FA3]  }
0x39: {  	_ = 	snop;
	(pc) =	sbr.ind lr, $3  }
0x3a: {  	_ = 	snop  }
0x3b: {  	_ = 	snop  }
0x3c: {  	p2 =	seq.s32 s10, $0x1;
	s10 =	sld [smem:$0x3FA2]  }
0x3d: {  	_ =	shalt  }
0x3e: {  	_ =	shalt  }
0x3f: {  	_ =	shalt  }
0x40: {  	_ =	shalt  }
0x41: {  	_ =	shalt  }
0x42: {  	_ =	shalt  }
0x43: {  	_ =	shalt  }
0x44: {  	_ =	shalt  }
0x45: {  	_ =	shalt  }
0x46: {  	_ =	shalt  }
0x47: {  	_ =	shalt  }
0x48: {  	_ =	shalt  }
0x49: {  	_ =	shalt  }
0x4a: {  	_ =	shalt  }
0x4b: {  	_ =	shalt  }
0x4c: {  	_ =	shalt  }
0x4d: {  	_ =	shalt  }
0x4e: {  	_ =	shalt  }
0x4f: {  	_ =	shalt  }
0x50: {  	_ =	shalt  }
0x51: {  	_ =	shalt  }
0x52: {  	_ =	shalt  }
0x53: {  	_ =	shalt  }
0x54: {  	_ =	shalt  }
0x55: {  	_ =	shalt  }
0x56: {  	_ =	shalt  }
0x57: {  	_ =	shalt  }
0x58: {  	_ =	shalt  }
0x59: {  	_ =	shalt  }
0x5a: {  	_ =	shalt  }
0x5b: {  	_ =	shalt  }
0x5c: {  	_ =	shalt  }
0x5d: {  	_ =	shalt  }
0x5e: {  	_ =	shalt  }
0x5f: {  	_ =	shalt  }
0x60: {  	_ =	shalt  }
0x61: {  	_ =	shalt  }
0x62: {  	_ =	shalt  }
0x63: {  	_ =	shalt  }
0x64: {  	_ =	shalt  }
0x65: {  	_ =	shalt  }
0x66: {  	_ =	shalt  }
0x67: {  	_ =	shalt  }
0x68: {  	_ =	shalt  }
0x69: {  	_ =	shalt  }
0x6a: {  	_ =	shalt  }
0x6b: {  	_ =	shalt  }
0x6c: {  	_ =	shalt  }
0x6d: {  	_ =	shalt  }
0x6e: {  	_ =	shalt  }
0x6f: {  	_ =	shalt  }
0x70: {  	_ =	shalt  }
0x71: {  	_ =	shalt  }
0x72: {  	_ =	shalt  }
0x73: {  	_ =	shalt  }
0x74: {  	_ =	shalt  }
0x75: {  	_ =	shalt  }
0x76: {  	_ =	shalt  }
0x77: {  	_ =	shalt  }
0x78: {  	_ =	shalt  }
0x79: {  	_ =	shalt  }
0x7a: {  	_ =	shalt  }
0x7b: {  	_ =	shalt  }
0x7c: {  	_ =	shalt  }
0x7d: {  	_ =	shalt  }
0x7e: {  	_ =	shalt  }
0x7f: {  	_ =	shalt  }
0x80: {  	_ =	shalt  }
0x81: {  	_ =	shalt  }
0x82: {  	_ =	shalt  }
0x83: {  	_ =	shalt  }
0x84: {  	_ =	shalt  }
0x85: {  	_ =	shalt  }
0x86: {  	_ =	shalt  }
0x87: {  	_ =	shalt  }
.Lfunc_end0:
.L_simem_size_0:
called_computation_lowered:
.L_overlay_start_0:
0x88: {  	s2 =	sld [smem:$0x3FD9]  }
0x89: {  	s3 =	sld [smem:$0x3FFE];
	_ =	sdelay $0x1  }
0x8a: {  	s1 =	srdreg.scid  }
0x8b: {  	s0 =	sand.u32 $0x1, s1  }
0x8c: {  	s17 =	sshll.u32 s0, $0xA;
	s2 =	sadd.s32 s3, s2  }
0x8d: {  	s2 =	sadd.s32 s2, s17  }
0x8e: {  	[smem:$0x3FAE] =	sst s2  }
0x8f: {  	_ = 	snop  }
0x90: {  	s2 =	sld [smem:$0x3FD0];
	(tm) =	ssettm $0x1  }
0x91: {  	s18 =	sld [smem:$0x3FFB];
	_ =	sdelay $0x3  }
0x92: {  	_ =	strace s18  }
0x93: {  	s3 =	sld [smem:$0x3FFC];
	_ =	sdelay $0x3  }
0x94: {  	_ =	strace s3  }
0x95: {  	s3 =	sld [smem:$0x3FFD];
	_ =	sdelay $0x3  }
0x96: {  	_ =	strace s3  }
0x97: {  	_ =	strace $0x8FFFFFFF  }
0x98: {  	s19 =	sld [smem:$0x3FDB];
	_ =	sdelay $0x1  }
0x99: {  	s4 =	simm.s32 $_scs_section_size  }
0x9a: {  	s5 =	simm.s32 $_size__tile_overlayer_lowered;
	s6 =	simm.s32 $_tile_overlayer_lowered  }
0x9b: {  	s22 =	simm.s32 $0x1BFF;
	s21 =	sshll.u32 s6, $0x1;
	s3 =	sadd.s32 s4, s19  }
0x9c: {  	s7 =	simm.s32 $0x0;
	s20 =	sshll.u32 s5, $0x1;
	s5 =	sadd.s32 s21, s3  }
0x9d: {  	[timem:s7], [sflag:s22] =	dma.local [hbm:s5], s20  }
0x9e: {  	_ =	swait.ge [sflag:s22], s20  }
0x9f: {  	s4 =	ssub.s32 $0x0, s20;
	[sflag:s22] =	ssyncset.done $0x0  }
0xa0: {  	[sflag:s22] =	ssyncadd.s32 s4;
	_ =	sdelay $0x1  }
0xa1: {  	s23 =	simm.s32 $0x1B8B  }
0xa2: {  	_ =	swait.ge [sflag:s23], $0x1  }
0xa3: {  	[sflag:s23] =	ssyncset.done $0x0  }
0xa4: {  	s25 =	simm.s32 $0x1B8E;
	s24 =	sld [smem:$0x3FFE];
	[sflag:s23] =	ssyncadd.s32 $0xFFFFFFFF  }
0xa5: {  	s26 =	simm.s32 $execute0_lowered;
	[smem:$0x3FD2] =	sst s25  }
0xa6: {  	s5 =	sshll.u32 s26, $0x1;
	_ =	strace $0x80000046;
	[dreg:$0x1] =	wrdreg $0xFFFFFFFF  }
0xa7: {  	s28 =	simm.s32 $_size_execute0_lowered;
	s3 =	sadd.s32 s3, s5;
	[dreg:$0x0] =	wrdreg $0x0  }
0xa8: {  	s5 =	sshll.u32 s28, $0x1;
	[dreg:$0x2] =	wrdreg s3  }
0xa9: {  	[dreg:$0x3] =	wrdreg s5  }
0xaa: {  	[dreg:$0x4] =	wrdreg $0xC0  }
0xab: {  	_ =	task [dreg:s7], $0x5FFFF  }
0xac: {  	[dreg:$0x1] =	wrdreg $0xFFFFFFFF  }
0xad: {  	[dreg:$0x0] =	wrdreg $0x60  }
0xae: {  	[dreg:$0x2] =	wrdreg s2  }
0xaf: {  	[dreg:$0x3] =	wrdreg s24  }
0xb0: {  	[dreg:$0x4] =	wrdreg $0xA1800  }
0xb1: {  	[dreg:$0x5] =	wrdreg $0x9  }
0xb2: {  	_ =	task.clear_ibuf [dreg:s7], $0x6FFFF;
	_ =	strace $0x90000046  }
0xb3: {  	s29 =	simm.s32 $0x9;
	_ =	strace $0x80000048  }
0xb4: {  	_ =	swait.ge [sflag:s29], $0x1  }
0xb5: {  	[sflag:s29] =	ssyncadd.s32 $0xFFFFFFFF  }
0xb6: {  	_ =	strace $0x90000048  }
0xb7: {  	_ =	sfence  }
0xb8: {  	s30 =	sld [smem:$0x0];
	_ =	sdelay $0x2  }
0xb9: {  	s31 =	sshll.u32 s1, $0xD;
	s1 =	sshrl.u32 s1, $0x2  }
0xba: {  	s3 =	sand.u32 $0x4000, s31;
	s1 =	sadd.s32 s1, s30  }
0xbb: {  	s0 =	sor.u32 s3, s0;
	s1 =	sshll.u32 s1, $0x11  }
0xbc: {  	s0 =	sor.u32 s1, s0  }
0xbd: {  	s0 =	sadd.s32 $0x8F2B, s0  }
0xbe: {  	[sflag:s0] =	ssyncadd.remote.s32 $0x1  }
0xbf: {  	_ =	sfence.sel $0xFFFF  }
0xc0: {  	[dreg:$0x0] =	wrdreg $0xFFFFFFFF;
	(pc) =	sbr.abs _section_cstart, $3  }
0xc1: {  	[dreg:$0x1] =	wrdreg $0xFFFFFFFF  }
0xc2: {  	_ =	task.clear_ibuf [dreg:s7], $0x2FFFF;
	_ =	strace $0x9FFFFFFF  }
0xc3: {  	(tm) =	ssettm $0x7FFFFFFF  }
tec
execute0_lowered:
.L_overlay_start_1:
0x0: {  	(tag) =	ssettag $0x1  }
0x1: {  	s1 =	rddreg [dreg:$0x0]  }
0x2: {  	s0 =	srdreg.scid;
	s2 =	rddreg [dreg:$0x1]  }
0x3: {  	s12 =	stileid.u32;
	s3 =	rddreg [dreg:$0x2]  }
0x4: {  	s17 =	simm.s32 $0xB;
	s18 =	simm.s32 $0x1;
	s29 =	simm.s32 $0x7980  }
0x5: {  	s30 =	simm.s32 $0x6;
	s31 =	simm.s32 $0x3;
	s28 =	simm.s32 $0x7  }
0x6: {  	s0 =	sand.u32 $0x1, s0;
	s4 =	sshll.u32 s12, $0x1;
	s7 =	smul.u32 $0x2780, s12  }
0x7: {  	s8 =	smul.u32 $0x4F000, s12;
	s21 =	sshll.u32 s12, $0x6;
	s6 =	sor.u32 s0, s4  }
0x8: {  	s4 =	simm.s32 $0x0;
	s10 =	ssub.s32 $0x2, s0;
	p0 =	seq.s32 s0, $0x1  }
0x9: {  	s0 =	simm.s32 $0x6E800;
	s5 =	smul.u32 $0x4E2, s6;
	[smem:$0x7FF] =	sst s4  }
0xa: {  	s19 =	sshrl.u32 s10, $0x1;
	s8 =	sshrl.u32 s8, $0x2;
	s22 =	sshll.u32 s6, $0xB  }
0xb: {  	s0 =	simm.s32 @!p0 $0x47000;
	_ =	strace $0x80000047;
	s11 =	sadd.s32 s8, s3  }
0xc: {  	s8 =	sor.u32 $0x1C0B, s21;
	s21 =	simm.s32 $0x50;
	s9 =	sadd.s32 s5, s2  }
0xd: {  	s5 =	sadd.s32 $0xF800, s2;
	s2 =	sadd.s32 s7, s2;
	s7 =	ssub.s32 s10, s19  }
0xe: {  	s16 =	sshrl.u32 s11, $0x3;
	s19 =	simm.s32 $0x2780;
	s11 =	simm.s32 $0x0  }
0xf: {  	s9 =	sadd.s32 $0x5A00, s9;
	s20 =	sadd.s32 $0x1F800, s2;
	s10 =	sadd.s32 s5, s22  }
0x10: {  	s26 =	smax.u32 s7, $0x1;
	s0 =	sadd.s32 s0, s2;
	[dreg:$0x4] =	wrdreg s9  }
0x11: {  	s22 =	simm.s32 $0x2980;
	s2 =	simm.s32 $0x8;
	[dreg:$0x5] =	wrdreg s20  }
0x12: {  	s7 =	simm.s32 $0xA;
	s9 =	sshll.u32 s6, $0xE;
	[dreg:$0x9] =	wrdreg s26  }
.Ltmp0:
0x13: {  	s23 =	sadd.s32 $0x10, s10;
	[dreg:$0xa] =	wrdreg s0;
	(pc) =	sbr.rel .LBB2_1-.Ltmp0, $4  }
0x14: {  	s24 =	sadd.s32 $0x20, s10;
	s25 =	sadd.s32 $0x30, s10;
	[dreg:$0x6] =	wrdreg s23  }
0x15: {  	s20 =	simm.s32 $0x2800;
	s26 =	simm.s32 $0x2880;
	[dreg:$0x7] =	wrdreg s24  }
0x16: {  	s0 =	simm.s32 $0x4;
	s6 =	simm.s32 $0x9;
	[dreg:$0x8] =	wrdreg s25  }
0x17: {  	s23 =	simm.s32 $0x5180;
	s24 =	simm.s32 $0x5;
	s25 =	simm.s32 $0x2  }
.LBB2_4:
0x18: {  	_ =	swait.ge [sflag:s30], $0x2800  }
0x19: {  	[sflag:s30] =	ssyncset.done $0x0  }
0x1a: {  	[sflag:s30] =	ssyncadd.s32 $0xFFFFD800  }
0x1b: {  	_ =	swait.ge [sflag:s31], $0x80  }
0x1c: {  	[sflag:s31] =	ssyncset.done $0x0  }
0x1d: {  	[sflag:s31] =	ssyncadd.s32 $0xFFFFFF80  }
0x1e: {  	[spmem:s3] =	stream.indirect.scatter.add.f32 [tilespmem:s23], [sflag:$0x9], $0x80, s20, s21, $0xb8;
	[tilespmem:$0x1DD80] =	vst v63  }
0x1f: {  	_ =	swait.ge [sflag:s7], $0x2800  }
0x20: {  	[sflag:s7] =	ssyncset.done $0x0  }
0x21: {  	[sflag:s7] =	ssyncadd.s32 $0xFFFFD800  }
0x22: {  	_ =	swait.ge [sflag:s2], $0x2800  }
0x23: {  	[sflag:s2] =	ssyncset.done $0x0  }
0x24: {  	[sflag:s2] =	ssyncadd.s32 $0xFFFFD800  }
0x25: {  	_ =	swait.ge [sflag:s6], $0x2800  }
0x26: {  	[sflag:s6] =	ssyncset.done $0x0  }
0x27: {  	[sflag:s6] =	ssyncadd.s32 $0xFFFFD800  }
0x28: {  	[bflag:$0x0] =	sbarrier.arrive $0xFFFF  }
0x29: {  	s12 =	rddreg [dreg:$0xa]  }
0x2a: {  	[hbm:s12], [sflag:s8] =	dma.local [spmem:s16], $0x2780  }
0x2b: {  	_ =	swait.ge [sflag:s17], $0x2780  }
0x2c: {  	s11 =	sadd.s32 $0x1, s11;
	s15 =	rddreg [dreg:$0x9]  }
0x2d: {  	p0 =	sne.s32 s11, s15  }
.Ltmp1:
0x2e: {  	_ = 	snop;
	(pc) =	sbr.rel @!p0 .LBB2_5-.Ltmp1, $3  }
0x2f: {  	_ =	sdelay $0x1  }
0x30: {  	[sflag:s17] =	ssyncset.done $0x0  }
0x31: {  	[sflag:s17] =	ssyncadd.s32 $0xFFFFD880  }
.LBB2_1:
0x32: {  	s12 =	rddreg [dreg:$0x4]  }
0x33: {  	s13 =	rddreg [dreg:$0x5]  }
0x34: {  	[tilespmem:s4], [sflag:$0x1] =	stream.linear.gather [hbm4b:s12+s4], $0x2710, $0x38;
	[tilespmem:$0x1DD80] =	vst v63  }
0x35: {  	[spmem:s16], [sflag:s8] =	dma.local [hbm:s13], $0x2780  }
0x36: {  	_ =	swait.ge [sflag:s17], $0x2780  }
0x37: {  	[sflag:s17] =	ssyncset.done $0x0  }
0x38: {  	[sflag:s17] =	ssyncadd.s32 $0xFFFFD880  }
0x39: {  	_ =	swait.ge [sflag:s18], $0x2710  }
0x3a: {  	[sflag:s18] =	ssyncset.done $0x0  }
0x3b: {  	[sflag:s18] =	ssyncadd.s32 $0xFFFFD8F0  }
0x3c: {  	[bflag:$0x0] =	sbarrier.arrive $0xFFFF  }
0x3d: {  	[tilespmem:s19], [sflag:$0x2] =	stream.linear.gather [hbm4b:s10+s4], $0x80, $0x38;
	[tilespmem:$0x1DD80] =	vst v63  }
0x3e: {  	s14 =	rddreg [dreg:$0x6]  }
0x3f: {  	[tilespmem:s20], [sflag:$0x3] =	stream.linear.gather [hbm4b:s14+s4], $0x80, $0x38;
	[tilespmem:$0x1DD80] =	vst v63  }
0x40: {  	_ = 	snop  }
0x41: {  	[tilespmem:s22], [sflag:$0x5] =	stream.indirect.gather [hbm4b:s1+s21], $0x80, s4, s21, $0xb8;
	[tilespmem:$0x1DD80] =	vst v63  }
0x42: {  	_ = 	snop  }
0x43: {  	[tilespmem:s23], [sflag:$0x6] =	stream.indirect.gather [hbm4b:s1+s21], $0x80, s21, s21, $0xb8;
	[tilespmem:$0x1DD80] =	vst v63  }
0x44: {  	_ =	swait.ge [sflag:s24], $0x2800  }
0x45: {  	[sflag:s24] =	ssyncset.done $0x0  }
0x46: {  	[sflag:s24] =	ssyncadd.s32 $0xFFFFD800  }
0x47: {  	_ =	swait.ge [sflag:s25], $0x80  }
0x48: {  	[sflag:s25] =	ssyncset.done $0x0  }
0x49: {  	[sflag:s25] =	ssyncadd.s32 $0xFFFFFF80  }
0x4a: {  	[spmem:s3] =	stream.indirect.scatter.add.f32 [tilespmem:s22], [sflag:$0x8], $0x80, s19, s21, $0xb8;
	[tilespmem:$0x1DD80] =	vst v63  }
0x4b: {  	s15 =	rddreg [dreg:$0x7]  }
0x4c: {  	[tilespmem:s26], [sflag:$0x4] =	stream.linear.gather [hbm4b:s15+s4], $0x80, $0x38;
	[tilespmem:$0x1DD80] =	vst v63  }
0x4d: {  	s13 =	simm.s32 $0xA0  }
0x4e: {  	[tilespmem:s29], [sflag:$0x7] =	stream.indirect.gather [hbm4b:s1+s21], $0x80, s13, s21, $0xb8;
	[tilespmem:$0x1DD80] =	vst v63  }
0x4f: {  	_ =	swait.ge [sflag:s30], $0x2800  }
0x50: {  	[sflag:s30] =	ssyncset.done $0x0  }
0x51: {  	[sflag:s30] =	ssyncadd.s32 $0xFFFFD800  }
0x52: {  	_ =	swait.ge [sflag:s31], $0x80  }
0x53: {  	[sflag:s31] =	ssyncset.done $0x0  }
0x54: {  	[sflag:s31] =	ssyncadd.s32 $0xFFFFFF80  }
0x55: {  	[spmem:s3] =	stream.indirect.scatter.add.f32 [tilespmem:s23], [sflag:$0x9], $0x80, s20, s21, $0xb8;
	[tilespmem:$0x1DD80] =	vst v63  }
0x56: {  	_ =	swait.ge [sflag:s2], $0x2800  }
0x57: {  	[sflag:s2] =	ssyncset.done $0x0  }
0x58: {  	s14 =	rddreg [dreg:$0x8];
	[sflag:s2] =	ssyncadd.s32 $0xFFFFD800  }
0x59: {  	[tilespmem:s19], [sflag:$0x2] =	stream.linear.gather [hbm4b:s14+s4], $0x80, $0x38;
	[tilespmem:$0x1DD80] =	vst v63  }
0x5a: {  	s12 =	simm.s32 $0x300;
	s15 =	simm.s32 $0xF0;
	s13 =	simm.s32 $0x1E0  }
0x5b: {  	[tilespmem:s22], [sflag:$0x5] =	stream.indirect.gather [hbm4b:s1+s21], $0x80, s15, s21, $0xb8;
	[tilespmem:$0x1DD80] =	vst v63  }
.LBB2_2:
0x5c: {  	_ =	swait.ge [sflag:s28], $0x2800  }
0x5d: {  	[sflag:s28] =	ssyncset.done $0x0  }
0x5e: {  	[sflag:s28] =	ssyncadd.s32 $0xFFFFD800  }
0x5f: {  	s14 =	sadd.s32 $0xFFFFFF00, s12;
	_ =	swait.ge [sflag:s0], $0x80  }
0x60: {  	s15 =	sand.u32 $0xFC00, s14;
	[sflag:s0] =	ssyncset.done $0x0  }
0x61: {  	s14 =	sand.u32 $0x380, s14;
	s15 =	sadd.s32 s9, s15;
	[sflag:s0] =	ssyncadd.s32 $0xFFFFFF80  }
0x62: {  	[spmem:s3] =	stream.indirect.scatter.add.f32 [tilespmem:s29], [sflag:$0xA], $0x80, s26, s21, $0xb8;
	[tilespmem:$0x1DD80] =	vst v63  }
0x63: {  	s14 =	sor.u32 s14, s15;
	_ =	swait.ge [sflag:s6], $0x2800  }
0x64: {  	s14 =	sshrl.u32 s14, $0x3;
	[sflag:s6] =	ssyncset.done $0x0  }
0x65: {  	s14 =	sadd.s32 s5, s14;
	[sflag:s6] =	ssyncadd.s32 $0xFFFFD800  }
0x66: {  	[tilespmem:s20], [sflag:$0x3] =	stream.linear.gather [hbm4b:s14+s4], $0x80, $0x38;
	[tilespmem:$0x1DD80] =	vst v63  }
0x67: {  	s15 =	sadd.s32 $0xFFFFFF60, s13  }
0x68: {  	[tilespmem:s23], [sflag:$0x6] =	stream.indirect.gather [hbm4b:s1+s21], $0x80, s15, s21, $0xb8;
	[tilespmem:$0x1DD80] =	vst v63  }
0x69: {  	_ =	swait.ge [sflag:s24], $0x2800  }
0x6a: {  	p0 =	seq.s32 s12, $0x3F00;
	[sflag:s24] =	ssyncset.done $0x0  }
.Ltmp2:
0x6b: {  	[sflag:s24] =	ssyncadd.s32 $0xFFFFD800;
	(pc) =	sbr.rel @p0 .LBB2_4-.Ltmp2, $4  }
0x6c: {  	_ =	swait.ge [sflag:s25], $0x80  }
0x6d: {  	[sflag:s25] =	ssyncset.done $0x0  }
0x6e: {  	[sflag:s25] =	ssyncadd.s32 $0xFFFFFF80  }
0x6f: {  	[spmem:s3] =	stream.indirect.scatter.add.f32 [tilespmem:s22], [sflag:$0x8], $0x80, s19, s21, $0xb8;
	[tilespmem:$0x1DD80] =	vst v63  }
0x70: {  	s14 =	sadd.s32 $0xFFFFFF80, s12  }
0x71: {  	s15 =	sand.u32 $0xFC00, s14  }
0x72: {  	s14 =	sand.u32 $0x380, s14;
	s15 =	sadd.s32 s9, s15  }
0x73: {  	_ =	swait.ge [sflag:s7], $0x2800;
	s14 =	sor.u32 s14, s15  }
0x74: {  	[sflag:s7] =	ssyncset.done $0x0;
	s14 =	sshrl.u32 s14, $0x3  }
0x75: {  	[sflag:s7] =	ssyncadd.s32 $0xFFFFD800;
	s14 =	sadd.s32 s5, s14  }
0x76: {  	[tilespmem:s26], [sflag:$0x4] =	stream.linear.gather [hbm4b:s14+s4], $0x80, $0x38;
	[tilespmem:$0x1DD80] =	vst v63  }
0x77: {  	s15 =	sadd.s32 $0xFFFFFFB0, s13  }
0x78: {  	[tilespmem:s29], [sflag:$0x7] =	stream.indirect.gather [hbm4b:s1+s21], $0x80, s15, s21, $0xb8;
	[tilespmem:$0x1DD80] =	vst v63  }
0x79: {  	_ =	swait.ge [sflag:s30], $0x2800  }
0x7a: {  	[sflag:s30] =	ssyncset.done $0x0  }
0x7b: {  	[sflag:s30] =	ssyncadd.s32 $0xFFFFD800  }
0x7c: {  	_ =	swait.ge [sflag:s31], $0x80  }
0x7d: {  	s15 =	sand.u32 $0xFC00, s12;
	[sflag:s31] =	ssyncset.done $0x0  }
0x7e: {  	s14 =	sadd.s32 s9, s15;
	s15 =	sand.u32 $0x380, s12;
	[sflag:s31] =	ssyncadd.s32 $0xFFFFFF80  }
0x7f: {  	[spmem:s3] =	stream.indirect.scatter.add.f32 [tilespmem:s23], [sflag:$0x9], $0x80, s20, s21, $0xb8;
	[tilespmem:$0x1DD80] =	vst v63  }
0x80: {  	s14 =	sor.u32 s15, s14;
	_ =	swait.ge [sflag:s2], $0x2800  }
0x81: {  	s14 =	sshrl.u32 s14, $0x3;
	[sflag:s2] =	ssyncset.done $0x0  }
.Ltmp3:
0x82: {  	s14 =	sadd.s32 s5, s14;
	[sflag:s2] =	ssyncadd.s32 $0xFFFFD800;
	(pc) =	sbr.rel .LBB2_2-.Ltmp3, $4  }
0x83: {  	[tilespmem:s19], [sflag:$0x2] =	stream.linear.gather [hbm4b:s14+s4], $0x80, $0x38;
	[tilespmem:$0x1DD80] =	vst v63  }
0x84: {  	_ = 	snop  }
0x85: {  	[tilespmem:s22], [sflag:$0x5] =	stream.indirect.gather [hbm4b:s1+s21], $0x80, s13, s21, $0xb8;
	[tilespmem:$0x1DD80] =	vst v63  }
0x86: {  	s12 =	sadd.s32 $0x180, s12;
	s13 =	sadd.s32 $0xF0, s13  }
.LBB2_5:
0x87: {  	_ =	sfence.sel $0x180000  }
0x88: {  	[bflag:$0x0] =	sbarrier.arrive $0xFFFF  }
0x89: {  	_ =	strace $0x90000047  }
0x8a: {  	s0 =	stileid.u32;
	[bflag:$0x2] =	sbarrier.arrive $0xFFFF  }
0x8b: {  	p0 =	sne.s32 s0, $0x0;
	s0 =	rddreg [dreg:$0x3]  }
0x8c: {  	s0 =	sadd.s32 @!p0 $0x100000, s0  }
0x8d: {  	[sflag:s0] =	ssyncadd.tile.s32 @!p0 $0x1;
	_ =	shalt  }
.Lfunc_end2:
_tile_overlayer_lowered:
.L_overlay_start_2:
0x8e: {  	(tag) =	ssettag $0x2  }
0x8f: {  	s0 =	rddreg [dreg:$0x0];
	s2 =	stileid.u32  }
0x90: {  	s1 =	rddreg [dreg:$0x1];
	p0 =	sne.s32 s2, $0x0  }
0x91: {  	s3 =	rddreg [dreg:$0x2];
	[bflag:$0x3] =	sbarrier.arrive $0xFFFF;
	s2 =	simm.s32 @!p0 $0x1C0B  }
0x92: {  	[timem:s3], [sflag:s2] =	dma.local @!p0 [hbm:s0], s1  }
0x93: {  	s0 =	simm.s32 @!p0 $0xB  }
0x94: {  	_ =	swait.ge @!p0 [sflag:s0], s1  }
0x95: {  	s1 =	ssub.s32 @!p0 $0x0, s1;
	[sflag:s0] =	ssyncset.done @!p0 $0x0  }
0x96: {  	[sflag:s0] =	ssyncadd.s32 @!p0 s1  }
0x97: {  	[bflag:$0x3] =	sbarrier.arrive $0xFFFF  }
0x98: {  	_ =	shalt  }

// kernel: kernel.14.cloned.1.call-start
scs
__scs_entry_jumppad:
0x0: {  	(pc) =	sbr.rel $0x88, $3  }
0x1: {  	(tag) =	ssettag $0x0;
	lr =	simm.s32 $0x1  }
0x2: {  	[smem:$0x3F87] =	sst lr;
	_ =	strace $0xD0000000  }
0x3: {  	_ = 	snop  }
0x4: {  	_ = 	snop  }
0x5: {  	_ = 	snop  }
0x6: {  	_ = 	snop  }
0x7: {  	_ = 	snop  }
__scs_overlays_trampoline_lowered:
0x8: {  	[smem:$0x3F96] =	sst s0  }
0x9: {  	[smem:$0x3F97] =	sst s1  }
0xa: {  	[smem:$0x3F98] =	sst s2  }
0xb: {  	[smem:$0x3F99] =	sst s3  }
0xc: {  	[smem:$0x3F9A] =	sst s4  }
0xd: {  	[smem:$0x3F9B] =	sst s5  }
0xe: {  	[smem:$0x3F9C] =	sst s6  }
0xf: {  	[smem:$0x3F9D] =	sst s7  }
0x10: {  	[smem:$0x3F9E] =	sst s8  }
0x11: {  	[smem:$0x3F9F] =	sst s9;
	s0 =	simm.s32 @!p0 $0x0  }
0x12: {  	s1 =	sld [smem:$0x3F85];
	s0 =	simm.s32 @p0 $0x1  }
0x13: {  	[smem:$0x3FA0] =	sst s0;
	s0 =	simm.s32 @!p1 $0x0  }
0x14: {  	s2 =	sld [smem:$0x3F84];
	s0 =	simm.s32 @p1 $0x1  }
0x15: {  	[smem:$0x3FA1] =	sst s0;
	s0 =	simm.s32 @!p2 $0x0  }
0x16: {  	s3 =	sld [smem:$0x3FDB];
	s0 =	simm.s32 @p2 $0x1  }
0x17: {  	s4 =	simm.s32 $0x1BF5;
	[smem:$0x3FA3] =	sst s0  }
0x18: {  	s0 =	sld [smem:$0x3F86];
	_ =	swait.ge [sflag:s4], $0x0  }
0x19: {  	s7 =	sld [smem:$0x3F87]  }
0x1a: {  	s8 =	sadd.s32 $0xFFFFE003, lr  }
0x1b: {  	s9 =	sadd.s32 $0xFFFFFEF7, lr;
	s5 =	simm.s32 $0xFFFFFFFF;
	p2 =	slt.u32 s8, $0xFFFFF086  }
0x1c: {  	p1 =	slt.u32 s9, $0xF7A;
	s5 =	simm.s32 @!p2 $0x0  }
0x1d: {  	s5 =	simm.s32 @p1 $0x1;
	p0 =	seq.s32 s7, s2  }
0x1e: {  	s7 =	smul.u32 @!p0 $0xF7A, s2;
	p2 =	seq.s32 @!p0 s5, $0x0  }
0x1f: {  	s9 =	smul.u32 $0xF7A, s1;
	s8 =	simm.s32 @!p0 $0x1BF5;
	p2 =	por !p2, p0  }
0x20: {  	[sflag:s8] =	ssyncset.s32 @!p0 $0xFFFFF086;
	s6 =	sadd.s32 @!p0 s3, s7;
	s7 =	simm.s32 @!p0 $0x108  }
0x21: {  	s3 =	sadd.s32 s3, s9;
	s6 =	sadd.s32 @!p0 $0x88, s6;
	s7 =	simm.s32 @p2 $0x1082  }
0x22: {  	[simem:s7], [sflag:s8] =	dma.local @!p0 [hbm:s6], $0xF7A  }
0x23: {  	s9 =	sor.u32 $0xD0000000, s2;
	s6 =	simm.s32 $0x108;
	_ =	swait.ge @!p0 [sflag:s8], $0x0  }
0x24: {  	s3 =	sadd.s32 $0x88, s3;
	s6 =	simm.s32 @!p1 $0x1082;
	[sflag:s4] =	ssyncset.s32 $0xFFFFF086  }
0x25: {  	[simem:s6], [sflag:s4] =	dma.local [hbm:s3], $0xF7A  }
0x26: {  	[smem:$0x3F87] =	sst s1;
	(tag) =	ssettag s2;
	_ =	strace s9  }
0x27: {  	s1 =	sld [smem:$0x3F97]  }
0x28: {  	s2 =	sld [smem:$0x3F98]  }
0x29: {  	s4 =	sld [smem:$0x3F9A]  }
0x2a: {  	p0 =	seq.s32 s5, $0x0;
	s5 =	sld [smem:$0x3F9B]  }
0x2b: {  	s6 =	sld [smem:$0x3F9C]  }
0x2c: {  	s7 =	sld [smem:$0x3F9D]  }
0x2d: {  	s3 =	simm.s32 $0x108;
	s8 =	sld [smem:$0x3F9E]  }
0x2e: {  	s3 =	simm.s32 @!p0 $0x1082;
	s9 =	sld [smem:$0x3F9F]  }
0x2f: {  	lr =	sadd.s32 s0, s3;
	s0 =	sld [smem:$0x3F96]  }
0x30: {  	s3 =	sld [smem:$0x3F99]  }
0x31: {  	[smem:$0x3FA2] =	sst s10  }
0x32: {  	s10 =	sld [smem:$0x3FA0];
	_ =	sdelay $0x3  }
0x33: {  	p0 =	seq.s32 s10, $0x1;
	s10 =	sld [smem:$0x3FA2];
	_ =	sdelay $0x3  }
0x34: {  	[smem:$0x3FA2] =	sst s10  }
0x35: {  	s10 =	sld [smem:$0x3FA1];
	_ =	sdelay $0x3  }
0x36: {  	p1 =	seq.s32 s10, $0x1;
	s10 =	sld [smem:$0x3FA2];
	_ =	sdelay $0x3  }
0x37: {  	[smem:$0x3FA2] =	sst s10  }
0x38: {  	s10 =	sld [smem:$0x3FA3]  }
0x39: {  	_ = 	snop;
	(pc) =	sbr.ind lr, $3  }
0x3a: {  	_ = 	snop  }
0x3b: {  	_ = 	snop  }
0x3c: {  	p2 =	seq.s32 s10, $0x1;
	s10 =	sld [smem:$0x3FA2]  }
0x3d: {  	_ =	shalt  }
0x3e: {  	_ =	shalt  }
0x3f: {  	_ =	shalt  }
0x40: {  	_ =	shalt  }
0x41: {  	_ =	shalt  }
0x42: {  	_ =	shalt  }
0x43: {  	_ =	shalt  }
0x44: {  	_ =	shalt  }
0x45: {  	_ =	shalt  }
0x46: {  	_ =	shalt  }
0x47: {  	_ =	shalt  }
0x48: {  	_ =	shalt  }
0x49: {  	_ =	shalt  }
0x4a: {  	_ =	shalt  }
0x4b: {  	_ =	shalt  }
0x4c: {  	_ =	shalt  }
0x4d: {  	_ =	shalt  }
0x4e: {  	_ =	shalt  }
0x4f: {  	_ =	shalt  }
0x50: {  	_ =	shalt  }
0x51: {  	_ =	shalt  }
0x52: {  	_ =	shalt  }
0x53: {  	_ =	shalt  }
0x54: {  	_ =	shalt  }
0x55: {  	_ =	shalt  }
0x56: {  	_ =	shalt  }
0x57: {  	_ =	shalt  }
0x58: {  	_ =	shalt  }
0x59: {  	_ =	shalt  }
0x5a: {  	_ =	shalt  }
0x5b: {  	_ =	shalt  }
0x5c: {  	_ =	shalt  }
0x5d: {  	_ =	shalt  }
0x5e: {  	_ =	shalt  }
0x5f: {  	_ =	shalt  }
0x60: {  	_ =	shalt  }
0x61: {  	_ =	shalt  }
0x62: {  	_ =	shalt  }
0x63: {  	_ =	shalt  }
0x64: {  	_ =	shalt  }
0x65: {  	_ =	shalt  }
0x66: {  	_ =	shalt  }
0x67: {  	_ =	shalt  }
0x68: {  	_ =	shalt  }
0x69: {  	_ =	shalt  }
0x6a: {  	_ =	shalt  }
0x6b: {  	_ =	shalt  }
0x6c: {  	_ =	shalt  }
0x6d: {  	_ =	shalt  }
0x6e: {  	_ =	shalt  }
0x6f: {  	_ =	shalt  }
0x70: {  	_ =	shalt  }
0x71: {  	_ =	shalt  }
0x72: {  	_ =	shalt  }
0x73: {  	_ =	shalt  }
0x74: {  	_ =	shalt  }
0x75: {  	_ =	shalt  }
0x76: {  	_ =	shalt  }
0x77: {  	_ =	shalt  }
0x78: {  	_ =	shalt  }
0x79: {  	_ =	shalt  }
0x7a: {  	_ =	shalt  }
0x7b: {  	_ =	shalt  }
0x7c: {  	_ =	shalt  }
0x7d: {  	_ =	shalt  }
0x7e: {  	_ =	shalt  }
0x7f: {  	_ =	shalt  }
0x80: {  	_ =	shalt  }
0x81: {  	_ =	shalt  }
0x82: {  	_ =	shalt  }
0x83: {  	_ =	shalt  }
0x84: {  	_ =	shalt  }
0x85: {  	_ =	shalt  }
0x86: {  	_ =	shalt  }
0x87: {  	_ =	shalt  }
.Lfunc_end0:
.L_simem_size_0:
called_computation.1_lowered:
.L_overlay_start_0:
0x88: {  	s2 =	sld [smem:$0x3FD9]  }
0x89: {  	s3 =	sld [smem:$0x3FFE];
	_ =	sdelay $0x1  }
0x8a: {  	s1 =	srdreg.scid  }
0x8b: {  	s0 =	sand.u32 $0x1, s1  }
0x8c: {  	s17 =	sshll.u32 s0, $0xA;
	s2 =	sadd.s32 s3, s2  }
0x8d: {  	s2 =	sadd.s32 s2, s17  }
0x8e: {  	[smem:$0x3FAE] =	sst s2  }
0x8f: {  	_ = 	snop  }
0x90: {  	s2 =	sld [smem:$0x3FD0];
	(tm) =	ssettm $0x1  }
0x91: {  	s18 =	sld [smem:$0x3FFB];
	_ =	sdelay $0x3  }
0x92: {  	_ =	strace s18  }
0x93: {  	s3 =	sld [smem:$0x3FFC];
	_ =	sdelay $0x3  }
0x94: {  	_ =	strace s3  }
0x95: {  	s3 =	sld [smem:$0x3FFD];
	_ =	sdelay $0x3  }
0x96: {  	_ =	strace s3  }
0x97: {  	_ =	strace $0x8FFFFFFF  }
0x98: {  	s19 =	sld [smem:$0x3FDB];
	_ =	sdelay $0x1  }
0x99: {  	s4 =	simm.s32 $_scs_section_size  }
0x9a: {  	s5 =	simm.s32 $_size__tile_overlayer_lowered;
	s6 =	simm.s32 $_tile_overlayer_lowered  }
0x9b: {  	s22 =	simm.s32 $0x1BFF;
	s21 =	sshll.u32 s6, $0x1;
	s3 =	sadd.s32 s4, s19  }
0x9c: {  	s7 =	simm.s32 $0x0;
	s20 =	sshll.u32 s5, $0x1;
	s5 =	sadd.s32 s21, s3  }
0x9d: {  	[timem:s7], [sflag:s22] =	dma.local [hbm:s5], s20  }
0x9e: {  	_ =	swait.ge [sflag:s22], s20  }
0x9f: {  	s4 =	ssub.s32 $0x0, s20;
	[sflag:s22] =	ssyncset.done $0x0  }
0xa0: {  	[sflag:s22] =	ssyncadd.s32 s4;
	_ =	sdelay $0x1  }
0xa1: {  	s23 =	simm.s32 $0x1B8B  }
0xa2: {  	_ =	swait.ge [sflag:s23], $0x1  }
0xa3: {  	[sflag:s23] =	ssyncset.done $0x0  }
0xa4: {  	s25 =	simm.s32 $0x1B8E;
	s24 =	sld [smem:$0x3FFE];
	[sflag:s23] =	ssyncadd.s32 $0xFFFFFFFF  }
0xa5: {  	s26 =	simm.s32 $execute0_lowered;
	[smem:$0x3FD2] =	sst s25  }
0xa6: {  	s5 =	sshll.u32 s26, $0x1;
	_ =	strace $0x80000049;
	[dreg:$0x1] =	wrdreg $0xFFFFFFFF  }
0xa7: {  	s28 =	simm.s32 $_size_execute0_lowered;
	s3 =	sadd.s32 s3, s5;
	[dreg:$0x0] =	wrdreg $0x0  }
0xa8: {  	s5 =	sshll.u32 s28, $0x1;
	[dreg:$0x2] =	wrdreg s3  }
0xa9: {  	[dreg:$0x3] =	wrdreg s5  }
0xaa: {  	[dreg:$0x4] =	wrdreg $0xC0  }
0xab: {  	_ =	task [dreg:s7], $0x5FFFF  }
0xac: {  	[dreg:$0x1] =	wrdreg $0xFFFFFFFF  }
0xad: {  	[dreg:$0x0] =	wrdreg $0x60  }
0xae: {  	[dreg:$0x2] =	wrdreg s2  }
0xaf: {  	[dreg:$0x3] =	wrdreg s24  }
0xb0: {  	[dreg:$0x4] =	wrdreg $0xA1800  }
0xb1: {  	[dreg:$0x5] =	wrdreg $0x9  }
0xb2: {  	_ =	task.clear_ibuf [dreg:s7], $0x6FFFF;
	_ =	strace $0x90000049  }
0xb3: {  	s29 =	simm.s32 $0x9;
	_ =	strace $0x8000004B  }
0xb4: {  	_ =	swait.ge [sflag:s29], $0x1  }
0xb5: {  	[sflag:s29] =	ssyncadd.s32 $0xFFFFFFFF  }
0xb6: {  	_ =	strace $0x9000004B  }
0xb7: {  	_ =	sfence  }
0xb8: {  	s30 =	sld [smem:$0x0];
	_ =	sdelay $0x2  }
0xb9: {  	s31 =	sshll.u32 s1, $0xD;
	s1 =	sshrl.u32 s1, $0x2  }
0xba: {  	s3 =	sand.u32 $0x4000, s31;
	s1 =	sadd.s32 s1, s30  }
0xbb: {  	s0 =	sor.u32 s3, s0;
	s1 =	sshll.u32 s1, $0x11  }
0xbc: {  	s0 =	sor.u32 s1, s0  }
0xbd: {  	s0 =	sadd.s32 $0x8F2B, s0  }
0xbe: {  	[sflag:s0] =	ssyncadd.remote.s32 $0x1  }
0xbf: {  	_ =	sfence.sel $0xFFFF  }
0xc0: {  	[dreg:$0x0] =	wrdreg $0xFFFFFFFF;
	(pc) =	sbr.abs _section_cstart, $3  }
0xc1: {  	[dreg:$0x1] =	wrdreg $0xFFFFFFFF  }
0xc2: {  	_ =	task.clear_ibuf [dreg:s7], $0x2FFFF;
	_ =	strace $0x9FFFFFFF  }
0xc3: {  	(tm) =	ssettm $0x7FFFFFFF  }
tec
execute0_lowered:
.L_overlay_start_1:
0x0: {  	(tag) =	ssettag $0x1  }
0x1: {  	s1 =	rddreg [dreg:$0x0]  }
0x2: {  	s0 =	srdreg.scid;
	s2 =	rddreg [dreg:$0x1]  }
0x3: {  	s12 =	stileid.u32;
	s3 =	rddreg [dreg:$0x2]  }
0x4: {  	s17 =	simm.s32 $0xB;
	s18 =	simm.s32 $0x1;
	s29 =	simm.s32 $0x7980  }
0x5: {  	s30 =	simm.s32 $0x6;
	s31 =	simm.s32 $0x3;
	s28 =	simm.s32 $0x7  }
0x6: {  	s0 =	sand.u32 $0x1, s0;
	s4 =	sshll.u32 s12, $0x1;
	s7 =	smul.u32 $0x2780, s12  }
0x7: {  	s8 =	smul.u32 $0x4F000, s12;
	s21 =	sshll.u32 s12, $0x6;
	s6 =	sor.u32 s0, s4  }
0x8: {  	s4 =	simm.s32 $0x0;
	s10 =	ssub.s32 $0x2, s0;
	p0 =	seq.s32 s0, $0x1  }
0x9: {  	s0 =	simm.s32 $0x6E800;
	s5 =	smul.u32 $0x4E2, s6;
	[smem:$0x7FF] =	sst s4  }
0xa: {  	s19 =	sshrl.u32 s10, $0x1;
	s8 =	sshrl.u32 s8, $0x2;
	s22 =	sshll.u32 s6, $0xB  }
0xb: {  	s0 =	simm.s32 @!p0 $0x47000;
	_ =	strace $0x8000004A;
	s11 =	sadd.s32 s8, s3  }
0xc: {  	s8 =	sor.u32 $0x1C0B, s21;
	s21 =	simm.s32 $0x50;
	s9 =	sadd.s32 s5, s2  }
0xd: {  	s5 =	sadd.s32 $0xF800, s2;
	s2 =	sadd.s32 s7, s2;
	s7 =	ssub.s32 s10, s19  }
0xe: {  	s16 =	sshrl.u32 s11, $0x3;
	s19 =	simm.s32 $0x2780;
	s11 =	simm.s32 $0x0  }
0xf: {  	s9 =	sadd.s32 $0x5A00, s9;
	s20 =	sadd.s32 $0x1F800, s2;
	s10 =	sadd.s32 s5, s22  }
0x10: {  	s26 =	smax.u32 s7, $0x1;
	s0 =	sadd.s32 s0, s2;
	[dreg:$0x4] =	wrdreg s9  }
0x11: {  	s22 =	simm.s32 $0x2980;
	s2 =	simm.s32 $0x8;
	[dreg:$0x5] =	wrdreg s20  }
0x12: {  	s7 =	simm.s32 $0xA;
	s9 =	sshll.u32 s6, $0xE;
	[dreg:$0x9] =	wrdreg s26  }
.Ltmp0:
0x13: {  	s23 =	sadd.s32 $0x10, s10;
	[dreg:$0xa] =	wrdreg s0;
	(pc) =	sbr.rel .LBB2_1-.Ltmp0, $4  }
0x14: {  	s24 =	sadd.s32 $0x20, s10;
	s25 =	sadd.s32 $0x30, s10;
	[dreg:$0x6] =	wrdreg s23  }
0x15: {  	s20 =	simm.s32 $0x2800;
	s26 =	simm.s32 $0x2880;
	[dreg:$0x7] =	wrdreg s24  }
0x16: {  	s0 =	simm.s32 $0x4;
	s6 =	simm.s32 $0x9;
	[dreg:$0x8] =	wrdreg s25  }
0x17: {  	s23 =	simm.s32 $0x5180;
	s24 =	simm.s32 $0x5;
	s25 =	simm.s32 $0x2  }
.LBB2_4:
0x18: {  	_ =	swait.ge [sflag:s30], $0x2800  }
0x19: {  	[sflag:s30] =	ssyncset.done $0x0  }
0x1a: {  	[sflag:s30] =	ssyncadd.s32 $0xFFFFD800  }
0x1b: {  	_ =	swait.ge [sflag:s31], $0x80  }
0x1c: {  	[sflag:s31] =	ssyncset.done $0x0  }
0x1d: {  	[sflag:s31] =	ssyncadd.s32 $0xFFFFFF80  }
0x1e: {  	[spmem:s3] =	stream.indirect.scatter.add.f32 [tilespmem:s23], [sflag:$0x9], $0x80, s20, s21, $0xb8;
	[tilespmem:$0x1DD80] =	vst v63  }
0x1f: {  	_ =	swait.ge [sflag:s7], $0x2800  }
0x20: {  	[sflag:s7] =	ssyncset.done $0x0  }
0x21: {  	[sflag:s7] =	ssyncadd.s32 $0xFFFFD800  }
0x22: {  	_ =	swait.ge [sflag:s2], $0x2800  }
0x23: {  	[sflag:s2] =	ssyncset.done $0x0  }
0x24: {  	[sflag:s2] =	ssyncadd.s32 $0xFFFFD800  }
0x25: {  	_ =	swait.ge [sflag:s6], $0x2800  }
0x26: {  	[sflag:s6] =	ssyncset.done $0x0  }
0x27: {  	[sflag:s6] =	ssyncadd.s32 $0xFFFFD800  }
0x28: {  	[bflag:$0x0] =	sbarrier.arrive $0xFFFF  }
0x29: {  	s12 =	rddreg [dreg:$0xa]  }
0x2a: {  	[hbm:s12], [sflag:s8] =	dma.local [spmem:s16], $0x2780  }
0x2b: {  	_ =	swait.ge [sflag:s17], $0x2780  }
0x2c: {  	s11 =	sadd.s32 $0x1, s11;
	s15 =	rddreg [dreg:$0x9]  }
0x2d: {  	p0 =	sne.s32 s11, s15  }
.Ltmp1:
0x2e: {  	_ = 	snop;
	(pc) =	sbr.rel @!p0 .LBB2_5-.Ltmp1, $3  }
0x2f: {  	_ =	sdelay $0x1  }
0x30: {  	[sflag:s17] =	ssyncset.done $0x0  }
0x31: {  	[sflag:s17] =	ssyncadd.s32 $0xFFFFD880  }
.LBB2_1:
0x32: {  	s12 =	rddreg [dreg:$0x4]  }
0x33: {  	s13 =	rddreg [dreg:$0x5]  }
0x34: {  	[tilespmem:s4], [sflag:$0x1] =	stream.linear.gather [hbm4b:s12+s4], $0x2710, $0x38;
	[tilespmem:$0x1DD80] =	vst v63  }
0x35: {  	[spmem:s16], [sflag:s8] =	dma.local [hbm:s13], $0x2780  }
0x36: {  	_ =	swait.ge [sflag:s17], $0x2780  }
0x37: {  	[sflag:s17] =	ssyncset.done $0x0  }
0x38: {  	[sflag:s17] =	ssyncadd.s32 $0xFFFFD880  }
0x39: {  	_ =	swait.ge [sflag:s18], $0x2710  }
0x3a: {  	[sflag:s18] =	ssyncset.done $0x0  }
0x3b: {  	[sflag:s18] =	ssyncadd.s32 $0xFFFFD8F0  }
0x3c: {  	[bflag:$0x0] =	sbarrier.arrive $0xFFFF  }
0x3d: {  	[tilespmem:s19], [sflag:$0x2] =	stream.linear.gather [hbm4b:s10+s4], $0x80, $0x38;
	[tilespmem:$0x1DD80] =	vst v63  }
0x3e: {  	s14 =	rddreg [dreg:$0x6]  }
0x3f: {  	[tilespmem:s20], [sflag:$0x3] =	stream.linear.gather [hbm4b:s14+s4], $0x80, $0x38;
	[tilespmem:$0x1DD80] =	vst v63  }
0x40: {  	_ = 	snop  }
0x41: {  	[tilespmem:s22], [sflag:$0x5] =	stream.indirect.gather [hbm4b:s1+s21], $0x80, s4, s21, $0xb8;
	[tilespmem:$0x1DD80] =	vst v63  }
0x42: {  	_ = 	snop  }
0x43: {  	[tilespmem:s23], [sflag:$0x6] =	stream.indirect.gather [hbm4b:s1+s21], $0x80, s21, s21, $0xb8;
	[tilespmem:$0x1DD80] =	vst v63  }
0x44: {  	_ =	swait.ge [sflag:s24], $0x2800  }
0x45: {  	[sflag:s24] =	ssyncset.done $0x0  }
0x46: {  	[sflag:s24] =	ssyncadd.s32 $0xFFFFD800  }
0x47: {  	_ =	swait.ge [sflag:s25], $0x80  }
0x48: {  	[sflag:s25] =	ssyncset.done $0x0  }
0x49: {  	[sflag:s25] =	ssyncadd.s32 $0xFFFFFF80  }
0x4a: {  	[spmem:s3] =	stream.indirect.scatter.add.f32 [tilespmem:s22], [sflag:$0x8], $0x80, s19, s21, $0xb8;
	[tilespmem:$0x1DD80] =	vst v63  }
0x4b: {  	s15 =	rddreg [dreg:$0x7]  }
0x4c: {  	[tilespmem:s26], [sflag:$0x4] =	stream.linear.gather [hbm4b:s15+s4], $0x80, $0x38;
	[tilespmem:$0x1DD80] =	vst v63  }
0x4d: {  	s13 =	simm.s32 $0xA0  }
0x4e: {  	[tilespmem:s29], [sflag:$0x7] =	stream.indirect.gather [hbm4b:s1+s21], $0x80, s13, s21, $0xb8;
	[tilespmem:$0x1DD80] =	vst v63  }
0x4f: {  	_ =	swait.ge [sflag:s30], $0x2800  }
0x50: {  	[sflag:s30] =	ssyncset.done $0x0  }
0x51: {  	[sflag:s30] =	ssyncadd.s32 $0xFFFFD800  }
0x52: {  	_ =	swait.ge [sflag:s31], $0x80  }
0x53: {  	[sflag:s31] =	ssyncset.done $0x0  }
0x54: {  	[sflag:s31] =	ssyncadd.s32 $0xFFFFFF80  }
0x55: {  	[spmem:s3] =	stream.indirect.scatter.add.f32 [tilespmem:s23], [sflag:$0x9], $0x80, s20, s21, $0xb8;
	[tilespmem:$0x1DD80] =	vst v63  }
0x56: {  	_ =	swait.ge [sflag:s2], $0x2800  }
0x57: {  	[sflag:s2] =	ssyncset.done $0x0  }
0x58: {  	s14 =	rddreg [dreg:$0x8];
	[sflag:s2] =	ssyncadd.s32 $0xFFFFD800  }
0x59: {  	[tilespmem:s19], [sflag:$0x2] =	stream.linear.gather [hbm4b:s14+s4], $0x80, $0x38;
	[tilespmem:$0x1DD80] =	vst v63  }
0x5a: {  	s12 =	simm.s32 $0x300;
	s15 =	simm.s32 $0xF0;
	s13 =	simm.s32 $0x1E0  }
0x5b: {  	[tilespmem:s22], [sflag:$0x5] =	stream.indirect.gather [hbm4b:s1+s21], $0x80, s15, s21, $0xb8;
	[tilespmem:$0x1DD80] =	vst v63  }
.LBB2_2:
0x5c: {  	_ =	swait.ge [sflag:s28], $0x2800  }
0x5d: {  	[sflag:s28] =	ssyncset.done $0x0  }
0x5e: {  	[sflag:s28] =	ssyncadd.s32 $0xFFFFD800  }
0x5f: {  	s14 =	sadd.s32 $0xFFFFFF00, s12;
	_ =	swait.ge [sflag:s0], $0x80  }
0x60: {  	s15 =	sand.u32 $0xFC00, s14;
	[sflag:s0] =	ssyncset.done $0x0  }
0x61: {  	s14 =	sand.u32 $0x380, s14;
	s15 =	sadd.s32 s9, s15;
	[sflag:s0] =	ssyncadd.s32 $0xFFFFFF80  }
0x62: {  	[spmem:s3] =	stream.indirect.scatter.add.f32 [tilespmem:s29], [sflag:$0xA], $0x80, s26, s21, $0xb8;
	[tilespmem:$0x1DD80] =	vst v63  }
0x63: {  	s14 =	sor.u32 s14, s15;
	_ =	swait.ge [sflag:s6], $0x2800  }
0x64: {  	s14 =	sshrl.u32 s14, $0x3;
	[sflag:s6] =	ssyncset.done $0x0  }
0x65: {  	s14 =	sadd.s32 s5, s14;
	[sflag:s6] =	ssyncadd.s32 $0xFFFFD800  }
0x66: {  	[tilespmem:s20], [sflag:$0x3] =	stream.linear.gather [hbm4b:s14+s4], $0x80, $0x38;
	[tilespmem:$0x1DD80] =	vst v63  }
0x67: {  	s15 =	sadd.s32 $0xFFFFFF60, s13  }
0x68: {  	[tilespmem:s23], [sflag:$0x6] =	stream.indirect.gather [hbm4b:s1+s21], $0x80, s15, s21, $0xb8;
	[tilespmem:$0x1DD80] =	vst v63  }
0x69: {  	_ =	swait.ge [sflag:s24], $0x2800  }
0x6a: {  	p0 =	seq.s32 s12, $0x3F00;
	[sflag:s24] =	ssyncset.done $0x0  }
.Ltmp2:
0x6b: {  	[sflag:s24] =	ssyncadd.s32 $0xFFFFD800;
	(pc) =	sbr.rel @p0 .LBB2_4-.Ltmp2, $4  }
0x6c: {  	_ =	swait.ge [sflag:s25], $0x80  }
0x6d: {  	[sflag:s25] =	ssyncset.done $0x0  }
0x6e: {  	[sflag:s25] =	ssyncadd.s32 $0xFFFFFF80  }
0x6f: {  	[spmem:s3] =	stream.indirect.scatter.add.f32 [tilespmem:s22], [sflag:$0x8], $0x80, s19, s21, $0xb8;
	[tilespmem:$0x1DD80] =	vst v63  }
0x70: {  	s14 =	sadd.s32 $0xFFFFFF80, s12  }
0x71: {  	s15 =	sand.u32 $0xFC00, s14  }
0x72: {  	s14 =	sand.u32 $0x380, s14;
	s15 =	sadd.s32 s9, s15  }
0x73: {  	_ =	swait.ge [sflag:s7], $0x2800;
	s14 =	sor.u32 s14, s15  }
0x74: {  	[sflag:s7] =	ssyncset.done $0x0;
	s14 =	sshrl.u32 s14, $0x3  }
0x75: {  	[sflag:s7] =	ssyncadd.s32 $0xFFFFD800;
	s14 =	sadd.s32 s5, s14  }
0x76: {  	[tilespmem:s26], [sflag:$0x4] =	stream.linear.gather [hbm4b:s14+s4], $0x80, $0x38;
	[tilespmem:$0x1DD80] =	vst v63  }
0x77: {  	s15 =	sadd.s32 $0xFFFFFFB0, s13  }
0x78: {  	[tilespmem:s29], [sflag:$0x7] =	stream.indirect.gather [hbm4b:s1+s21], $0x80, s15, s21, $0xb8;
	[tilespmem:$0x1DD80] =	vst v63  }
0x79: {  	_ =	swait.ge [sflag:s30], $0x2800  }
0x7a: {  	[sflag:s30] =	ssyncset.done $0x0  }
0x7b: {  	[sflag:s30] =	ssyncadd.s32 $0xFFFFD800  }
0x7c: {  	_ =	swait.ge [sflag:s31], $0x80  }
0x7d: {  	s15 =	sand.u32 $0xFC00, s12;
	[sflag:s31] =	ssyncset.done $0x0  }
0x7e: {  	s14 =	sadd.s32 s9, s15;
	s15 =	sand.u32 $0x380, s12;
	[sflag:s31] =	ssyncadd.s32 $0xFFFFFF80  }
0x7f: {  	[spmem:s3] =	stream.indirect.scatter.add.f32 [tilespmem:s23], [sflag:$0x9], $0x80, s20, s21, $0xb8;
	[tilespmem:$0x1DD80] =	vst v63  }
0x80: {  	s14 =	sor.u32 s15, s14;
	_ =	swait.ge [sflag:s2], $0x2800  }
0x81: {  	s14 =	sshrl.u32 s14, $0x3;
	[sflag:s2] =	ssyncset.done $0x0  }
.Ltmp3:
0x82: {  	s14 =	sadd.s32 s5, s14;
	[sflag:s2] =	ssyncadd.s32 $0xFFFFD800;
	(pc) =	sbr.rel .LBB2_2-.Ltmp3, $4  }
0x83: {  	[tilespmem:s19], [sflag:$0x2] =	stream.linear.gather [hbm4b:s14+s4], $0x80, $0x38;
	[tilespmem:$0x1DD80] =	vst v63  }
0x84: {  	_ = 	snop  }
0x85: {  	[tilespmem:s22], [sflag:$0x5] =	stream.indirect.gather [hbm4b:s1+s21], $0x80, s13, s21, $0xb8;
	[tilespmem:$0x1DD80] =	vst v63  }
0x86: {  	s12 =	sadd.s32 $0x180, s12;
	s13 =	sadd.s32 $0xF0, s13  }
.LBB2_5:
0x87: {  	_ =	sfence.sel $0x180000  }
0x88: {  	[bflag:$0x0] =	sbarrier.arrive $0xFFFF  }
0x89: {  	_ =	strace $0x9000004A  }
0x8a: {  	s0 =	stileid.u32;
	[bflag:$0x2] =	sbarrier.arrive $0xFFFF  }
0x8b: {  	p0 =	sne.s32 s0, $0x0;
	s0 =	rddreg [dreg:$0x3]  }
0x8c: {  	s0 =	sadd.s32 @!p0 $0x100000, s0  }
0x8d: {  	[sflag:s0] =	ssyncadd.tile.s32 @!p0 $0x1;
	_ =	shalt  }
.Lfunc_end2:
_tile_overlayer_lowered:
.L_overlay_start_2:
0x8e: {  	(tag) =	ssettag $0x2  }
0x8f: {  	s0 =	rddreg [dreg:$0x0];
	s2 =	stileid.u32  }
0x90: {  	s1 =	rddreg [dreg:$0x1];
	p0 =	sne.s32 s2, $0x0  }
0x91: {  	s3 =	rddreg [dreg:$0x2];
	[bflag:$0x3] =	sbarrier.arrive $0xFFFF;
	s2 =	simm.s32 @!p0 $0x1C0B  }
0x92: {  	[timem:s3], [sflag:s2] =	dma.local @!p0 [hbm:s0], s1  }
0x93: {  	s0 =	simm.s32 @!p0 $0xB  }
0x94: {  	_ =	swait.ge @!p0 [sflag:s0], s1  }
0x95: {  	s1 =	ssub.s32 @!p0 $0x0, s1;
	[sflag:s0] =	ssyncset.done @!p0 $0x0  }
0x96: {  	[sflag:s0] =	ssyncadd.s32 @!p0 s1  }
0x97: {  	[bflag:$0x3] =	sbarrier.arrive $0xFFFF  }
0x98: {  	_ =	shalt  }

// kernel: kernel.17.cloned.1.call-start
scs
__scs_entry_jumppad:
0x0: {  	(pc) =	sbr.rel $0x88, $3  }
0x1: {  	(tag) =	ssettag $0x0;
	lr =	simm.s32 $0x1  }
0x2: {  	[smem:$0x3F87] =	sst lr;
	_ =	strace $0xD0000000  }
0x3: {  	_ = 	snop  }
0x4: {  	_ = 	snop  }
0x5: {  	_ = 	snop  }
0x6: {  	_ = 	snop  }
0x7: {  	_ = 	snop  }
__scs_overlays_trampoline_lowered:
0x8: {  	[smem:$0x3F96] =	sst s0  }
0x9: {  	[smem:$0x3F97] =	sst s1  }
0xa: {  	[smem:$0x3F98] =	sst s2  }
0xb: {  	[smem:$0x3F99] =	sst s3  }
0xc: {  	[smem:$0x3F9A] =	sst s4  }
0xd: {  	[smem:$0x3F9B] =	sst s5  }
0xe: {  	[smem:$0x3F9C] =	sst s6  }
0xf: {  	[smem:$0x3F9D] =	sst s7  }
0x10: {  	[smem:$0x3F9E] =	sst s8  }
0x11: {  	[smem:$0x3F9F] =	sst s9;
	s0 =	simm.s32 @!p0 $0x0  }
0x12: {  	s1 =	sld [smem:$0x3F85];
	s0 =	simm.s32 @p0 $0x1  }
0x13: {  	[smem:$0x3FA0] =	sst s0;
	s0 =	simm.s32 @!p1 $0x0  }
0x14: {  	s2 =	sld [smem:$0x3F84];
	s0 =	simm.s32 @p1 $0x1  }
0x15: {  	[smem:$0x3FA1] =	sst s0;
	s0 =	simm.s32 @!p2 $0x0  }
0x16: {  	s3 =	sld [smem:$0x3FDB];
	s0 =	simm.s32 @p2 $0x1  }
0x17: {  	s4 =	simm.s32 $0x1BF5;
	[smem:$0x3FA3] =	sst s0  }
0x18: {  	s0 =	sld [smem:$0x3F86];
	_ =	swait.ge [sflag:s4], $0x0  }
0x19: {  	s7 =	sld [smem:$0x3F87]  }
0x1a: {  	s8 =	sadd.s32 $0xFFFFE003, lr  }
0x1b: {  	s9 =	sadd.s32 $0xFFFFFEF7, lr;
	s5 =	simm.s32 $0xFFFFFFFF;
	p2 =	slt.u32 s8, $0xFFFFF086  }
0x1c: {  	p1 =	slt.u32 s9, $0xF7A;
	s5 =	simm.s32 @!p2 $0x0  }
0x1d: {  	s5 =	simm.s32 @p1 $0x1;
	p0 =	seq.s32 s7, s2  }
0x1e: {  	s7 =	smul.u32 @!p0 $0xF7A, s2;
	p2 =	seq.s32 @!p0 s5, $0x0  }
0x1f: {  	s9 =	smul.u32 $0xF7A, s1;
	s8 =	simm.s32 @!p0 $0x1BF5;
	p2 =	por !p2, p0  }
0x20: {  	[sflag:s8] =	ssyncset.s32 @!p0 $0xFFFFF086;
	s6 =	sadd.s32 @!p0 s3, s7;
	s7 =	simm.s32 @!p0 $0x108  }
0x21: {  	s3 =	sadd.s32 s3, s9;
	s6 =	sadd.s32 @!p0 $0x88, s6;
	s7 =	simm.s32 @p2 $0x1082  }
0x22: {  	[simem:s7], [sflag:s8] =	dma.local @!p0 [hbm:s6], $0xF7A  }
0x23: {  	s9 =	sor.u32 $0xD0000000, s2;
	s6 =	simm.s32 $0x108;
	_ =	swait.ge @!p0 [sflag:s8], $0x0  }
0x24: {  	s3 =	sadd.s32 $0x88, s3;
	s6 =	simm.s32 @!p1 $0x1082;
	[sflag:s4] =	ssyncset.s32 $0xFFFFF086  }
0x25: {  	[simem:s6], [sflag:s4] =	dma.local [hbm:s3], $0xF7A  }
0x26: {  	[smem:$0x3F87] =	sst s1;
	(tag) =	ssettag s2;
	_ =	strace s9  }
0x27: {  	s1 =	sld [smem:$0x3F97]  }
0x28: {  	s2 =	sld [smem:$0x3F98]  }
0x29: {  	s4 =	sld [smem:$0x3F9A]  }
0x2a: {  	p0 =	seq.s32 s5, $0x0;
	s5 =	sld [smem:$0x3F9B]  }
0x2b: {  	s6 =	sld [smem:$0x3F9C]  }
0x2c: {  	s7 =	sld [smem:$0x3F9D]  }
0x2d: {  	s3 =	simm.s32 $0x108;
	s8 =	sld [smem:$0x3F9E]  }
0x2e: {  	s3 =	simm.s32 @!p0 $0x1082;
	s9 =	sld [smem:$0x3F9F]  }
0x2f: {  	lr =	sadd.s32 s0, s3;
	s0 =	sld [smem:$0x3F96]  }
0x30: {  	s3 =	sld [smem:$0x3F99]  }
0x31: {  	[smem:$0x3FA2] =	sst s10  }
0x32: {  	s10 =	sld [smem:$0x3FA0];
	_ =	sdelay $0x3  }
0x33: {  	p0 =	seq.s32 s10, $0x1;
	s10 =	sld [smem:$0x3FA2];
	_ =	sdelay $0x3  }
0x34: {  	[smem:$0x3FA2] =	sst s10  }
0x35: {  	s10 =	sld [smem:$0x3FA1];
	_ =	sdelay $0x3  }
0x36: {  	p1 =	seq.s32 s10, $0x1;
	s10 =	sld [smem:$0x3FA2];
	_ =	sdelay $0x3  }
0x37: {  	[smem:$0x3FA2] =	sst s10  }
0x38: {  	s10 =	sld [smem:$0x3FA3]  }
0x39: {  	_ = 	snop;
	(pc) =	sbr.ind lr, $3  }
0x3a: {  	_ = 	snop  }
0x3b: {  	_ = 	snop  }
0x3c: {  	p2 =	seq.s32 s10, $0x1;
	s10 =	sld [smem:$0x3FA2]  }
0x3d: {  	_ =	shalt  }
0x3e: {  	_ =	shalt  }
0x3f: {  	_ =	shalt  }
0x40: {  	_ =	shalt  }
0x41: {  	_ =	shalt  }
0x42: {  	_ =	shalt  }
0x43: {  	_ =	shalt  }
0x44: {  	_ =	shalt  }
0x45: {  	_ =	shalt  }
0x46: {  	_ =	shalt  }
0x47: {  	_ =	shalt  }
0x48: {  	_ =	shalt  }
0x49: {  	_ =	shalt  }
0x4a: {  	_ =	shalt  }
0x4b: {  	_ =	shalt  }
0x4c: {  	_ =	shalt  }
0x4d: {  	_ =	shalt  }
0x4e: {  	_ =	shalt  }
0x4f: {  	_ =	shalt  }
0x50: {  	_ =	shalt  }
0x51: {  	_ =	shalt  }
0x52: {  	_ =	shalt  }
0x53: {  	_ =	shalt  }
0x54: {  	_ =	shalt  }
0x55: {  	_ =	shalt  }
0x56: {  	_ =	shalt  }
0x57: {  	_ =	shalt  }
0x58: {  	_ =	shalt  }
0x59: {  	_ =	shalt  }
0x5a: {  	_ =	shalt  }
0x5b: {  	_ =	shalt  }
0x5c: {  	_ =	shalt  }
0x5d: {  	_ =	shalt  }
0x5e: {  	_ =	shalt  }
0x5f: {  	_ =	shalt  }
0x60: {  	_ =	shalt  }
0x61: {  	_ =	shalt  }
0x62: {  	_ =	shalt  }
0x63: {  	_ =	shalt  }
0x64: {  	_ =	shalt  }
0x65: {  	_ =	shalt  }
0x66: {  	_ =	shalt  }
0x67: {  	_ =	shalt  }
0x68: {  	_ =	shalt  }
0x69: {  	_ =	shalt  }
0x6a: {  	_ =	shalt  }
0x6b: {  	_ =	shalt  }
0x6c: {  	_ =	shalt  }
0x6d: {  	_ =	shalt  }
0x6e: {  	_ =	shalt  }
0x6f: {  	_ =	shalt  }
0x70: {  	_ =	shalt  }
0x71: {  	_ =	shalt  }
0x72: {  	_ =	shalt  }
0x73: {  	_ =	shalt  }
0x74: {  	_ =	shalt  }
0x75: {  	_ =	shalt  }
0x76: {  	_ =	shalt  }
0x77: {  	_ =	shalt  }
0x78: {  	_ =	shalt  }
0x79: {  	_ =	shalt  }
0x7a: {  	_ =	shalt  }
0x7b: {  	_ =	shalt  }
0x7c: {  	_ =	shalt  }
0x7d: {  	_ =	shalt  }
0x7e: {  	_ =	shalt  }
0x7f: {  	_ =	shalt  }
0x80: {  	_ =	shalt  }
0x81: {  	_ =	shalt  }
0x82: {  	_ =	shalt  }
0x83: {  	_ =	shalt  }
0x84: {  	_ =	shalt  }
0x85: {  	_ =	shalt  }
0x86: {  	_ =	shalt  }
0x87: {  	_ =	shalt  }
.Lfunc_end0:
.L_simem_size_0:
called_computation.2_lowered:
.L_overlay_start_0:
0x88: {  	s2 =	sld [smem:$0x3FD9]  }
0x89: {  	s3 =	sld [smem:$0x3FFE];
	_ =	sdelay $0x1  }
0x8a: {  	s1 =	srdreg.scid  }
0x8b: {  	s0 =	sand.u32 $0x1, s1  }
0x8c: {  	s17 =	sshll.u32 s0, $0xA;
	s2 =	sadd.s32 s3, s2  }
0x8d: {  	s2 =	sadd.s32 s2, s17  }
0x8e: {  	[smem:$0x3FAE] =	sst s2  }
0x8f: {  	_ = 	snop  }
0x90: {  	s2 =	sld [smem:$0x3FD0];
	(tm) =	ssettm $0x1  }
0x91: {  	s18 =	sld [smem:$0x3FFB];
	_ =	sdelay $0x3  }
0x92: {  	_ =	strace s18  }
0x93: {  	s3 =	sld [smem:$0x3FFC];
	_ =	sdelay $0x3  }
0x94: {  	_ =	strace s3  }
0x95: {  	s3 =	sld [smem:$0x3FFD];
	_ =	sdelay $0x3  }
0x96: {  	_ =	strace s3  }
0x97: {  	_ =	strace $0x8FFFFFFF  }
0x98: {  	s19 =	sld [smem:$0x3FDB];
	_ =	sdelay $0x1  }
0x99: {  	s4 =	simm.s32 $_scs_section_size  }
0x9a: {  	s5 =	simm.s32 $_size__tile_overlayer_lowered;
	s6 =	simm.s32 $_tile_overlayer_lowered  }
0x9b: {  	s22 =	simm.s32 $0x1BFF;
	s21 =	sshll.u32 s6, $0x1;
	s3 =	sadd.s32 s4, s19  }
0x9c: {  	s7 =	simm.s32 $0x0;
	s20 =	sshll.u32 s5, $0x1;
	s5 =	sadd.s32 s21, s3  }
0x9d: {  	[timem:s7], [sflag:s22] =	dma.local [hbm:s5], s20  }
0x9e: {  	_ =	swait.ge [sflag:s22], s20  }
0x9f: {  	s4 =	ssub.s32 $0x0, s20;
	[sflag:s22] =	ssyncset.done $0x0  }
0xa0: {  	[sflag:s22] =	ssyncadd.s32 s4;
	_ =	sdelay $0x1  }
0xa1: {  	s23 =	simm.s32 $0x1B8B  }
0xa2: {  	_ =	swait.ge [sflag:s23], $0x1  }
0xa3: {  	[sflag:s23] =	ssyncset.done $0x0  }
0xa4: {  	s25 =	simm.s32 $0x1B8E;
	s24 =	sld [smem:$0x3FFE];
	[sflag:s23] =	ssyncadd.s32 $0xFFFFFFFF  }
0xa5: {  	s26 =	simm.s32 $execute0_lowered;
	[smem:$0x3FD2] =	sst s25  }
0xa6: {  	s5 =	sshll.u32 s26, $0x1;
	_ =	strace $0x8000004C;
	[dreg:$0x1] =	wrdreg $0xFFFFFFFF  }
0xa7: {  	s28 =	simm.s32 $_size_execute0_lowered;
	s3 =	sadd.s32 s3, s5;
	[dreg:$0x0] =	wrdreg $0x0  }
0xa8: {  	s5 =	sshll.u32 s28, $0x1;
	[dreg:$0x2] =	wrdreg s3  }
0xa9: {  	[dreg:$0x3] =	wrdreg s5  }
0xaa: {  	[dreg:$0x4] =	wrdreg $0xC0  }
0xab: {  	_ =	task [dreg:s7], $0x5FFFF  }
0xac: {  	[dreg:$0x1] =	wrdreg $0xFFFFFFFF  }
0xad: {  	[dreg:$0x0] =	wrdreg $0x60  }
0xae: {  	[dreg:$0x2] =	wrdreg s2  }
0xaf: {  	[dreg:$0x3] =	wrdreg s24  }
0xb0: {  	[dreg:$0x4] =	wrdreg $0xA1800  }
0xb1: {  	[dreg:$0x5] =	wrdreg $0x9  }
0xb2: {  	_ =	task.clear_ibuf [dreg:s7], $0x6FFFF;
	_ =	strace $0x9000004C  }
0xb3: {  	s29 =	simm.s32 $0x9;
	_ =	strace $0x8000004E  }
0xb4: {  	_ =	swait.ge [sflag:s29], $0x1  }
0xb5: {  	[sflag:s29] =	ssyncadd.s32 $0xFFFFFFFF  }
0xb6: {  	_ =	strace $0x9000004E  }
0xb7: {  	_ =	sfence  }
0xb8: {  	s30 =	sld [smem:$0x0];
	_ =	sdelay $0x2  }
0xb9: {  	s31 =	sshll.u32 s1, $0xD;
	s1 =	sshrl.u32 s1, $0x2  }
0xba: {  	s3 =	sand.u32 $0x4000, s31;
	s1 =	sadd.s32 s1, s30  }
0xbb: {  	s0 =	sor.u32 s3, s0;
	s1 =	sshll.u32 s1, $0x11  }
0xbc: {  	s0 =	sor.u32 s1, s0  }
0xbd: {  	s0 =	sadd.s32 $0x8F2B, s0  }
0xbe: {  	[sflag:s0] =	ssyncadd.remote.s32 $0x1  }
0xbf: {  	_ =	sfence.sel $0xFFFF  }
0xc0: {  	[dreg:$0x0] =	wrdreg $0xFFFFFFFF;
	(pc) =	sbr.abs _section_cstart, $3  }
0xc1: {  	[dreg:$0x1] =	wrdreg $0xFFFFFFFF  }
0xc2: {  	_ =	task.clear_ibuf [dreg:s7], $0x2FFFF;
	_ =	strace $0x9FFFFFFF  }
0xc3: {  	(tm) =	ssettm $0x7FFFFFFF  }
tec
execute0_lowered:
.L_overlay_start_1:
0x0: {  	(tag) =	ssettag $0x1  }
0x1: {  	s1 =	rddreg [dreg:$0x0]  }
0x2: {  	s0 =	srdreg.scid;
	s2 =	rddreg [dreg:$0x1]  }
0x3: {  	s12 =	stileid.u32;
	s3 =	rddreg [dreg:$0x2]  }
0x4: {  	s17 =	simm.s32 $0xB;
	s18 =	simm.s32 $0x1;
	s29 =	simm.s32 $0x7980  }
0x5: {  	s30 =	simm.s32 $0x6;
	s31 =	simm.s32 $0x3;
	s28 =	simm.s32 $0x7  }
0x6: {  	s0 =	sand.u32 $0x1, s0;
	s4 =	sshll.u32 s12, $0x1;
	s7 =	smul.u32 $0x2780, s12  }
0x7: {  	s8 =	smul.u32 $0x4F000, s12;
	s21 =	sshll.u32 s12, $0x6;
	s6 =	sor.u32 s0, s4  }
0x8: {  	s4 =	simm.s32 $0x0;
	s10 =	ssub.s32 $0x2, s0;
	p0 =	seq.s32 s0, $0x1  }
0x9: {  	s0 =	simm.s32 $0x6E800;
	s5 =	smul.u32 $0x4E2, s6;
	[smem:$0x7FF] =	sst s4  }
0xa: {  	s19 =	sshrl.u32 s10, $0x1;
	s8 =	sshrl.u32 s8, $0x2;
	s22 =	sshll.u32 s6, $0xB  }
0xb: {  	s0 =	simm.s32 @!p0 $0x47000;
	_ =	strace $0x8000004D;
	s11 =	sadd.s32 s8, s3  }
0xc: {  	s8 =	sor.u32 $0x1C0B, s21;
	s21 =	simm.s32 $0x50;
	s9 =	sadd.s32 s5, s2  }
0xd: {  	s5 =	sadd.s32 $0xF800, s2;
	s2 =	sadd.s32 s7, s2;
	s7 =	ssub.s32 s10, s19  }
0xe: {  	s16 =	sshrl.u32 s11, $0x3;
	s19 =	simm.s32 $0x2780;
	s11 =	simm.s32 $0x0  }
0xf: {  	s9 =	sadd.s32 $0x5A00, s9;
	s20 =	sadd.s32 $0x1F800, s2;
	s10 =	sadd.s32 s5, s22  }
0x10: {  	s26 =	smax.u32 s7, $0x1;
	s0 =	sadd.s32 s0, s2;
	[dreg:$0x4] =	wrdreg s9  }
0x11: {  	s22 =	simm.s32 $0x2980;
	s2 =	simm.s32 $0x8;
	[dreg:$0x5] =	wrdreg s20  }
0x12: {  	s7 =	simm.s32 $0xA;
	s9 =	sshll.u32 s6, $0xE;
	[dreg:$0x9] =	wrdreg s26  }
.Ltmp0:
0x13: {  	s23 =	sadd.s32 $0x10, s10;
	[dreg:$0xa] =	wrdreg s0;
	(pc) =	sbr.rel .LBB2_1-.Ltmp0, $4  }
0x14: {  	s24 =	sadd.s32 $0x20, s10;
	s25 =	sadd.s32 $0x30, s10;
	[dreg:$0x6] =	wrdreg s23  }
0x15: {  	s20 =	simm.s32 $0x2800;
	s26 =	simm.s32 $0x2880;
	[dreg:$0x7] =	wrdreg s24  }
0x16: {  	s0 =	simm.s32 $0x4;
	s6 =	simm.s32 $0x9;
	[dreg:$0x8] =	wrdreg s25  }
0x17: {  	s23 =	simm.s32 $0x5180;
	s24 =	simm.s32 $0x5;
	s25 =	simm.s32 $0x2  }
.LBB2_4:
0x18: {  	_ =	swait.ge [sflag:s30], $0x2800  }
0x19: {  	[sflag:s30] =	ssyncset.done $0x0  }
0x1a: {  	[sflag:s30] =	ssyncadd.s32 $0xFFFFD800  }
0x1b: {  	_ =	swait.ge [sflag:s31], $0x80  }
0x1c: {  	[sflag:s31] =	ssyncset.done $0x0  }
0x1d: {  	[sflag:s31] =	ssyncadd.s32 $0xFFFFFF80  }
0x1e: {  	[spmem:s3] =	stream.indirect.scatter.add.f32 [tilespmem:s23], [sflag:$0x9], $0x80, s20, s21, $0xb8;
	[tilespmem:$0x1DD80] =	vst v63  }
0x1f: {  	_ =	swait.ge [sflag:s7], $0x2800  }
0x20: {  	[sflag:s7] =	ssyncset.done $0x0  }
0x21: {  	[sflag:s7] =	ssyncadd.s32 $0xFFFFD800  }
0x22: {  	_ =	swait.ge [sflag:s2], $0x2800  }
0x23: {  	[sflag:s2] =	ssyncset.done $0x0  }
0x24: {  	[sflag:s2] =	ssyncadd.s32 $0xFFFFD800  }
0x25: {  	_ =	swait.ge [sflag:s6], $0x2800  }
0x26: {  	[sflag:s6] =	ssyncset.done $0x0  }
0x27: {  	[sflag:s6] =	ssyncadd.s32 $0xFFFFD800  }
0x28: {  	[bflag:$0x0] =	sbarrier.arrive $0xFFFF  }
0x29: {  	s12 =	rddreg [dreg:$0xa]  }
0x2a: {  	[hbm:s12], [sflag:s8] =	dma.local [spmem:s16], $0x2780  }
0x2b: {  	_ =	swait.ge [sflag:s17], $0x2780  }
0x2c: {  	s11 =	sadd.s32 $0x1, s11;
	s15 =	rddreg [dreg:$0x9]  }
0x2d: {  	p0 =	sne.s32 s11, s15  }
.Ltmp1:
0x2e: {  	_ = 	snop;
	(pc) =	sbr.rel @!p0 .LBB2_5-.Ltmp1, $3  }
0x2f: {  	_ =	sdelay $0x1  }
0x30: {  	[sflag:s17] =	ssyncset.done $0x0  }
0x31: {  	[sflag:s17] =	ssyncadd.s32 $0xFFFFD880  }
.LBB2_1:
0x32: {  	s12 =	rddreg [dreg:$0x4]  }
0x33: {  	s13 =	rddreg [dreg:$0x5]  }
0x34: {  	[tilespmem:s4], [sflag:$0x1] =	stream.linear.gather [hbm4b:s12+s4], $0x2710, $0x38;
	[tilespmem:$0x1DD80] =	vst v63  }
0x35: {  	[spmem:s16], [sflag:s8] =	dma.local [hbm:s13], $0x2780  }
0x36: {  	_ =	swait.ge [sflag:s17], $0x2780  }
0x37: {  	[sflag:s17] =	ssyncset.done $0x0  }
0x38: {  	[sflag:s17] =	ssyncadd.s32 $0xFFFFD880  }
0x39: {  	_ =	swait.ge [sflag:s18], $0x2710  }
0x3a: {  	[sflag:s18] =	ssyncset.done $0x0  }
0x3b: {  	[sflag:s18] =	ssyncadd.s32 $0xFFFFD8F0  }
0x3c: {  	[bflag:$0x0] =	sbarrier.arrive $0xFFFF  }
0x3d: {  	[tilespmem:s19], [sflag:$0x2] =	stream.linear.gather [hbm4b:s10+s4], $0x80, $0x38;
	[tilespmem:$0x1DD80] =	vst v63  }
0x3e: {  	s14 =	rddreg [dreg:$0x6]  }
0x3f: {  	[tilespmem:s20], [sflag:$0x3] =	stream.linear.gather [hbm4b:s14+s4], $0x80, $0x38;
	[tilespmem:$0x1DD80] =	vst v63  }
0x40: {  	_ = 	snop  }
0x41: {  	[tilespmem:s22], [sflag:$0x5] =	stream.indirect.gather [hbm4b:s1+s21], $0x80, s4, s21, $0xb8;
	[tilespmem:$0x1DD80] =	vst v63  }
0x42: {  	_ = 	snop  }
0x43: {  	[tilespmem:s23], [sflag:$0x6] =	stream.indirect.gather [hbm4b:s1+s21], $0x80, s21, s21, $0xb8;
	[tilespmem:$0x1DD80] =	vst v63  }
0x44: {  	_ =	swait.ge [sflag:s24], $0x2800  }
0x45: {  	[sflag:s24] =	ssyncset.done $0x0  }
0x46: {  	[sflag:s24] =	ssyncadd.s32 $0xFFFFD800  }
0x47: {  	_ =	swait.ge [sflag:s25], $0x80  }
0x48: {  	[sflag:s25] =	ssyncset.done $0x0  }
0x49: {  	[sflag:s25] =	ssyncadd.s32 $0xFFFFFF80  }
0x4a: {  	[spmem:s3] =	stream.indirect.scatter.add.f32 [tilespmem:s22], [sflag:$0x8], $0x80, s19, s21, $0xb8;
	[tilespmem:$0x1DD80] =	vst v63  }
0x4b: {  	s15 =	rddreg [dreg:$0x7]  }
0x4c: {  	[tilespmem:s26], [sflag:$0x4] =	stream.linear.gather [hbm4b:s15+s4], $0x80, $0x38;
	[tilespmem:$0x1DD80] =	vst v63  }
0x4d: {  	s13 =	simm.s32 $0xA0  }
0x4e: {  	[tilespmem:s29], [sflag:$0x7] =	stream.indirect.gather [hbm4b:s1+s21], $0x80, s13, s21, $0xb8;
	[tilespmem:$0x1DD80] =	vst v63  }
0x4f: {  	_ =	swait.ge [sflag:s30], $0x2800  }
0x50: {  	[sflag:s30] =	ssyncset.done $0x0  }
0x51: {  	[sflag:s30] =	ssyncadd.s32 $0xFFFFD800  }
0x52: {  	_ =	swait.ge [sflag:s31], $0x80  }
0x53: {  	[sflag:s31] =	ssyncset.done $0x0  }
0x54: {  	[sflag:s31] =	ssyncadd.s32 $0xFFFFFF80  }
0x55: {  	[spmem:s3] =	stream.indirect.scatter.add.f32 [tilespmem:s23], [sflag:$0x9], $0x80, s20, s21, $0xb8;
	[tilespmem:$0x1DD80] =	vst v63  }
0x56: {  	_ =	swait.ge [sflag:s2], $0x2800  }
0x57: {  	[sflag:s2] =	ssyncset.done $0x0  }
0x58: {  	s14 =	rddreg [dreg:$0x8];
	[sflag:s2] =	ssyncadd.s32 $0xFFFFD800  }
0x59: {  	[tilespmem:s19], [sflag:$0x2] =	stream.linear.gather [hbm4b:s14+s4], $0x80, $0x38;
	[tilespmem:$0x1DD80] =	vst v63  }
0x5a: {  	s12 =	simm.s32 $0x300;
	s15 =	simm.s32 $0xF0;
	s13 =	simm.s32 $0x1E0  }
0x5b: {  	[tilespmem:s22], [sflag:$0x5] =	stream.indirect.gather [hbm4b:s1+s21], $0x80, s15, s21, $0xb8;
	[tilespmem:$0x1DD80] =	vst v63  }
.LBB2_2:
0x5c: {  	_ =	swait.ge [sflag:s28], $0x2800  }
0x5d: {  	[sflag:s28] =	ssyncset.done $0x0  }
0x5e: {  	[sflag:s28] =	ssyncadd.s32 $0xFFFFD800  }
0x5f: {  	s14 =	sadd.s32 $0xFFFFFF00, s12;
	_ =	swait.ge [sflag:s0], $0x80  }
0x60: {  	s15 =	sand.u32 $0xFC00, s14;
	[sflag:s0] =	ssyncset.done $0x0  }
0x61: {  	s14 =	sand.u32 $0x380, s14;
	s15 =	sadd.s32 s9, s15;
	[sflag:s0] =	ssyncadd.s32 $0xFFFFFF80  }
0x62: {  	[spmem:s3] =	stream.indirect.scatter.add.f32 [tilespmem:s29], [sflag:$0xA], $0x80, s26, s21, $0xb8;
	[tilespmem:$0x1DD80] =	vst v63  }
0x63: {  	s14 =	sor.u32 s14, s15;
	_ =	swait.ge [sflag:s6], $0x2800  }
0x64: {  	s14 =	sshrl.u32 s14, $0x3;
	[sflag:s6] =	ssyncset.done $0x0  }
0x65: {  	s14 =	sadd.s32 s5, s14;
	[sflag:s6] =	ssyncadd.s32 $0xFFFFD800  }
0x66: {  	[tilespmem:s20], [sflag:$0x3] =	stream.linear.gather [hbm4b:s14+s4], $0x80, $0x38;
	[tilespmem:$0x1DD80] =	vst v63  }
0x67: {  	s15 =	sadd.s32 $0xFFFFFF60, s13  }
0x68: {  	[tilespmem:s23], [sflag:$0x6] =	stream.indirect.gather [hbm4b:s1+s21], $0x80, s15, s21, $0xb8;
	[tilespmem:$0x1DD80] =	vst v63  }
0x69: {  	_ =	swait.ge [sflag:s24], $0x2800  }
0x6a: {  	p0 =	seq.s32 s12, $0x3F00;
	[sflag:s24] =	ssyncset.done $0x0  }
.Ltmp2:
0x6b: {  	[sflag:s24] =	ssyncadd.s32 $0xFFFFD800;
	(pc) =	sbr.rel @p0 .LBB2_4-.Ltmp2, $4  }
0x6c: {  	_ =	swait.ge [sflag:s25], $0x80  }
0x6d: {  	[sflag:s25] =	ssyncset.done $0x0  }
0x6e: {  	[sflag:s25] =	ssyncadd.s32 $0xFFFFFF80  }
0x6f: {  	[spmem:s3] =	stream.indirect.scatter.add.f32 [tilespmem:s22], [sflag:$0x8], $0x80, s19, s21, $0xb8;
	[tilespmem:$0x1DD80] =	vst v63  }
0x70: {  	s14 =	sadd.s32 $0xFFFFFF80, s12  }
0x71: {  	s15 =	sand.u32 $0xFC00, s14  }
0x72: {  	s14 =	sand.u32 $0x380, s14;
	s15 =	sadd.s32 s9, s15  }
0x73: {  	_ =	swait.ge [sflag:s7], $0x2800;
	s14 =	sor.u32 s14, s15  }
0x74: {  	[sflag:s7] =	ssyncset.done $0x0;
	s14 =	sshrl.u32 s14, $0x3  }
0x75: {  	[sflag:s7] =	ssyncadd.s32 $0xFFFFD800;
	s14 =	sadd.s32 s5, s14  }
0x76: {  	[tilespmem:s26], [sflag:$0x4] =	stream.linear.gather [hbm4b:s14+s4], $0x80, $0x38;
	[tilespmem:$0x1DD80] =	vst v63  }
0x77: {  	s15 =	sadd.s32 $0xFFFFFFB0, s13  }
0x78: {  	[tilespmem:s29], [sflag:$0x7] =	stream.indirect.gather [hbm4b:s1+s21], $0x80, s15, s21, $0xb8;
	[tilespmem:$0x1DD80] =	vst v63  }
0x79: {  	_ =	swait.ge [sflag:s30], $0x2800  }
0x7a: {  	[sflag:s30] =	ssyncset.done $0x0  }
0x7b: {  	[sflag:s30] =	ssyncadd.s32 $0xFFFFD800  }
0x7c: {  	_ =	swait.ge [sflag:s31], $0x80  }
0x7d: {  	s15 =	sand.u32 $0xFC00, s12;
	[sflag:s31] =	ssyncset.done $0x0  }
0x7e: {  	s14 =	sadd.s32 s9, s15;
	s15 =	sand.u32 $0x380, s12;
	[sflag:s31] =	ssyncadd.s32 $0xFFFFFF80  }
0x7f: {  	[spmem:s3] =	stream.indirect.scatter.add.f32 [tilespmem:s23], [sflag:$0x9], $0x80, s20, s21, $0xb8;
	[tilespmem:$0x1DD80] =	vst v63  }
0x80: {  	s14 =	sor.u32 s15, s14;
	_ =	swait.ge [sflag:s2], $0x2800  }
0x81: {  	s14 =	sshrl.u32 s14, $0x3;
	[sflag:s2] =	ssyncset.done $0x0  }
.Ltmp3:
0x82: {  	s14 =	sadd.s32 s5, s14;
	[sflag:s2] =	ssyncadd.s32 $0xFFFFD800;
	(pc) =	sbr.rel .LBB2_2-.Ltmp3, $4  }
0x83: {  	[tilespmem:s19], [sflag:$0x2] =	stream.linear.gather [hbm4b:s14+s4], $0x80, $0x38;
	[tilespmem:$0x1DD80] =	vst v63  }
0x84: {  	_ = 	snop  }
0x85: {  	[tilespmem:s22], [sflag:$0x5] =	stream.indirect.gather [hbm4b:s1+s21], $0x80, s13, s21, $0xb8;
	[tilespmem:$0x1DD80] =	vst v63  }
0x86: {  	s12 =	sadd.s32 $0x180, s12;
	s13 =	sadd.s32 $0xF0, s13  }
.LBB2_5:
0x87: {  	_ =	sfence.sel $0x180000  }
0x88: {  	[bflag:$0x0] =	sbarrier.arrive $0xFFFF  }
0x89: {  	_ =	strace $0x9000004D  }
0x8a: {  	s0 =	stileid.u32;
	[bflag:$0x2] =	sbarrier.arrive $0xFFFF  }
0x8b: {  	p0 =	sne.s32 s0, $0x0;
	s0 =	rddreg [dreg:$0x3]  }
0x8c: {  	s0 =	sadd.s32 @!p0 $0x100000, s0  }
0x8d: {  	[sflag:s0] =	ssyncadd.tile.s32 @!p0 $0x1;
	_ =	shalt  }
.Lfunc_end2:
_tile_overlayer_lowered:
.L_overlay_start_2:
0x8e: {  	(tag) =	ssettag $0x2  }
0x8f: {  	s0 =	rddreg [dreg:$0x0];
	s2 =	stileid.u32  }
0x90: {  	s1 =	rddreg [dreg:$0x1];
	p0 =	sne.s32 s2, $0x0  }
0x91: {  	s3 =	rddreg [dreg:$0x2];
	[bflag:$0x3] =	sbarrier.arrive $0xFFFF;
	s2 =	simm.s32 @!p0 $0x1C0B  }
0x92: {  	[timem:s3], [sflag:s2] =	dma.local @!p0 [hbm:s0], s1  }
0x93: {  	s0 =	simm.s32 @!p0 $0xB  }
0x94: {  	_ =	swait.ge @!p0 [sflag:s0], s1  }
0x95: {  	s1 =	ssub.s32 @!p0 $0x0, s1;
	[sflag:s0] =	ssyncset.done @!p0 $0x0  }
0x96: {  	[sflag:s0] =	ssyncadd.s32 @!p0 s1  }
0x97: {  	[bflag:$0x3] =	sbarrier.arrive $0xFFFF  }
0x98: {  	_ =	shalt  }

</sc_bundles>
